<compile_context>
chip_gen: v7x
topology: tpu7x:2x2x1
jax: 0.10.2.dev20260603
libtpu: 0.0.44.dev20260713+nightly
codegen_flags: <defaults>
</compile_context>

<pallas_src>
import functools

import jax
import jax.numpy as jnp
from jax import lax
from jax.experimental import pallas as pl
from jax.experimental.pallas import tpu as pltpu
from jax.experimental.pallas import tpu_sc as plsc

N_NODES = 10000
N_EDGES = 160000
E_CHUNK = 128
NC = 2
NS = 16

_SC_MESH = plsc.VectorSubcoreMesh(
    core_axis_name="c", subcore_axis_name="s", num_cores=NC, num_subcores=NS
)


def _deg_body(dst_hbm, out0_hbm, out1_hbm, dst_v, ones_v, zer_v, deg_sh, sem):
    c = lax.axis_index("c")
    s = lax.axis_index("s")
    del sem

    @pl.loop(0, E_CHUNK // 16)
    def _(i):
        ones_v[pl.ds(i * 16, 16)] = jnp.ones((16,), jnp.float32)

    @pl.when(s == 0)
    def _():
        @pl.loop(0, N_NODES // 16)
        def _(i):
            zer_v[pl.ds(i * 16, 16)] = jnp.zeros((16,), jnp.float32)

        pltpu.sync_copy(zer_v, deg_sh)

    plsc.subcore_barrier()

    nchunk = (N_EDGES // NC) // E_CHUNK
    base_e = c * (N_EDGES // NC)

    @pl.loop(0, (nchunk + NS - 1) // NS)
    def _(j):
        cid = s + j * NS

        @pl.when(cid < nchunk)
        def _():
            off = base_e + cid * E_CHUNK
            pltpu.sync_copy(dst_hbm.at[pl.ds(off, E_CHUNK)], dst_v)
            pltpu.sync_copy(ones_v, deg_sh.at[dst_v], add=True)

    plsc.subcore_barrier()

    @pl.when(jnp.logical_and(s == 0, c == 0))
    def _():
        pltpu.sync_copy(deg_sh, out0_hbm)

    @pl.when(jnp.logical_and(s == 0, c == 1))
    def _():
        pltpu.sync_copy(deg_sh, out1_hbm)


_deg_call = pl.kernel(
    _deg_body,
    out_type=(
        jax.ShapeDtypeStruct((N_NODES,), jnp.float32),
        jax.ShapeDtypeStruct((N_NODES,), jnp.float32),
    ),
    mesh=_SC_MESH,
    scratch_types=[
        pltpu.VMEM((E_CHUNK,), jnp.int32),
        pltpu.VMEM((E_CHUNK,), jnp.float32),
        pltpu.VMEM((N_NODES,), jnp.float32),
        pltpu.VMEM_SHARED((N_NODES,), jnp.float32),
        pltpu.SemaphoreType.DMA,
    ],
)


def _make_agg(width):
    rows_per_tile = 624
    tail_base = 15 * rows_per_tile + rows_per_tile

    def body(glo, ghi, src_hbm, dst_hbm, alo, ahi, src_v, dst_v, rows_v,
             acc_sh, sem):
        c = lax.axis_index("c")
        s = lax.axis_index("s")

        @pl.loop(0, E_CHUNK)
        def _(r):
            for i in range(width // 16):
                rows_v[r, pl.ds(i * 16, 16)] = jnp.zeros((16,), jnp.float32)

        base = s * rows_per_tile

        @pl.loop(0, 4)
        def _(k):
            pltpu.sync_copy(rows_v, acc_sh.at[pl.ds(base + k * E_CHUNK,
                                                    E_CHUNK)])

        pltpu.sync_copy(rows_v.at[pl.ds(0, 112)],
                        acc_sh.at[pl.ds(base + 512, 112)])

        @pl.when(s == NS - 1)
        def _():
            pltpu.sync_copy(rows_v.at[pl.ds(0, 16)],
                            acc_sh.at[pl.ds(tail_base, 16)])

        plsc.subcore_barrier()

        nchunk = N_EDGES // E_CHUNK

        @pl.loop(0, (nchunk + NS - 1) // NS)
        def _(j):
            cid = s + j * NS

            @pl.when(cid < nchunk)
            def _():
                off = cid * E_CHUNK
                pltpu.sync_copy(src_hbm.at[pl.ds(off, E_CHUNK)], src_v)
                pltpu.sync_copy(dst_hbm.at[pl.ds(off, E_CHUNK)], dst_v)

                @pl.when(c == 0)
                def _():
                    pltpu.async_copy(glo.at[src_v], rows_v, sem).wait()

                @pl.when(c == 1)
                def _():
                    pltpu.async_copy(ghi.at[src_v], rows_v, sem).wait()

                pltpu.sync_copy(rows_v, acc_sh.at[dst_v], add=True)

        plsc.subcore_barrier()

        tile_rows = pl.ds(base, rows_per_tile)
        tail_rows = pl.ds(tail_base, 16)

        @pl.when(c == 0)
        def _():
            pltpu.sync_copy(acc_sh.at[tile_rows], alo.at[tile_rows])

            @pl.when(s == NS - 1)
            def _():
                pltpu.sync_copy(acc_sh.at[tail_rows], alo.at[tail_rows])

        @pl.when(c == 1)
        def _():
            pltpu.sync_copy(acc_sh.at[tile_rows], ahi.at[tile_rows])

            @pl.when(s == NS - 1)
            def _():
                pltpu.sync_copy(acc_sh.at[tail_rows], ahi.at[tail_rows])

    return pl.kernel(
        body,
        out_type=(
            jax.ShapeDtypeStruct((N_NODES, width), jnp.float32),
            jax.ShapeDtypeStruct((N_NODES, width), jnp.float32),
        ),
        mesh=_SC_MESH,
        scratch_types=[
            pltpu.VMEM((E_CHUNK,), jnp.int32),
            pltpu.VMEM((E_CHUNK,), jnp.int32),
            pltpu.VMEM((E_CHUNK, width), jnp.float32),
            pltpu.VMEM_SHARED((N_NODES, width), jnp.float32),
            pltpu.SemaphoreType.DMA,
        ],
    )


_agg128 = _make_agg(128)


def _agg_pad_body(gp, src_hbm, dst_hbm, p0, p1, src_v, dst_v, rows_v,
                  acc_sh, sem):
    width = 128
    rows_per_tile = 624
    tail_base = 9984
    c = lax.axis_index("c")
    s = lax.axis_index("s")

    @pl.loop(0, E_CHUNK)
    def _(r):
        for i in range(width // 16):
            rows_v[r, pl.ds(i * 16, 16)] = jnp.zeros((16,), jnp.float32)

    base = s * rows_per_tile

    @pl.loop(0, 4)
    def _(k):
        pltpu.sync_copy(rows_v, acc_sh.at[pl.ds(base + k * E_CHUNK, E_CHUNK)])

    pltpu.sync_copy(rows_v.at[pl.ds(0, 112)],
                    acc_sh.at[pl.ds(base + 512, 112)])

    @pl.when(s == NS - 1)
    def _():
        pltpu.sync_copy(rows_v.at[pl.ds(0, 16)],
                        acc_sh.at[pl.ds(tail_base, 16)])

    plsc.subcore_barrier()

    nchunk = (N_EDGES // NC) // E_CHUNK
    base_e = c * (N_EDGES // NC)

    @pl.loop(0, (nchunk + NS - 1) // NS)
    def _(j):
        cid = s + j * NS

        @pl.when(cid < nchunk)
        def _():
            off = base_e + cid * E_CHUNK
            pltpu.sync_copy(src_hbm.at[pl.ds(off, E_CHUNK)], src_v)
            pltpu.sync_copy(dst_hbm.at[pl.ds(off, E_CHUNK)], dst_v)
            pltpu.async_copy(gp.at[src_v], rows_v, sem).wait()
            pltpu.sync_copy(rows_v, acc_sh.at[dst_v], add=True)

    plsc.subcore_barrier()

    tile_rows = pl.ds(base, rows_per_tile)
    tail_rows = pl.ds(tail_base, 16)

    @pl.when(c == 0)
    def _():
        pltpu.sync_copy(acc_sh.at[tile_rows], p0.at[tile_rows])

        @pl.when(s == NS - 1)
        def _():
            pltpu.sync_copy(acc_sh.at[tail_rows], p0.at[tail_rows])

    @pl.when(c == 1)
    def _():
        pltpu.sync_copy(acc_sh.at[tile_rows], p1.at[tile_rows])

        @pl.when(s == NS - 1)
        def _():
            pltpu.sync_copy(acc_sh.at[tail_rows], p1.at[tail_rows])


_agg_pad = pl.kernel(
    _agg_pad_body,
    out_type=(
        jax.ShapeDtypeStruct((N_NODES, 128), jnp.float32),
        jax.ShapeDtypeStruct((N_NODES, 128), jnp.float32),
    ),
    mesh=_SC_MESH,
    scratch_types=[
        pltpu.VMEM((E_CHUNK,), jnp.int32),
        pltpu.VMEM((E_CHUNK,), jnp.int32),
        pltpu.VMEM((E_CHUNK, 128), jnp.float32),
        pltpu.VMEM_SHARED((N_NODES, 128), jnp.float32),
        pltpu.SemaphoreType.DMA,
    ],
)


_BN = 2000


def _dis_of(dp_ref):
    deg = dp_ref[:, 0:1] + dp_ref[:, 1:2] + 1.0
    return lax.rsqrt(deg)


def _k1_body(dp_ref, x_ref, w_ref, glo_ref, ghi_ref):
    dis = _dis_of(dp_ref)
    h = jnp.dot(x_ref[...], w_ref[...], preferred_element_type=jnp.float32)
    g = h * dis
    half = g.shape[1] // 2
    glo_ref[...] = g[:, :half]
    ghi_ref[...] = g[:, half:]


def _mid_body(dp_ref, alo_ref, ahi_ref, glo_ref, ghi_ref, w_ref, b_ref,
              olo_ref, ohi_ref):
    dis = _dis_of(dp_ref)
    accf = jnp.concatenate([alo_ref[...], ahi_ref[...]], axis=1)
    gf = jnp.concatenate([glo_ref[...], ghi_ref[...]], axis=1)
    z = jnp.maximum(dis * (accf + gf) + b_ref[...], 0.0)
    h = jnp.dot(z, w_ref[...], preferred_element_type=jnp.float32)
    g = h * dis
    half = g.shape[1] // 2
    olo_ref[...] = g[:, :half]
    ohi_ref[...] = g[:, half:]


def _k3_body(dp_ref, alo_ref, ahi_ref, glo_ref, ghi_ref, w_ref, b_ref,
             out_ref):
    dis = _dis_of(dp_ref)
    accf = jnp.concatenate([alo_ref[...], ahi_ref[...]], axis=1)
    gf = jnp.concatenate([glo_ref[...], ghi_ref[...]], axis=1)
    z = jnp.maximum(dis * (accf + gf) + b_ref[...], 0.0)
    h = jnp.dot(z, w_ref[...], preferred_element_type=jnp.float32)
    g = h * dis
    out_ref[...] = jnp.concatenate([g, jnp.zeros_like(g)], axis=1)


def _k4_body(dp_ref, p0_ref, p1_ref, gp_ref, b_ref, out_ref):
    dis = _dis_of(dp_ref)
    dout = b_ref.shape[1]
    accf = p0_ref[...][:, :dout] + p1_ref[...][:, :dout]
    gf = gp_ref[...][:, :dout]
    z = dis * (accf + gf) + b_ref[...]
    m = jnp.max(z, axis=1, keepdims=True)
    out_ref[...] = z - m - jnp.log(jnp.sum(jnp.exp(z - m), axis=1,
                                           keepdims=True))


def _node_spec(width):
    return pl.BlockSpec((_BN, width), lambda i: (i, 0))


def _full_spec(shape):
    return pl.BlockSpec(shape, lambda i: (0, 0))


def _k1_call(dp, x, w):
    din, dout = w.shape
    half = dout // 2
    return pl.pallas_call(
        _k1_body,
        grid=(N_NODES // _BN,),
        in_specs=[_node_spec(2), _node_spec(din), _full_spec(w.shape)],
        out_specs=(_node_spec(half), _node_spec(half)),
        out_shape=(
            jax.ShapeDtypeStruct((N_NODES, half), jnp.float32),
            jax.ShapeDtypeStruct((N_NODES, half), jnp.float32),
        ),
    )(dp, x, w)


def _mid_call(dp, alo, ahi, glo, ghi, w, b):
    din, dout = w.shape
    hin = din // 2
    half = dout // 2
    return pl.pallas_call(
        _mid_body,
        grid=(N_NODES // _BN,),
        in_specs=[
            _node_spec(2),
            _node_spec(hin), _node_spec(hin),
            _node_spec(hin), _node_spec(hin),
            _full_spec(w.shape), _full_spec((1, din)),
        ],
        out_specs=(_node_spec(half), _node_spec(half)),
        out_shape=(
            jax.ShapeDtypeStruct((N_NODES, half), jnp.float32),
            jax.ShapeDtypeStruct((N_NODES, half), jnp.float32),
        ),
    )(dp, alo, ahi, glo, ghi, w, b.reshape(1, din))


def _k3_call(dp, alo, ahi, glo, ghi, w, b):
    din = w.shape[0]
    hin = din // 2
    return pl.pallas_call(
        _k3_body,
        grid=(N_NODES // _BN,),
        in_specs=[
            _node_spec(2),
            _node_spec(hin), _node_spec(hin),
            _node_spec(hin), _node_spec(hin),
            _full_spec(w.shape), _full_spec((1, din)),
        ],
        out_specs=_node_spec(128),
        out_shape=jax.ShapeDtypeStruct((N_NODES, 128), jnp.float32),
    )(dp, alo, ahi, glo, ghi, w, b.reshape(1, din))


def _k4_call(dp, p0, p1, gp, b):
    dout = b.shape[0]
    return pl.pallas_call(
        _k4_body,
        grid=(N_NODES // _BN,),
        in_specs=[
            _node_spec(2),
            _node_spec(128), _node_spec(128), _node_spec(128),
            _full_spec((1, dout)),
        ],
        out_specs=_node_spec(dout),
        out_shape=jax.ShapeDtypeStruct((N_NODES, dout), jnp.float32),
    )(dp, p0, p1, gp, b.reshape(1, dout))


def kernel(x, edge_index, W1, b1, W2, b2, W3, b3):
    src = edge_index[0]
    dst = edge_index[1]

    deg0, deg1 = _deg_call(dst)
    dp = jnp.stack([deg0, deg1], axis=1)

    g1lo, g1hi = _k1_call(dp, x, W1)
    a1lo, a1hi = _agg128(g1lo, g1hi, src, dst)
    g2lo, g2hi = _mid_call(dp, a1lo, a1hi, g1lo, g1hi, W2, b1)
    a2lo, a2hi = _agg128(g2lo, g2hi, src, dst)
    g3p = _k3_call(dp, a2lo, a2hi, g2lo, g2hi, W3, b2)
    p0, p1 = _agg_pad(g3p, src, dst)
    return _k4_call(dp, p0, p1, g3p, b3)

# --- scband reference (transcript-rebuilt; emitter-appended) ---
"""Pipeline reference for scband-gnnmodel-9242769622274 (READ-ONLY COPY).

The authoritative reference and input builder live on the scoring server;
editing this copy changes nothing except your own understanding.
"""

import jax, jax.numpy as jnp
import numpy as np

N = 10000
E = 160000
D = 256
H = 256
O = 64


def gcn_layer(x, W, b, src, dst, n):
    # x' = x @ W, then symmetric-normalized sum aggregation with self-loops (PyG GCNConv default)
    x = x @ W
    loop = jnp.arange(n, dtype=src.dtype)
    s = jnp.concatenate([src, loop])
    d = jnp.concatenate([dst, loop])
    deg = jax.ops.segment_sum(jnp.ones(s.shape[0], dtype=x.dtype), d, num_segments=n)
    deg_inv_sqrt = jnp.where(deg > 0, 1.0 / jnp.sqrt(deg), 0.0)
    norm = deg_inv_sqrt[s] * deg_inv_sqrt[d]
    msg = x[s] * norm[:, None]
    out = jax.ops.segment_sum(msg, d, num_segments=n)
    return out + b


def setup_inputs(seed: int = 0):
    key = jax.random.key(seed)
    ks = jax.random.split(key, 8)
    x = jax.random.normal(ks[0], (N, D), dtype=jnp.float32)
    edge_index = jax.random.randint(ks[1], (2, E), 0, N, dtype=jnp.int32)
    W1 = jax.random.normal(ks[2], (D, H), dtype=jnp.float32) * (1.0 / np.sqrt(D))
    b1 = jnp.zeros((H,), dtype=jnp.float32)
    W2 = jax.random.normal(ks[3], (H, H), dtype=jnp.float32) * (1.0 / np.sqrt(H))
    b2 = jnp.zeros((H,), dtype=jnp.float32)
    W3 = jax.random.normal(ks[4], (H, O), dtype=jnp.float32) * (1.0 / np.sqrt(H))
    b3 = jnp.zeros((O,), dtype=jnp.float32)
    return {"x": x, "edge_index": edge_index, "W1": W1, "b1": b1, "W2": W2, "b2": b2, "W3": W3, "b3": b3}


def reference(x, edge_index, W1, b1, W2, b2, W3, b3):
    src = edge_index[0]
    dst = edge_index[1]
    n = x.shape[0]
    h = gcn_layer(x, W1, b1, src, dst, n)
    h = jax.nn.relu(h)
    # dropout is identity in eval mode
    h = gcn_layer(h, W2, b2, src, dst, n)
    h = jax.nn.relu(h)
    h = gcn_layer(h, W3, b3, src, dst, n)
    return jax.nn.log_softmax(h, axis=1)

if __name__ == "__main__":
    import jax
    _d = setup_inputs()
    print(jax.jit(kernel)(*tuple(_d.values())))

</pallas_src>

<mosaic_0001>
#map = affine_map<(d0, d1) -> (0)>
module attributes {stable_mosaic.version = 14 : i64} {
  func.func @_deg_body(%arg0: i32, %arg1: i32, %arg2: memref<160000xi32, #tpu.memory_space<hbm>>, %arg3: memref<10000xf32, #tpu.memory_space<hbm>>, %arg4: memref<10000xf32, #tpu.memory_space<hbm>>, %arg5: memref<128xi32, #tpu.memory_space<vmem>>, %arg6: memref<128xf32, #tpu.memory_space<vmem>>, %arg7: memref<10000xf32, #tpu.memory_space<vmem>>, %arg8: memref<10000xf32, #tpu.memory_space<vmem_shared>>, %arg9: memref<!tpu.dma_semaphore, #tpu.memory_space<semaphore_mem>>) attributes {dimension_semantics = [#tpu.dimension_semantics<core_parallel>, #tpu.dimension_semantics<subcore_parallel>], iteration_bounds = array<i64: 2, 16>, scalar_prefetch = 0 : i64, scratch_operands = 5 : i64, tpu.core_type = #tpu.core_type<sc_vector_subcore>, window_params = [{transform_indices = #map}, {transform_indices = #map}, {transform_indices = #map}]} {
    %scan3A = arith.constant 0 : i32
    %scan3A_0 = arith.constant 8 : i32
    %scan3A_1 = arith.addi %scan3A, %scan3A_0 : i32
    %scan3A_2 = arith.constant 1 : i32
    scf.for %scan3A_28 = %scan3A to %scan3A_1 step %scan3A_2  : i32 {
      %mul3A_29 = arith.constant 1 : i32
      %mul3A_30 = arith.muli %scan3A_28, %mul3A_29 : i32
      %add3A = arith.constant 0 : i32
      %add3A_31 = arith.addi %add3A, %mul3A_30 : i32
      %broadcast_in_dim3A = arith.constant 1.000000e+00 : f32
      %broadcast_in_dim3A_32 = vector.broadcast %broadcast_in_dim3A : f32 to vector<16xf32>
      %mul3A_33 = arith.constant 16 : i32
      %mul3A_34 = arith.muli %add3A_31, %mul3A_33 : i32
      %swap3A = arith.index_cast %mul3A_34 : i32 to index
      %swap3A_35 = tpu.vector_load %arg6[%swap3A] {strides = array<i32>} : memref<128xf32, #tpu.memory_space<vmem>>, vector<16xf32>,
      %swap3A_36 = vector.shape_cast %swap3A_35 : vector<16xf32> to vector<16xf32>
      %swap3A_37 = vector.shape_cast %broadcast_in_dim3A_32 : vector<16xf32> to vector<16xf32>
      tpu.vector_store %arg6[%swap3A], %swap3A_37 {strides = array<i32>} : memref<128xf32, #tpu.memory_space<vmem>>, vector<16xf32>,
    }
    %scan3A_3 = arith.constant 8 : i32
    %eq3A = arith.constant 0 : i32
    %eq3A_4 = arith.cmpi eq, %arg1, %eq3A : i32
    %convert_element_type3A = arith.extui %eq3A_4 : i1 to i32
    %cond3A = arith.constant 0 : i32
    %cond3A_5 = arith.cmpi ne, %convert_element_type3A, %cond3A : i32
    scf.if %cond3A_5 {
      %scan3A_28 = arith.constant 0 : i32
      %scan3A_29 = arith.constant 625 : i32
      %scan3A_30 = arith.addi %scan3A_28, %scan3A_29 : i32
      %scan3A_31 = arith.constant 1 : i32
      scf.for %scan3A_33 = %scan3A_28 to %scan3A_30 step %scan3A_31  : i32 {
        %mul3A_34 = arith.constant 1 : i32
        %mul3A_35 = arith.muli %scan3A_33, %mul3A_34 : i32
        %add3A = arith.constant 0 : i32
        %add3A_36 = arith.addi %add3A, %mul3A_35 : i32
        %broadcast_in_dim3A = arith.constant 0.000000e+00 : f32
        %broadcast_in_dim3A_37 = vector.broadcast %broadcast_in_dim3A : f32 to vector<16xf32>
        %mul3A_38 = arith.constant 16 : i32
        %mul3A_39 = arith.muli %add3A_36, %mul3A_38 : i32
        %swap3A = arith.index_cast %mul3A_39 : i32 to index
        %swap3A_40 = tpu.vector_load %arg7[%swap3A] {strides = array<i32>} : memref<10000xf32, #tpu.memory_space<vmem>>, vector<16xf32>,
        %swap3A_41 = vector.shape_cast %swap3A_40 : vector<16xf32> to vector<16xf32>
        %swap3A_42 = vector.shape_cast %broadcast_in_dim3A_37 : vector<16xf32> to vector<16xf32>
        tpu.vector_store %arg7[%swap3A], %swap3A_42 {strides = array<i32>} : memref<10000xf32, #tpu.memory_space<vmem>>, vector<16xf32>,
      }
      %scan3A_32 = arith.constant 625 : i32
      "tpu.region"() ({
        %run_scoped3A = tpu.sem_alloc : memref<!tpu.dma_semaphore, #tpu.memory_space<semaphore_mem>>
        tpu.enqueue_dma source(%arg7 : memref<10000xf32, #tpu.memory_space<vmem>>) target(%arg8 : memref<10000xf32, #tpu.memory_space<vmem_shared>>) target_semaphore(%run_scoped3A : memref<!tpu.dma_semaphore, #tpu.memory_space<semaphore_mem>>)
        tpu.wait_dma2 semaphore(%run_scoped3A : memref<!tpu.dma_semaphore, #tpu.memory_space<semaphore_mem>>) src(%arg7 : memref<10000xf32, #tpu.memory_space<vmem>>) dst(%arg8 : memref<10000xf32, #tpu.memory_space<vmem_shared>>)
        tpu.yield
      }) : () -> ()
    } else {
    }
    %barrier3A = arith.constant 0 : index
    tpu.barrier barrier_id(%barrier3A)
    %mul3A = arith.constant 80000 : i32
    %mul3A_6 = arith.muli %arg0, %mul3A : i32
    %scan3A_7 = arith.constant 0 : i32
    %scan3A_8 = arith.constant 40 : i32
    %scan3A_9 = arith.addi %scan3A_7, %scan3A_8 : i32
    %scan3A_10 = arith.constant 1 : i32
    scf.for %scan3A_28 = %scan3A_7 to %scan3A_9 step %scan3A_10  : i32 {
      %mul3A_29 = arith.constant 1 : i32
      %mul3A_30 = arith.muli %scan3A_28, %mul3A_29 : i32
      %add3A = arith.constant 0 : i32
      %add3A_31 = arith.addi %add3A, %mul3A_30 : i32
      %mul3A_32 = arith.constant 16 : i32
      %mul3A_33 = arith.muli %add3A_31, %mul3A_32 : i32
      %add3A_34 = arith.addi %arg1, %mul3A_33 : i32
      %lt3A = arith.constant 625 : i32
      %lt3A_35 = arith.cmpi slt, %add3A_34, %lt3A : i32
      %convert_element_type3A_36 = arith.extui %lt3A_35 : i1 to i32
      %cond3A_37 = arith.constant 0 : i32
      %cond3A_38 = arith.cmpi ne, %convert_element_type3A_36, %cond3A_37 : i32
      scf.if %cond3A_38 {
        %mul3A_39 = arith.constant 128 : i32
        %mul3A_40 = arith.muli %add3A_34, %mul3A_39 : i32
        %add3A_41 = arith.addi %mul3A_6, %mul3A_40 : i32
        "tpu.region"() ({
          %run_scoped3A = tpu.sem_alloc : memref<!tpu.dma_semaphore, #tpu.memory_space<semaphore_mem>>
          %dma_start3A = tpu.memref_slice %arg2[%add3A_41] : memref<160000xi32, #tpu.memory_space<hbm>> -> memref<128xi32, #tpu.memory_space<hbm>>
          %dma_start3A_42 = tpu.memref_slice %arg2[%add3A_41] : memref<160000xi32, #tpu.memory_space<hbm>> -> memref<128xi32, #tpu.memory_space<hbm>>
          tpu.enqueue_dma source(%dma_start3A_42 : memref<128xi32, #tpu.memory_space<hbm>>) target(%arg5 : memref<128xi32, #tpu.memory_space<vmem>>) target_semaphore(%run_scoped3A : memref<!tpu.dma_semaphore, #tpu.memory_space<semaphore_mem>>)
          %dma_wait3A = tpu.memref_slice %arg2[%add3A_41] : memref<160000xi32, #tpu.memory_space<hbm>> -> memref<128xi32, #tpu.memory_space<hbm>>
          %dma_wait3A_43 = tpu.memref_slice %arg2[%add3A_41] : memref<160000xi32, #tpu.memory_space<hbm>> -> memref<128xi32, #tpu.memory_space<hbm>>
          tpu.wait_dma2 semaphore(%run_scoped3A : memref<!tpu.dma_semaphore, #tpu.memory_space<semaphore_mem>>) src(%dma_wait3A_43 : memref<128xi32, #tpu.memory_space<hbm>>) dst(%arg5 : memref<128xi32, #tpu.memory_space<vmem>>)
          tpu.yield
        }) : () -> ()
        "tpu.region"() ({
          %run_scoped3A = tpu.sem_alloc : memref<!tpu.dma_semaphore, #tpu.memory_space<semaphore_mem>>
          %dma_start3A = arith.constant 0 : i32
          %dma_start3A_42 = tpu.memref_slice %arg8[%dma_start3A] : memref<10000xf32, #tpu.memory_space<vmem_shared>> -> memref<10000xf32, #tpu.memory_space<vmem_shared>>
          tpu.enqueue_indirect_dma source(%arg6 : memref<128xf32, #tpu.memory_space<vmem>>) target(%dma_start3A_42 : memref<10000xf32, #tpu.memory_space<vmem_shared>>) offsets(%arg5 : memref<128xi32, #tpu.memory_space<vmem>>) semaphore(%run_scoped3A : memref<!tpu.dma_semaphore, #tpu.memory_space<semaphore_mem>>) {add = true}
          %dma_wait3A = arith.constant 0 : i32
          %dma_wait3A_43 = tpu.memref_slice %arg8[%dma_wait3A] : memref<10000xf32, #tpu.memory_space<vmem_shared>> -> memref<10000xf32, #tpu.memory_space<vmem_shared>>
          tpu.wait_indirect_dma semaphore(%run_scoped3A : memref<!tpu.dma_semaphore, #tpu.memory_space<semaphore_mem>>) src(%arg6 : memref<128xf32, #tpu.memory_space<vmem>>) dst(%dma_wait3A_43 : memref<10000xf32, #tpu.memory_space<vmem_shared>>)
          tpu.yield
        }) : () -> ()
      } else {
      }
    }
    %scan3A_11 = arith.constant 40 : i32
    %barrier3A_12 = arith.constant 0 : index
    tpu.barrier barrier_id(%barrier3A_12)
    %eq3A_13 = arith.constant 0 : i32
    %eq3A_14 = arith.cmpi eq, %arg1, %eq3A_13 : i32
    %eq3A_15 = arith.constant 0 : i32
    %eq3A_16 = arith.cmpi eq, %arg0, %eq3A_15 : i32
    %and3A = arith.andi %eq3A_14, %eq3A_16 : i1
    %convert_element_type3A_17 = arith.extui %and3A : i1 to i32
    %cond3A_18 = arith.constant 0 : i32
    %cond3A_19 = arith.cmpi ne, %convert_element_type3A_17, %cond3A_18 : i32
    scf.if %cond3A_19 {
      "tpu.region"() ({
        %run_scoped3A = tpu.sem_alloc : memref<!tpu.dma_semaphore, #tpu.memory_space<semaphore_mem>>
        tpu.enqueue_dma source(%arg8 : memref<10000xf32, #tpu.memory_space<vmem_shared>>) target(%arg3 : memref<10000xf32, #tpu.memory_space<hbm>>) target_semaphore(%run_scoped3A : memref<!tpu.dma_semaphore, #tpu.memory_space<semaphore_mem>>)
        tpu.wait_dma2 semaphore(%run_scoped3A : memref<!tpu.dma_semaphore, #tpu.memory_space<semaphore_mem>>) src(%arg8 : memref<10000xf32, #tpu.memory_space<vmem_shared>>) dst(%arg3 : memref<10000xf32, #tpu.memory_space<hbm>>)
        tpu.yield
      }) : () -> ()
    } else {
    }
    %eq3A_20 = arith.constant 0 : i32
    %eq3A_21 = arith.cmpi eq, %arg1, %eq3A_20 : i32
    %eq3A_22 = arith.constant 1 : i32
    %eq3A_23 = arith.cmpi eq, %arg0, %eq3A_22 : i32
    %and3A_24 = arith.andi %eq3A_21, %eq3A_23 : i1
    %convert_element_type3A_25 = arith.extui %and3A_24 : i1 to i32
    %cond3A_26 = arith.constant 0 : i32
    %cond3A_27 = arith.cmpi ne, %convert_element_type3A_25, %cond3A_26 : i32
    scf.if %cond3A_27 {
      "tpu.region"() ({
        %run_scoped3A = tpu.sem_alloc : memref<!tpu.dma_semaphore, #tpu.memory_space<semaphore_mem>>
        tpu.enqueue_dma source(%arg8 : memref<10000xf32, #tpu.memory_space<vmem_shared>>) target(%arg4 : memref<10000xf32, #tpu.memory_space<hbm>>) target_semaphore(%run_scoped3A : memref<!tpu.dma_semaphore, #tpu.memory_space<semaphore_mem>>)
        tpu.wait_dma2 semaphore(%run_scoped3A : memref<!tpu.dma_semaphore, #tpu.memory_space<semaphore_mem>>) src(%arg8 : memref<10000xf32, #tpu.memory_space<vmem_shared>>) dst(%arg4 : memref<10000xf32, #tpu.memory_space<hbm>>)
        tpu.yield
      }) : () -> ()
    } else {
    }
    return
  }
}

#map = affine_map<(d0, d1) -> (0, 0)>
#map1 = affine_map<(d0, d1) -> (0)>
module attributes {stable_mosaic.version = 14 : i64} {
  func.func @body(%arg0: i32, %arg1: i32, %arg2: memref<10000x128xf32, #tpu.memory_space<hbm>>, %arg3: memref<10000x128xf32, #tpu.memory_space<hbm>>, %arg4: memref<160000xi32, #tpu.memory_space<hbm>>, %arg5: memref<160000xi32, #tpu.memory_space<hbm>>, %arg6: memref<10000x128xf32, #tpu.memory_space<hbm>>, %arg7: memref<10000x128xf32, #tpu.memory_space<hbm>>, %arg8: memref<128xi32, #tpu.memory_space<vmem>>, %arg9: memref<128xi32, #tpu.memory_space<vmem>>, %arg10: memref<128x128xf32, #tpu.memory_space<vmem>>, %arg11: memref<10000x128xf32, #tpu.memory_space<vmem_shared>>, %arg12: memref<!tpu.dma_semaphore, #tpu.memory_space<semaphore_mem>>) attributes {dimension_semantics = [#tpu.dimension_semantics<core_parallel>, #tpu.dimension_semantics<subcore_parallel>], iteration_bounds = array<i64: 2, 16>, scalar_prefetch = 0 : i64, scratch_operands = 5 : i64, tpu.core_type = #tpu.core_type<sc_vector_subcore>, window_params = [{transform_indices = #map}, {transform_indices = #map}, {transform_indices = #map1}, {transform_indices = #map1}, {transform_indices = #map}, {transform_indices = #map}]} {
    %scan3A = arith.constant 0 : i32
    %scan3A_0 = arith.constant 128 : i32
    %scan3A_1 = arith.addi %scan3A, %scan3A_0 : i32
    %scan3A_2 = arith.constant 1 : i32
    scf.for %scan3A_29 = %scan3A to %scan3A_1 step %scan3A_2  : i32 {
      %mul3A_30 = arith.constant 1 : i32
      %mul3A_31 = arith.muli %scan3A_29, %mul3A_30 : i32
      %add3A_32 = arith.constant 0 : i32
      %add3A_33 = arith.addi %add3A_32, %mul3A_31 : i32
      %broadcast_in_dim3A = arith.constant 0.000000e+00 : f32
      %broadcast_in_dim3A_34 = vector.broadcast %broadcast_in_dim3A : f32 to vector<16xf32>
      %swap3A = arith.index_cast %add3A_33 : i32 to index
      %swap3A_35 = arith.constant 0 : index
      %swap3A_36 = tpu.vector_load %arg10[%swap3A, %swap3A_35] {strides = array<i32>} : memref<128x128xf32, #tpu.memory_space<vmem>>, vector<1x16xf32>,
      %swap3A_37 = vector.shape_cast %swap3A_36 : vector<1x16xf32> to vector<16xf32>
      %swap3A_38 = vector.shape_cast %broadcast_in_dim3A_34 : vector<16xf32> to vector<1x16xf32>
      tpu.vector_store %arg10[%swap3A, %swap3A_35], %swap3A_38 {strides = array<i32>} : memref<128x128xf32, #tpu.memory_space<vmem>>, vector<1x16xf32>,
      %broadcast_in_dim3A_39 = arith.constant 0.000000e+00 : f32
      %broadcast_in_dim3A_40 = vector.broadcast %broadcast_in_dim3A_39 : f32 to vector<16xf32>
      %swap3A_41 = arith.index_cast %add3A_33 : i32 to index
      %swap3A_42 = arith.constant 16 : index
      %swap3A_43 = tpu.vector_load %arg10[%swap3A_41, %swap3A_42] {strides = array<i32>} : memref<128x128xf32, #tpu.memory_space<vmem>>, vector<1x16xf32>,
      %swap3A_44 = vector.shape_cast %swap3A_43 : vector<1x16xf32> to vector<16xf32>
      %swap3A_45 = vector.shape_cast %broadcast_in_dim3A_40 : vector<16xf32> to vector<1x16xf32>
      tpu.vector_store %arg10[%swap3A_41, %swap3A_42], %swap3A_45 {strides = array<i32>} : memref<128x128xf32, #tpu.memory_space<vmem>>, vector<1x16xf32>,
      %broadcast_in_dim3A_46 = arith.constant 0.000000e+00 : f32
      %broadcast_in_dim3A_47 = vector.broadcast %broadcast_in_dim3A_46 : f32 to vector<16xf32>
      %swap3A_48 = arith.index_cast %add3A_33 : i32 to index
      %swap3A_49 = arith.constant 32 : index
      %swap3A_50 = tpu.vector_load %arg10[%swap3A_48, %swap3A_49] {strides = array<i32>} : memref<128x128xf32, #tpu.memory_space<vmem>>, vector<1x16xf32>,
      %swap3A_51 = vector.shape_cast %swap3A_50 : vector<1x16xf32> to vector<16xf32>
      %swap3A_52 = vector.shape_cast %broadcast_in_dim3A_47 : vector<16xf32> to vector<1x16xf32>
      tpu.vector_store %arg10[%swap3A_48, %swap3A_49], %swap3A_52 {strides = array<i32>} : memref<128x128xf32, #tpu.memory_space<vmem>>, vector<1x16xf32>,
      %broadcast_in_dim3A_53 = arith.constant 0.000000e+00 : f32
      %broadcast_in_dim3A_54 = vector.broadcast %broadcast_in_dim3A_53 : f32 to vector<16xf32>
      %swap3A_55 = arith.index_cast %add3A_33 : i32 to index
      %swap3A_56 = arith.constant 48 : index
      %swap3A_57 = tpu.vector_load %arg10[%swap3A_55, %swap3A_56] {strides = array<i32>} : memref<128x128xf32, #tpu.memory_space<vmem>>, vector<1x16xf32>,
      %swap3A_58 = vector.shape_cast %swap3A_57 : vector<1x16xf32> to vector<16xf32>
      %swap3A_59 = vector.shape_cast %broadcast_in_dim3A_54 : vector<16xf32> to vector<1x16xf32>
      tpu.vector_store %arg10[%swap3A_55, %swap3A_56], %swap3A_59 {strides = array<i32>} : memref<128x128xf32, #tpu.memory_space<vmem>>, vector<1x16xf32>,
      %broadcast_in_dim3A_60 = arith.constant 0.000000e+00 : f32
      %broadcast_in_dim3A_61 = vector.broadcast %broadcast_in_dim3A_60 : f32 to vector<16xf32>
      %swap3A_62 = arith.index_cast %add3A_33 : i32 to index
      %swap3A_63 = arith.constant 64 : index
      %swap3A_64 = tpu.vector_load %arg10[%swap3A_62, %swap3A_63] {strides = array<i32>} : memref<128x128xf32, #tpu.memory_space<vmem>>, vector<1x16xf32>,
      %swap3A_65 = vector.shape_cast %swap3A_64 : vector<1x16xf32> to vector<16xf32>
      %swap3A_66 = vector.shape_cast %broadcast_in_dim3A_61 : vector<16xf32> to vector<1x16xf32>
      tpu.vector_store %arg10[%swap3A_62, %swap3A_63], %swap3A_66 {strides = array<i32>} : memref<128x128xf32, #tpu.memory_space<vmem>>, vector<1x16xf32>,
      %broadcast_in_dim3A_67 = arith.constant 0.000000e+00 : f32
      %broadcast_in_dim3A_68 = vector.broadcast %broadcast_in_dim3A_67 : f32 to vector<16xf32>
      %swap3A_69 = arith.index_cast %add3A_33 : i32 to index
      %swap3A_70 = arith.constant 80 : index
      %swap3A_71 = tpu.vector_load %arg10[%swap3A_69, %swap3A_70] {strides = array<i32>} : memref<128x128xf32, #tpu.memory_space<vmem>>, vector<1x16xf32>,
      %swap3A_72 = vector.shape_cast %swap3A_71 : vector<1x16xf32> to vector<16xf32>
      %swap3A_73 = vector.shape_cast %broadcast_in_dim3A_68 : vector<16xf32> to vector<1x16xf32>
      tpu.vector_store %arg10[%swap3A_69, %swap3A_70], %swap3A_73 {strides = array<i32>} : memref<128x128xf32, #tpu.memory_space<vmem>>, vector<1x16xf32>,
      %broadcast_in_dim3A_74 = arith.constant 0.000000e+00 : f32
      %broadcast_in_dim3A_75 = vector.broadcast %broadcast_in_dim3A_74 : f32 to vector<16xf32>
      %swap3A_76 = arith.index_cast %add3A_33 : i32 to index
      %swap3A_77 = arith.constant 96 : index
      %swap3A_78 = tpu.vector_load %arg10[%swap3A_76, %swap3A_77] {strides = array<i32>} : memref<128x128xf32, #tpu.memory_space<vmem>>, vector<1x16xf32>,
      %swap3A_79 = vector.shape_cast %swap3A_78 : vector<1x16xf32> to vector<16xf32>
      %swap3A_80 = vector.shape_cast %broadcast_in_dim3A_75 : vector<16xf32> to vector<1x16xf32>
      tpu.vector_store %arg10[%swap3A_76, %swap3A_77], %swap3A_80 {strides = array<i32>} : memref<128x128xf32, #tpu.memory_space<vmem>>, vector<1x16xf32>,
      %broadcast_in_dim3A_81 = arith.constant 0.000000e+00 : f32
      %broadcast_in_dim3A_82 = vector.broadcast %broadcast_in_dim3A_81 : f32 to vector<16xf32>
      %swap3A_83 = arith.index_cast %add3A_33 : i32 to index
      %swap3A_84 = arith.constant 112 : index
      %swap3A_85 = tpu.vector_load %arg10[%swap3A_83, %swap3A_84] {strides = array<i32>} : memref<128x128xf32, #tpu.memory_space<vmem>>, vector<1x16xf32>,
      %swap3A_86 = vector.shape_cast %swap3A_85 : vector<1x16xf32> to vector<16xf32>
      %swap3A_87 = vector.shape_cast %broadcast_in_dim3A_82 : vector<16xf32> to vector<1x16xf32>
      tpu.vector_store %arg10[%swap3A_83, %swap3A_84], %swap3A_87 {strides = array<i32>} : memref<128x128xf32, #tpu.memory_space<vmem>>, vector<1x16xf32>,
    }
    %scan3A_3 = arith.constant 128 : i32
    %mul3A = arith.constant 624 : i32
    %mul3A_4 = arith.muli %arg1, %mul3A : i32
    %scan3A_5 = arith.constant 0 : i32
    %scan3A_6 = arith.constant 4 : i32
    %scan3A_7 = arith.addi %scan3A_5, %scan3A_6 : i32
    %scan3A_8 = arith.constant 1 : i32
    scf.for %scan3A_29 = %scan3A_5 to %scan3A_7 step %scan3A_8  : i32 {
      %mul3A_30 = arith.constant 1 : i32
      %mul3A_31 = arith.muli %scan3A_29, %mul3A_30 : i32
      %add3A_32 = arith.constant 0 : i32
      %add3A_33 = arith.addi %add3A_32, %mul3A_31 : i32
      %mul3A_34 = arith.constant 128 : i32
      %mul3A_35 = arith.muli %add3A_33, %mul3A_34 : i32
      %add3A_36 = arith.addi %mul3A_4, %mul3A_35 : i32
      "tpu.region"() ({
        %run_scoped3A = tpu.sem_alloc : memref<!tpu.dma_semaphore, #tpu.memory_space<semaphore_mem>>
        %dma_start3A = arith.constant 0 : i32
        %dma_start3A_37 = tpu.memref_slice %arg11[%add3A_36, %dma_start3A] : memref<10000x128xf32, #tpu.memory_space<vmem_shared>> -> memref<128x128xf32, #tpu.memory_space<vmem_shared>>
        %dma_start3A_38 = arith.constant 0 : i32
        %dma_start3A_39 = tpu.memref_slice %arg11[%add3A_36, %dma_start3A_38] : memref<10000x128xf32, #tpu.memory_space<vmem_shared>> -> memref<128x128xf32, #tpu.memory_space<vmem_shared>>
        tpu.enqueue_dma source(%arg10 : memref<128x128xf32, #tpu.memory_space<vmem>>) target(%dma_start3A_39 : memref<128x128xf32, #tpu.memory_space<vmem_shared>>) target_semaphore(%run_scoped3A : memref<!tpu.dma_semaphore, #tpu.memory_space<semaphore_mem>>)
        %dma_wait3A = arith.constant 0 : i32
        %dma_wait3A_40 = tpu.memref_slice %arg11[%add3A_36, %dma_wait3A] : memref<10000x128xf32, #tpu.memory_space<vmem_shared>> -> memref<128x128xf32, #tpu.memory_space<vmem_shared>>
        %dma_wait3A_41 = arith.constant 0 : i32
        %dma_wait3A_42 = tpu.memref_slice %arg11[%add3A_36, %dma_wait3A_41] : memref<10000x128xf32, #tpu.memory_space<vmem_shared>> -> memref<128x128xf32, #tpu.memory_space<vmem_shared>>
        tpu.wait_dma2 semaphore(%run_scoped3A : memref<!tpu.dma_semaphore, #tpu.memory_space<semaphore_mem>>) src(%arg10 : memref<128x128xf32, #tpu.memory_space<vmem>>) dst(%dma_wait3A_42 : memref<128x128xf32, #tpu.memory_space<vmem_shared>>)
        tpu.yield
      }) : () -> ()
    }
    %scan3A_9 = arith.constant 4 : i32
    %add3A = arith.constant 512 : i32
    %add3A_10 = arith.addi %mul3A_4, %add3A : i32
    "tpu.region"() ({
      %run_scoped3A = tpu.sem_alloc : memref<!tpu.dma_semaphore, #tpu.memory_space<semaphore_mem>>
      %dma_start3A = arith.constant 0 : i32
      %dma_start3A_29 = arith.constant 0 : i32
      %dma_start3A_30 = tpu.memref_slice %arg10[%dma_start3A, %dma_start3A_29] : memref<128x128xf32, #tpu.memory_space<vmem>> -> memref<112x128xf32, #tpu.memory_space<vmem>>
      %dma_start3A_31 = arith.constant 0 : i32
      %dma_start3A_32 = tpu.memref_slice %arg11[%add3A_10, %dma_start3A_31] : memref<10000x128xf32, #tpu.memory_space<vmem_shared>> -> memref<112x128xf32, #tpu.memory_space<vmem_shared>>
      %dma_start3A_33 = arith.constant 0 : i32
      %dma_start3A_34 = tpu.memref_slice %arg11[%add3A_10, %dma_start3A_33] : memref<10000x128xf32, #tpu.memory_space<vmem_shared>> -> memref<112x128xf32, #tpu.memory_space<vmem_shared>>
      %dma_start3A_35 = arith.constant 0 : i32
      %dma_start3A_36 = arith.constant 0 : i32
      %dma_start3A_37 = tpu.memref_slice %arg10[%dma_start3A_35, %dma_start3A_36] : memref<128x128xf32, #tpu.memory_space<vmem>> -> memref<112x128xf32, #tpu.memory_space<vmem>>
      tpu.enqueue_dma source(%dma_start3A_37 : memref<112x128xf32, #tpu.memory_space<vmem>>) target(%dma_start3A_34 : memref<112x128xf32, #tpu.memory_space<vmem_shared>>) target_semaphore(%run_scoped3A : memref<!tpu.dma_semaphore, #tpu.memory_space<semaphore_mem>>)
      %dma_wait3A = arith.constant 0 : i32
      %dma_wait3A_38 = arith.constant 0 : i32
      %dma_wait3A_39 = tpu.memref_slice %arg10[%dma_wait3A, %dma_wait3A_38] : memref<128x128xf32, #tpu.memory_space<vmem>> -> memref<112x128xf32, #tpu.memory_space<vmem>>
      %dma_wait3A_40 = arith.constant 0 : i32
      %dma_wait3A_41 = tpu.memref_slice %arg11[%add3A_10, %dma_wait3A_40] : memref<10000x128xf32, #tpu.memory_space<vmem_shared>> -> memref<112x128xf32, #tpu.memory_space<vmem_shared>>
      %dma_wait3A_42 = arith.constant 0 : i32
      %dma_wait3A_43 = tpu.memref_slice %arg11[%add3A_10, %dma_wait3A_42] : memref<10000x128xf32, #tpu.memory_space<vmem_shared>> -> memref<112x128xf32, #tpu.memory_space<vmem_shared>>
      %dma_wait3A_44 = arith.constant 0 : i32
      %dma_wait3A_45 = arith.constant 0 : i32
      %dma_wait3A_46 = tpu.memref_slice %arg10[%dma_wait3A_44, %dma_wait3A_45] : memref<128x128xf32, #tpu.memory_space<vmem>> -> memref<112x128xf32, #tpu.memory_space<vmem>>
      tpu.wait_dma2 semaphore(%run_scoped3A : memref<!tpu.dma_semaphore, #tpu.memory_space<semaphore_mem>>) src(%dma_wait3A_46 : memref<112x128xf32, #tpu.memory_space<vmem>>) dst(%dma_wait3A_43 : memref<112x128xf32, #tpu.memory_space<vmem_shared>>)
      tpu.yield
    }) : () -> ()
    %eq3A = arith.constant 15 : i32
    %eq3A_11 = arith.cmpi eq, %arg1, %eq3A : i32
    %convert_element_type3A = arith.extui %eq3A_11 : i1 to i32
    %cond3A = arith.constant 0 : i32
    %cond3A_12 = arith.cmpi ne, %convert_element_type3A, %cond3A : i32
    scf.if %cond3A_12 {
      "tpu.region"() ({
        %run_scoped3A = tpu.sem_alloc : memref<!tpu.dma_semaphore, #tpu.memory_space<semaphore_mem>>
        %dma_start3A = arith.constant 0 : i32
        %dma_start3A_29 = arith.constant 0 : i32
        %dma_start3A_30 = tpu.memref_slice %arg10[%dma_start3A, %dma_start3A_29] : memref<128x128xf32, #tpu.memory_space<vmem>> -> memref<16x128xf32, #tpu.memory_space<vmem>>
        %dma_start3A_31 = arith.constant 9984 : i32
        %dma_start3A_32 = arith.constant 0 : i32
        %dma_start3A_33 = tpu.memref_slice %arg11[%dma_start3A_31, %dma_start3A_32] : memref<10000x128xf32, #tpu.memory_space<vmem_shared>> -> memref<16x128xf32, #tpu.memory_space<vmem_shared>>
        %dma_start3A_34 = arith.constant 9984 : i32
        %dma_start3A_35 = arith.constant 0 : i32
        %dma_start3A_36 = tpu.memref_slice %arg11[%dma_start3A_34, %dma_start3A_35] : memref<10000x128xf32, #tpu.memory_space<vmem_shared>> -> memref<16x128xf32, #tpu.memory_space<vmem_shared>>
        %dma_start3A_37 = arith.constant 0 : i32
        %dma_start3A_38 = arith.constant 0 : i32
        %dma_start3A_39 = tpu.memref_slice %arg10[%dma_start3A_37, %dma_start3A_38] : memref<128x128xf32, #tpu.memory_space<vmem>> -> memref<16x128xf32, #tpu.memory_space<vmem>>
        tpu.enqueue_dma source(%dma_start3A_39 : memref<16x128xf32, #tpu.memory_space<vmem>>) target(%dma_start3A_36 : memref<16x128xf32, #tpu.memory_space<vmem_shared>>) target_semaphore(%run_scoped3A : memref<!tpu.dma_semaphore, #tpu.memory_space<semaphore_mem>>)
        %dma_wait3A = arith.constant 0 : i32
        %dma_wait3A_40 = arith.constant 0 : i32
        %dma_wait3A_41 = tpu.memref_slice %arg10[%dma_wait3A, %dma_wait3A_40] : memref<128x128xf32, #tpu.memory_space<vmem>> -> memref<16x128xf32, #tpu.memory_space<vmem>>
        %dma_wait3A_42 = arith.constant 9984 : i32
        %dma_wait3A_43 = arith.constant 0 : i32
        %dma_wait3A_44 = tpu.memref_slice %arg11[%dma_wait3A_42, %dma_wait3A_43] : memref<10000x128xf32, #tpu.memory_space<vmem_shared>> -> memref<16x128xf32, #tpu.memory_space<vmem_shared>>
        %dma_wait3A_45 = arith.constant 9984 : i32
        %dma_wait3A_46 = arith.constant 0 : i32
        %dma_wait3A_47 = tpu.memref_slice %arg11[%dma_wait3A_45, %dma_wait3A_46] : memref<10000x128xf32, #tpu.memory_space<vmem_shared>> -> memref<16x128xf32, #tpu.memory_space<vmem_shared>>
        %dma_wait3A_48 = arith.constant 0 : i32
        %dma_wait3A_49 = arith.constant 0 : i32
        %dma_wait3A_50 = tpu.memref_slice %arg10[%dma_wait3A_48, %dma_wait3A_49] : memref<128x128xf32, #tpu.memory_space<vmem>> -> memref<16x128xf32, #tpu.memory_space<vmem>>
        tpu.wait_dma2 semaphore(%run_scoped3A : memref<!tpu.dma_semaphore, #tpu.memory_space<semaphore_mem>>) src(%dma_wait3A_50 : memref<16x128xf32, #tpu.memory_space<vmem>>) dst(%dma_wait3A_47 : memref<16x128xf32, #tpu.memory_space<vmem_shared>>)
        tpu.yield
      }) : () -> ()
    } else {
    }
    %barrier3A = arith.constant 0 : index
    tpu.barrier barrier_id(%barrier3A)
    %scan3A_13 = arith.constant 0 : i32
    %scan3A_14 = arith.constant 79 : i32
    %scan3A_15 = arith.addi %scan3A_13, %scan3A_14 : i32
    %scan3A_16 = arith.constant 1 : i32
    scf.for %scan3A_29 = %scan3A_13 to %scan3A_15 step %scan3A_16  : i32 {
      %mul3A_30 = arith.constant 1 : i32
      %mul3A_31 = arith.muli %scan3A_29, %mul3A_30 : i32
      %add3A_32 = arith.constant 0 : i32
      %add3A_33 = arith.addi %add3A_32, %mul3A_31 : i32
      %mul3A_34 = arith.constant 16 : i32
      %mul3A_35 = arith.muli %add3A_33, %mul3A_34 : i32
      %add3A_36 = arith.addi %arg1, %mul3A_35 : i32
      %lt3A = arith.constant 1250 : i32
      %lt3A_37 = arith.cmpi slt, %add3A_36, %lt3A : i32
      %convert_element_type3A_38 = arith.extui %lt3A_37 : i1 to i32
      %cond3A_39 = arith.constant 0 : i32
      %cond3A_40 = arith.cmpi ne, %convert_element_type3A_38, %cond3A_39 : i32
      scf.if %cond3A_40 {
        %mul3A_41 = arith.constant 128 : i32
        %mul3A_42 = arith.muli %add3A_36, %mul3A_41 : i32
        "tpu.region"() ({
          %run_scoped3A = tpu.sem_alloc : memref<!tpu.dma_semaphore, #tpu.memory_space<semaphore_mem>>
          %dma_start3A = tpu.memref_slice %arg4[%mul3A_42] : memref<160000xi32, #tpu.memory_space<hbm>> -> memref<128xi32, #tpu.memory_space<hbm>>
          %dma_start3A_53 = tpu.memref_slice %arg4[%mul3A_42] : memref<160000xi32, #tpu.memory_space<hbm>> -> memref<128xi32, #tpu.memory_space<hbm>>
          tpu.enqueue_dma source(%dma_start3A_53 : memref<128xi32, #tpu.memory_space<hbm>>) target(%arg8 : memref<128xi32, #tpu.memory_space<vmem>>) target_semaphore(%run_scoped3A : memref<!tpu.dma_semaphore, #tpu.memory_space<semaphore_mem>>)
          %dma_wait3A = tpu.memref_slice %arg4[%mul3A_42] : memref<160000xi32, #tpu.memory_space<hbm>> -> memref<128xi32, #tpu.memory_space<hbm>>
          %dma_wait3A_54 = tpu.memref_slice %arg4[%mul3A_42] : memref<160000xi32, #tpu.memory_space<hbm>> -> memref<128xi32, #tpu.memory_space<hbm>>
          tpu.wait_dma2 semaphore(%run_scoped3A : memref<!tpu.dma_semaphore, #tpu.memory_space<semaphore_mem>>) src(%dma_wait3A_54 : memref<128xi32, #tpu.memory_space<hbm>>) dst(%arg8 : memref<128xi32, #tpu.memory_space<vmem>>)
          tpu.yield
        }) : () -> ()
        "tpu.region"() ({
          %run_scoped3A = tpu.sem_alloc : memref<!tpu.dma_semaphore, #tpu.memory_space<semaphore_mem>>
          %dma_start3A = tpu.memref_slice %arg5[%mul3A_42] : memref<160000xi32, #tpu.memory_space<hbm>> -> memref<128xi32, #tpu.memory_space<hbm>>
          %dma_start3A_53 = tpu.memref_slice %arg5[%mul3A_42] : memref<160000xi32, #tpu.memory_space<hbm>> -> memref<128xi32, #tpu.memory_space<hbm>>
          tpu.enqueue_dma source(%dma_start3A_53 : memref<128xi32, #tpu.memory_space<hbm>>) target(%arg9 : memref<128xi32, #tpu.memory_space<vmem>>) target_semaphore(%run_scoped3A : memref<!tpu.dma_semaphore, #tpu.memory_space<semaphore_mem>>)
          %dma_wait3A = tpu.memref_slice %arg5[%mul3A_42] : memref<160000xi32, #tpu.memory_space<hbm>> -> memref<128xi32, #tpu.memory_space<hbm>>
          %dma_wait3A_54 = tpu.memref_slice %arg5[%mul3A_42] : memref<160000xi32, #tpu.memory_space<hbm>> -> memref<128xi32, #tpu.memory_space<hbm>>
          tpu.wait_dma2 semaphore(%run_scoped3A : memref<!tpu.dma_semaphore, #tpu.memory_space<semaphore_mem>>) src(%dma_wait3A_54 : memref<128xi32, #tpu.memory_space<hbm>>) dst(%arg9 : memref<128xi32, #tpu.memory_space<vmem>>)
          tpu.yield
        }) : () -> ()
        %eq3A_43 = arith.constant 0 : i32
        %eq3A_44 = arith.cmpi eq, %arg0, %eq3A_43 : i32
        %convert_element_type3A_45 = arith.extui %eq3A_44 : i1 to i32
        %cond3A_46 = arith.constant 0 : i32
        %cond3A_47 = arith.cmpi ne, %convert_element_type3A_45, %cond3A_46 : i32
        scf.if %cond3A_47 {
          %dma_start3A = arith.constant 0 : i32
          %dma_start3A_53 = arith.constant 0 : i32
          %dma_start3A_54 = tpu.memref_slice %arg2[%dma_start3A, %dma_start3A_53] : memref<10000x128xf32, #tpu.memory_space<hbm>> -> memref<10000x128xf32, #tpu.memory_space<hbm>>
          tpu.enqueue_indirect_dma source(%dma_start3A_54 : memref<10000x128xf32, #tpu.memory_space<hbm>>) target(%arg10 : memref<128x128xf32, #tpu.memory_space<vmem>>) offsets(%arg8 : memref<128xi32, #tpu.memory_space<vmem>>) semaphore(%arg12 : memref<!tpu.dma_semaphore, #tpu.memory_space<semaphore_mem>>)
          %dma_wait3A = arith.constant 0 : i32
          %dma_wait3A_55 = arith.constant 0 : i32
          %dma_wait3A_56 = tpu.memref_slice %arg2[%dma_wait3A, %dma_wait3A_55] : memref<10000x128xf32, #tpu.memory_space<hbm>> -> memref<10000x128xf32, #tpu.memory_space<hbm>>
          tpu.wait_indirect_dma semaphore(%arg12 : memref<!tpu.dma_semaphore, #tpu.memory_space<semaphore_mem>>) src(%dma_wait3A_56 : memref<10000x128xf32, #tpu.memory_space<hbm>>) dst(%arg10 : memref<128x128xf32, #tpu.memory_space<vmem>>)
        } else {
        }
        %eq3A_48 = arith.constant 1 : i32
        %eq3A_49 = arith.cmpi eq, %arg0, %eq3A_48 : i32
        %convert_element_type3A_50 = arith.extui %eq3A_49 : i1 to i32
        %cond3A_51 = arith.constant 0 : i32
        %cond3A_52 = arith.cmpi ne, %convert_element_type3A_50, %cond3A_51 : i32
        scf.if %cond3A_52 {
          %dma_start3A = arith.constant 0 : i32
          %dma_start3A_53 = arith.constant 0 : i32
          %dma_start3A_54 = tpu.memref_slice %arg3[%dma_start3A, %dma_start3A_53] : memref<10000x128xf32, #tpu.memory_space<hbm>> -> memref<10000x128xf32, #tpu.memory_space<hbm>>
          tpu.enqueue_indirect_dma source(%dma_start3A_54 : memref<10000x128xf32, #tpu.memory_space<hbm>>) target(%arg10 : memref<128x128xf32, #tpu.memory_space<vmem>>) offsets(%arg8 : memref<128xi32, #tpu.memory_space<vmem>>) semaphore(%arg12 : memref<!tpu.dma_semaphore, #tpu.memory_space<semaphore_mem>>)
          %dma_wait3A = arith.constant 0 : i32
          %dma_wait3A_55 = arith.constant 0 : i32
          %dma_wait3A_56 = tpu.memref_slice %arg3[%dma_wait3A, %dma_wait3A_55] : memref<10000x128xf32, #tpu.memory_space<hbm>> -> memref<10000x128xf32, #tpu.memory_space<hbm>>
          tpu.wait_indirect_dma semaphore(%arg12 : memref<!tpu.dma_semaphore, #tpu.memory_space<semaphore_mem>>) src(%dma_wait3A_56 : memref<10000x128xf32, #tpu.memory_space<hbm>>) dst(%arg10 : memref<128x128xf32, #tpu.memory_space<vmem>>)
        } else {
        }
        "tpu.region"() ({
          %run_scoped3A = tpu.sem_alloc : memref<!tpu.dma_semaphore, #tpu.memory_space<semaphore_mem>>
          %dma_start3A = arith.constant 0 : i32
          %dma_start3A_53 = arith.constant 0 : i32
          %dma_start3A_54 = tpu.memref_slice %arg11[%dma_start3A, %dma_start3A_53] : memref<10000x128xf32, #tpu.memory_space<vmem_shared>> -> memref<10000x128xf32, #tpu.memory_space<vmem_shared>>
          tpu.enqueue_indirect_dma source(%arg10 : memref<128x128xf32, #tpu.memory_space<vmem>>) target(%dma_start3A_54 : memref<10000x128xf32, #tpu.memory_space<vmem_shared>>) offsets(%arg9 : memref<128xi32, #tpu.memory_space<vmem>>) semaphore(%run_scoped3A : memref<!tpu.dma_semaphore, #tpu.memory_space<semaphore_mem>>) {add = true}
          %dma_wait3A = arith.constant 0 : i32
          %dma_wait3A_55 = arith.constant 0 : i32
          %dma_wait3A_56 = tpu.memref_slice %arg11[%dma_wait3A, %dma_wait3A_55] : memref<10000x128xf32, #tpu.memory_space<vmem_shared>> -> memref<10000x128xf32, #tpu.memory_space<vmem_shared>>
          tpu.wait_indirect_dma semaphore(%run_scoped3A : memref<!tpu.dma_semaphore, #tpu.memory_space<semaphore_mem>>) src(%arg10 : memref<128x128xf32, #tpu.memory_space<vmem>>) dst(%dma_wait3A_56 : memref<10000x128xf32, #tpu.memory_space<vmem_shared>>)
          tpu.yield
        }) : () -> ()
      } else {
      }
    }
    %scan3A_17 = arith.constant 79 : i32
    %barrier3A_18 = arith.constant 0 : index
    tpu.barrier barrier_id(%barrier3A_18)
    %eq3A_19 = arith.constant 0 : i32
    %eq3A_20 = arith.cmpi eq, %arg0, %eq3A_19 : i32
    %convert_element_type3A_21 = arith.extui %eq3A_20 : i1 to i32
    %cond3A_22 = arith.constant 0 : i32
    %cond3A_23 = arith.cmpi ne, %convert_element_type3A_21, %cond3A_22 : i32
    scf.if %cond3A_23 {
      "tpu.region"() ({
        %run_scoped3A = tpu.sem_alloc : memref<!tpu.dma_semaphore, #tpu.memory_space<semaphore_mem>>
        %dma_start3A = arith.constant 0 : i32
        %dma_start3A_34 = tpu.memref_slice %arg6[%mul3A_4, %dma_start3A] : memref<10000x128xf32, #tpu.memory_space<hbm>> -> memref<624x128xf32, #tpu.memory_space<hbm>>
        %dma_start3A_35 = arith.constant 0 : i32
        %dma_start3A_36 = tpu.memref_slice %arg11[%mul3A_4, %dma_start3A_35] : memref<10000x128xf32, #tpu.memory_space<vmem_shared>> -> memref<624x128xf32, #tpu.memory_space<vmem_shared>>
        tpu.enqueue_dma source(%dma_start3A_36 : memref<624x128xf32, #tpu.memory_space<vmem_shared>>) target(%dma_start3A_34 : memref<624x128xf32, #tpu.memory_space<hbm>>) target_semaphore(%run_scoped3A : memref<!tpu.dma_semaphore, #tpu.memory_space<semaphore_mem>>)
        %dma_wait3A = arith.constant 0 : i32
        %dma_wait3A_37 = tpu.memref_slice %arg6[%mul3A_4, %dma_wait3A] : memref<10000x128xf32, #tpu.memory_space<hbm>> -> memref<624x128xf32, #tpu.memory_space<hbm>>
        %dma_wait3A_38 = arith.constant 0 : i32
        %dma_wait3A_39 = tpu.memref_slice %arg11[%mul3A_4, %dma_wait3A_38] : memref<10000x128xf32, #tpu.memory_space<vmem_shared>> -> memref<624x128xf32, #tpu.memory_space<vmem_shared>>
        tpu.wait_dma2 semaphore(%run_scoped3A : memref<!tpu.dma_semaphore, #tpu.memory_space<semaphore_mem>>) src(%dma_wait3A_39 : memref<624x128xf32, #tpu.memory_space<vmem_shared>>) dst(%dma_wait3A_37 : memref<624x128xf32, #tpu.memory_space<hbm>>)
        tpu.yield
      }) : () -> ()
      %eq3A_29 = arith.constant 15 : i32
      %eq3A_30 = arith.cmpi eq, %arg1, %eq3A_29 : i32
      %convert_element_type3A_31 = arith.extui %eq3A_30 : i1 to i32
      %cond3A_32 = arith.constant 0 : i32
      %cond3A_33 = arith.cmpi ne, %convert_element_type3A_31, %cond3A_32 : i32
      scf.if %cond3A_33 {
        "tpu.region"() ({
          %run_scoped3A = tpu.sem_alloc : memref<!tpu.dma_semaphore, #tpu.memory_space<semaphore_mem>>
          %dma_start3A = arith.constant 9984 : i32
          %dma_start3A_34 = arith.constant 0 : i32
          %dma_start3A_35 = tpu.memref_slice %arg6[%dma_start3A, %dma_start3A_34] : memref<10000x128xf32, #tpu.memory_space<hbm>> -> memref<16x128xf32, #tpu.memory_space<hbm>>
          %dma_start3A_36 = arith.constant 9984 : i32
          %dma_start3A_37 = arith.constant 0 : i32
          %dma_start3A_38 = tpu.memref_slice %arg11[%dma_start3A_36, %dma_start3A_37] : memref<10000x128xf32, #tpu.memory_space<vmem_shared>> -> memref<16x128xf32, #tpu.memory_space<vmem_shared>>
          tpu.enqueue_dma source(%dma_start3A_38 : memref<16x128xf32, #tpu.memory_space<vmem_shared>>) target(%dma_start3A_35 : memref<16x128xf32, #tpu.memory_space<hbm>>) target_semaphore(%run_scoped3A : memref<!tpu.dma_semaphore, #tpu.memory_space<semaphore_mem>>)
          %dma_wait3A = arith.constant 9984 : i32
          %dma_wait3A_39 = arith.constant 0 : i32
          %dma_wait3A_40 = tpu.memref_slice %arg6[%dma_wait3A, %dma_wait3A_39] : memref<10000x128xf32, #tpu.memory_space<hbm>> -> memref<16x128xf32, #tpu.memory_space<hbm>>
          %dma_wait3A_41 = arith.constant 9984 : i32
          %dma_wait3A_42 = arith.constant 0 : i32
          %dma_wait3A_43 = tpu.memref_slice %arg11[%dma_wait3A_41, %dma_wait3A_42] : memref<10000x128xf32, #tpu.memory_space<vmem_shared>> -> memref<16x128xf32, #tpu.memory_space<vmem_shared>>
          tpu.wait_dma2 semaphore(%run_scoped3A : memref<!tpu.dma_semaphore, #tpu.memory_space<semaphore_mem>>) src(%dma_wait3A_43 : memref<16x128xf32, #tpu.memory_space<vmem_shared>>) dst(%dma_wait3A_40 : memref<16x128xf32, #tpu.memory_space<hbm>>)
          tpu.yield
        }) : () -> ()
      } else {
      }
    } else {
    }
    %eq3A_24 = arith.constant 1 : i32
    %eq3A_25 = arith.cmpi eq, %arg0, %eq3A_24 : i32
    %convert_element_type3A_26 = arith.extui %eq3A_25 : i1 to i32
    %cond3A_27 = arith.constant 0 : i32
    %cond3A_28 = arith.cmpi ne, %convert_element_type3A_26, %cond3A_27 : i32
    scf.if %cond3A_28 {
      "tpu.region"() ({
        %run_scoped3A = tpu.sem_alloc : memref<!tpu.dma_semaphore, #tpu.memory_space<semaphore_mem>>
        %dma_start3A = arith.constant 0 : i32
        %dma_start3A_34 = tpu.memref_slice %arg7[%mul3A_4, %dma_start3A] : memref<10000x128xf32, #tpu.memory_space<hbm>> -> memref<624x128xf32, #tpu.memory_space<hbm>>
        %dma_start3A_35 = arith.constant 0 : i32
        %dma_start3A_36 = tpu.memref_slice %arg11[%mul3A_4, %dma_start3A_35] : memref<10000x128xf32, #tpu.memory_space<vmem_shared>> -> memref<624x128xf32, #tpu.memory_space<vmem_shared>>
        tpu.enqueue_dma source(%dma_start3A_36 : memref<624x128xf32, #tpu.memory_space<vmem_shared>>) target(%dma_start3A_34 : memref<624x128xf32, #tpu.memory_space<hbm>>) target_semaphore(%run_scoped3A : memref<!tpu.dma_semaphore, #tpu.memory_space<semaphore_mem>>)
        %dma_wait3A = arith.constant 0 : i32
        %dma_wait3A_37 = tpu.memref_slice %arg7[%mul3A_4, %dma_wait3A] : memref<10000x128xf32, #tpu.memory_space<hbm>> -> memref<624x128xf32, #tpu.memory_space<hbm>>
        %dma_wait3A_38 = arith.constant 0 : i32
        %dma_wait3A_39 = tpu.memref_slice %arg11[%mul3A_4, %dma_wait3A_38] : memref<10000x128xf32, #tpu.memory_space<vmem_shared>> -> memref<624x128xf32, #tpu.memory_space<vmem_shared>>
        tpu.wait_dma2 semaphore(%run_scoped3A : memref<!tpu.dma_semaphore, #tpu.memory_space<semaphore_mem>>) src(%dma_wait3A_39 : memref<624x128xf32, #tpu.memory_space<vmem_shared>>) dst(%dma_wait3A_37 : memref<624x128xf32, #tpu.memory_space<hbm>>)
        tpu.yield
      }) : () -> ()
      %eq3A_29 = arith.constant 15 : i32
      %eq3A_30 = arith.cmpi eq, %arg1, %eq3A_29 : i32
      %convert_element_type3A_31 = arith.extui %eq3A_30 : i1 to i32
      %cond3A_32 = arith.constant 0 : i32
      %cond3A_33 = arith.cmpi ne, %convert_element_type3A_31, %cond3A_32 : i32
      scf.if %cond3A_33 {
        "tpu.region"() ({
          %run_scoped3A = tpu.sem_alloc : memref<!tpu.dma_semaphore, #tpu.memory_space<semaphore_mem>>
          %dma_start3A = arith.constant 9984 : i32
          %dma_start3A_34 = arith.constant 0 : i32
          %dma_start3A_35 = tpu.memref_slice %arg7[%dma_start3A, %dma_start3A_34] : memref<10000x128xf32, #tpu.memory_space<hbm>> -> memref<16x128xf32, #tpu.memory_space<hbm>>
          %dma_start3A_36 = arith.constant 9984 : i32
          %dma_start3A_37 = arith.constant 0 : i32
          %dma_start3A_38 = tpu.memref_slice %arg11[%dma_start3A_36, %dma_start3A_37] : memref<10000x128xf32, #tpu.memory_space<vmem_shared>> -> memref<16x128xf32, #tpu.memory_space<vmem_shared>>
          tpu.enqueue_dma source(%dma_start3A_38 : memref<16x128xf32, #tpu.memory_space<vmem_shared>>) target(%dma_start3A_35 : memref<16x128xf32, #tpu.memory_space<hbm>>) target_semaphore(%run_scoped3A : memref<!tpu.dma_semaphore, #tpu.memory_space<semaphore_mem>>)
          %dma_wait3A = arith.constant 9984 : i32
          %dma_wait3A_39 = arith.constant 0 : i32
          %dma_wait3A_40 = tpu.memref_slice %arg7[%dma_wait3A, %dma_wait3A_39] : memref<10000x128xf32, #tpu.memory_space<hbm>> -> memref<16x128xf32, #tpu.memory_space<hbm>>
          %dma_wait3A_41 = arith.constant 9984 : i32
          %dma_wait3A_42 = arith.constant 0 : i32
          %dma_wait3A_43 = tpu.memref_slice %arg11[%dma_wait3A_41, %dma_wait3A_42] : memref<10000x128xf32, #tpu.memory_space<vmem_shared>> -> memref<16x128xf32, #tpu.memory_space<vmem_shared>>
          tpu.wait_dma2 semaphore(%run_scoped3A : memref<!tpu.dma_semaphore, #tpu.memory_space<semaphore_mem>>) src(%dma_wait3A_43 : memref<16x128xf32, #tpu.memory_space<vmem_shared>>) dst(%dma_wait3A_40 : memref<16x128xf32, #tpu.memory_space<hbm>>)
          tpu.yield
        }) : () -> ()
      } else {
      }
    } else {
    }
    return
  }
}

#map = affine_map<(d0, d1) -> (0, 0)>
#map1 = affine_map<(d0, d1) -> (0)>
module attributes {stable_mosaic.version = 14 : i64} {
  func.func @body(%arg0: i32, %arg1: i32, %arg2: memref<10000x128xf32, #tpu.memory_space<hbm>>, %arg3: memref<10000x128xf32, #tpu.memory_space<hbm>>, %arg4: memref<160000xi32, #tpu.memory_space<hbm>>, %arg5: memref<160000xi32, #tpu.memory_space<hbm>>, %arg6: memref<10000x128xf32, #tpu.memory_space<hbm>>, %arg7: memref<10000x128xf32, #tpu.memory_space<hbm>>, %arg8: memref<128xi32, #tpu.memory_space<vmem>>, %arg9: memref<128xi32, #tpu.memory_space<vmem>>, %arg10: memref<128x128xf32, #tpu.memory_space<vmem>>, %arg11: memref<10000x128xf32, #tpu.memory_space<vmem_shared>>, %arg12: memref<!tpu.dma_semaphore, #tpu.memory_space<semaphore_mem>>) attributes {dimension_semantics = [#tpu.dimension_semantics<core_parallel>, #tpu.dimension_semantics<subcore_parallel>], iteration_bounds = array<i64: 2, 16>, scalar_prefetch = 0 : i64, scratch_operands = 5 : i64, tpu.core_type = #tpu.core_type<sc_vector_subcore>, window_params = [{transform_indices = #map}, {transform_indices = #map}, {transform_indices = #map1}, {transform_indices = #map1}, {transform_indices = #map}, {transform_indices = #map}]} {
    %scan3A = arith.constant 0 : i32
    %scan3A_0 = arith.constant 128 : i32
    %scan3A_1 = arith.addi %scan3A, %scan3A_0 : i32
    %scan3A_2 = arith.constant 1 : i32
    scf.for %scan3A_29 = %scan3A to %scan3A_1 step %scan3A_2  : i32 {
      %mul3A_30 = arith.constant 1 : i32
      %mul3A_31 = arith.muli %scan3A_29, %mul3A_30 : i32
      %add3A_32 = arith.constant 0 : i32
      %add3A_33 = arith.addi %add3A_32, %mul3A_31 : i32
      %broadcast_in_dim3A = arith.constant 0.000000e+00 : f32
      %broadcast_in_dim3A_34 = vector.broadcast %broadcast_in_dim3A : f32 to vector<16xf32>
      %swap3A = arith.index_cast %add3A_33 : i32 to index
      %swap3A_35 = arith.constant 0 : index
      %swap3A_36 = tpu.vector_load %arg10[%swap3A, %swap3A_35] {strides = array<i32>} : memref<128x128xf32, #tpu.memory_space<vmem>>, vector<1x16xf32>,
      %swap3A_37 = vector.shape_cast %swap3A_36 : vector<1x16xf32> to vector<16xf32>
      %swap3A_38 = vector.shape_cast %broadcast_in_dim3A_34 : vector<16xf32> to vector<1x16xf32>
      tpu.vector_store %arg10[%swap3A, %swap3A_35], %swap3A_38 {strides = array<i32>} : memref<128x128xf32, #tpu.memory_space<vmem>>, vector<1x16xf32>,
      %broadcast_in_dim3A_39 = arith.constant 0.000000e+00 : f32
      %broadcast_in_dim3A_40 = vector.broadcast %broadcast_in_dim3A_39 : f32 to vector<16xf32>
      %swap3A_41 = arith.index_cast %add3A_33 : i32 to index
      %swap3A_42 = arith.constant 16 : index
      %swap3A_43 = tpu.vector_load %arg10[%swap3A_41, %swap3A_42] {strides = array<i32>} : memref<128x128xf32, #tpu.memory_space<vmem>>, vector<1x16xf32>,
      %swap3A_44 = vector.shape_cast %swap3A_43 : vector<1x16xf32> to vector<16xf32>
      %swap3A_45 = vector.shape_cast %broadcast_in_dim3A_40 : vector<16xf32> to vector<1x16xf32>
      tpu.vector_store %arg10[%swap3A_41, %swap3A_42], %swap3A_45 {strides = array<i32>} : memref<128x128xf32, #tpu.memory_space<vmem>>, vector<1x16xf32>,
      %broadcast_in_dim3A_46 = arith.constant 0.000000e+00 : f32
      %broadcast_in_dim3A_47 = vector.broadcast %broadcast_in_dim3A_46 : f32 to vector<16xf32>
      %swap3A_48 = arith.index_cast %add3A_33 : i32 to index
      %swap3A_49 = arith.constant 32 : index
      %swap3A_50 = tpu.vector_load %arg10[%swap3A_48, %swap3A_49] {strides = array<i32>} : memref<128x128xf32, #tpu.memory_space<vmem>>, vector<1x16xf32>,
      %swap3A_51 = vector.shape_cast %swap3A_50 : vector<1x16xf32> to vector<16xf32>
      %swap3A_52 = vector.shape_cast %broadcast_in_dim3A_47 : vector<16xf32> to vector<1x16xf32>
      tpu.vector_store %arg10[%swap3A_48, %swap3A_49], %swap3A_52 {strides = array<i32>} : memref<128x128xf32, #tpu.memory_space<vmem>>, vector<1x16xf32>,
      %broadcast_in_dim3A_53 = arith.constant 0.000000e+00 : f32
      %broadcast_in_dim3A_54 = vector.broadcast %broadcast_in_dim3A_53 : f32 to vector<16xf32>
      %swap3A_55 = arith.index_cast %add3A_33 : i32 to index
      %swap3A_56 = arith.constant 48 : index
      %swap3A_57 = tpu.vector_load %arg10[%swap3A_55, %swap3A_56] {strides = array<i32>} : memref<128x128xf32, #tpu.memory_space<vmem>>, vector<1x16xf32>,
      %swap3A_58 = vector.shape_cast %swap3A_57 : vector<1x16xf32> to vector<16xf32>
      %swap3A_59 = vector.shape_cast %broadcast_in_dim3A_54 : vector<16xf32> to vector<1x16xf32>
      tpu.vector_store %arg10[%swap3A_55, %swap3A_56], %swap3A_59 {strides = array<i32>} : memref<128x128xf32, #tpu.memory_space<vmem>>, vector<1x16xf32>,
      %broadcast_in_dim3A_60 = arith.constant 0.000000e+00 : f32
      %broadcast_in_dim3A_61 = vector.broadcast %broadcast_in_dim3A_60 : f32 to vector<16xf32>
      %swap3A_62 = arith.index_cast %add3A_33 : i32 to index
      %swap3A_63 = arith.constant 64 : index
      %swap3A_64 = tpu.vector_load %arg10[%swap3A_62, %swap3A_63] {strides = array<i32>} : memref<128x128xf32, #tpu.memory_space<vmem>>, vector<1x16xf32>,
      %swap3A_65 = vector.shape_cast %swap3A_64 : vector<1x16xf32> to vector<16xf32>
      %swap3A_66 = vector.shape_cast %broadcast_in_dim3A_61 : vector<16xf32> to vector<1x16xf32>
      tpu.vector_store %arg10[%swap3A_62, %swap3A_63], %swap3A_66 {strides = array<i32>} : memref<128x128xf32, #tpu.memory_space<vmem>>, vector<1x16xf32>,
      %broadcast_in_dim3A_67 = arith.constant 0.000000e+00 : f32
      %broadcast_in_dim3A_68 = vector.broadcast %broadcast_in_dim3A_67 : f32 to vector<16xf32>
      %swap3A_69 = arith.index_cast %add3A_33 : i32 to index
      %swap3A_70 = arith.constant 80 : index
      %swap3A_71 = tpu.vector_load %arg10[%swap3A_69, %swap3A_70] {strides = array<i32>} : memref<128x128xf32, #tpu.memory_space<vmem>>, vector<1x16xf32>,
      %swap3A_72 = vector.shape_cast %swap3A_71 : vector<1x16xf32> to vector<16xf32>
      %swap3A_73 = vector.shape_cast %broadcast_in_dim3A_68 : vector<16xf32> to vector<1x16xf32>
      tpu.vector_store %arg10[%swap3A_69, %swap3A_70], %swap3A_73 {strides = array<i32>} : memref<128x128xf32, #tpu.memory_space<vmem>>, vector<1x16xf32>,
      %broadcast_in_dim3A_74 = arith.constant 0.000000e+00 : f32
      %broadcast_in_dim3A_75 = vector.broadcast %broadcast_in_dim3A_74 : f32 to vector<16xf32>
      %swap3A_76 = arith.index_cast %add3A_33 : i32 to index
      %swap3A_77 = arith.constant 96 : index
      %swap3A_78 = tpu.vector_load %arg10[%swap3A_76, %swap3A_77] {strides = array<i32>} : memref<128x128xf32, #tpu.memory_space<vmem>>, vector<1x16xf32>,
      %swap3A_79 = vector.shape_cast %swap3A_78 : vector<1x16xf32> to vector<16xf32>
      %swap3A_80 = vector.shape_cast %broadcast_in_dim3A_75 : vector<16xf32> to vector<1x16xf32>
      tpu.vector_store %arg10[%swap3A_76, %swap3A_77], %swap3A_80 {strides = array<i32>} : memref<128x128xf32, #tpu.memory_space<vmem>>, vector<1x16xf32>,
      %broadcast_in_dim3A_81 = arith.constant 0.000000e+00 : f32
      %broadcast_in_dim3A_82 = vector.broadcast %broadcast_in_dim3A_81 : f32 to vector<16xf32>
      %swap3A_83 = arith.index_cast %add3A_33 : i32 to index
      %swap3A_84 = arith.constant 112 : index
      %swap3A_85 = tpu.vector_load %arg10[%swap3A_83, %swap3A_84] {strides = array<i32>} : memref<128x128xf32, #tpu.memory_space<vmem>>, vector<1x16xf32>,
      %swap3A_86 = vector.shape_cast %swap3A_85 : vector<1x16xf32> to vector<16xf32>
      %swap3A_87 = vector.shape_cast %broadcast_in_dim3A_82 : vector<16xf32> to vector<1x16xf32>
      tpu.vector_store %arg10[%swap3A_83, %swap3A_84], %swap3A_87 {strides = array<i32>} : memref<128x128xf32, #tpu.memory_space<vmem>>, vector<1x16xf32>,
    }
    %scan3A_3 = arith.constant 128 : i32
    %mul3A = arith.constant 624 : i32
    %mul3A_4 = arith.muli %arg1, %mul3A : i32
    %scan3A_5 = arith.constant 0 : i32
    %scan3A_6 = arith.constant 4 : i32
    %scan3A_7 = arith.addi %scan3A_5, %scan3A_6 : i32
    %scan3A_8 = arith.constant 1 : i32
    scf.for %scan3A_29 = %scan3A_5 to %scan3A_7 step %scan3A_8  : i32 {
      %mul3A_30 = arith.constant 1 : i32
      %mul3A_31 = arith.muli %scan3A_29, %mul3A_30 : i32
      %add3A_32 = arith.constant 0 : i32
      %add3A_33 = arith.addi %add3A_32, %mul3A_31 : i32
      %mul3A_34 = arith.constant 128 : i32
      %mul3A_35 = arith.muli %add3A_33, %mul3A_34 : i32
      %add3A_36 = arith.addi %mul3A_4, %mul3A_35 : i32
      "tpu.region"() ({
        %run_scoped3A = tpu.sem_alloc : memref<!tpu.dma_semaphore, #tpu.memory_space<semaphore_mem>>
        %dma_start3A = arith.constant 0 : i32
        %dma_start3A_37 = tpu.memref_slice %arg11[%add3A_36, %dma_start3A] : memref<10000x128xf32, #tpu.memory_space<vmem_shared>> -> memref<128x128xf32, #tpu.memory_space<vmem_shared>>
        %dma_start3A_38 = arith.constant 0 : i32
        %dma_start3A_39 = tpu.memref_slice %arg11[%add3A_36, %dma_start3A_38] : memref<10000x128xf32, #tpu.memory_space<vmem_shared>> -> memref<128x128xf32, #tpu.memory_space<vmem_shared>>
        tpu.enqueue_dma source(%arg10 : memref<128x128xf32, #tpu.memory_space<vmem>>) target(%dma_start3A_39 : memref<128x128xf32, #tpu.memory_space<vmem_shared>>) target_semaphore(%run_scoped3A : memref<!tpu.dma_semaphore, #tpu.memory_space<semaphore_mem>>)
        %dma_wait3A = arith.constant 0 : i32
        %dma_wait3A_40 = tpu.memref_slice %arg11[%add3A_36, %dma_wait3A] : memref<10000x128xf32, #tpu.memory_space<vmem_shared>> -> memref<128x128xf32, #tpu.memory_space<vmem_shared>>
        %dma_wait3A_41 = arith.constant 0 : i32
        %dma_wait3A_42 = tpu.memref_slice %arg11[%add3A_36, %dma_wait3A_41] : memref<10000x128xf32, #tpu.memory_space<vmem_shared>> -> memref<128x128xf32, #tpu.memory_space<vmem_shared>>
        tpu.wait_dma2 semaphore(%run_scoped3A : memref<!tpu.dma_semaphore, #tpu.memory_space<semaphore_mem>>) src(%arg10 : memref<128x128xf32, #tpu.memory_space<vmem>>) dst(%dma_wait3A_42 : memref<128x128xf32, #tpu.memory_space<vmem_shared>>)
        tpu.yield
      }) : () -> ()
    }
    %scan3A_9 = arith.constant 4 : i32
    %add3A = arith.constant 512 : i32
    %add3A_10 = arith.addi %mul3A_4, %add3A : i32
    "tpu.region"() ({
      %run_scoped3A = tpu.sem_alloc : memref<!tpu.dma_semaphore, #tpu.memory_space<semaphore_mem>>
      %dma_start3A = arith.constant 0 : i32
      %dma_start3A_29 = arith.constant 0 : i32
      %dma_start3A_30 = tpu.memref_slice %arg10[%dma_start3A, %dma_start3A_29] : memref<128x128xf32, #tpu.memory_space<vmem>> -> memref<112x128xf32, #tpu.memory_space<vmem>>
      %dma_start3A_31 = arith.constant 0 : i32
      %dma_start3A_32 = tpu.memref_slice %arg11[%add3A_10, %dma_start3A_31] : memref<10000x128xf32, #tpu.memory_space<vmem_shared>> -> memref<112x128xf32, #tpu.memory_space<vmem_shared>>
      %dma_start3A_33 = arith.constant 0 : i32
      %dma_start3A_34 = tpu.memref_slice %arg11[%add3A_10, %dma_start3A_33] : memref<10000x128xf32, #tpu.memory_space<vmem_shared>> -> memref<112x128xf32, #tpu.memory_space<vmem_shared>>
      %dma_start3A_35 = arith.constant 0 : i32
      %dma_start3A_36 = arith.constant 0 : i32
      %dma_start3A_37 = tpu.memref_slice %arg10[%dma_start3A_35, %dma_start3A_36] : memref<128x128xf32, #tpu.memory_space<vmem>> -> memref<112x128xf32, #tpu.memory_space<vmem>>
      tpu.enqueue_dma source(%dma_start3A_37 : memref<112x128xf32, #tpu.memory_space<vmem>>) target(%dma_start3A_34 : memref<112x128xf32, #tpu.memory_space<vmem_shared>>) target_semaphore(%run_scoped3A : memref<!tpu.dma_semaphore, #tpu.memory_space<semaphore_mem>>)
      %dma_wait3A = arith.constant 0 : i32
      %dma_wait3A_38 = arith.constant 0 : i32
      %dma_wait3A_39 = tpu.memref_slice %arg10[%dma_wait3A, %dma_wait3A_38] : memref<128x128xf32, #tpu.memory_space<vmem>> -> memref<112x128xf32, #tpu.memory_space<vmem>>
      %dma_wait3A_40 = arith.constant 0 : i32
      %dma_wait3A_41 = tpu.memref_slice %arg11[%add3A_10, %dma_wait3A_40] : memref<10000x128xf32, #tpu.memory_space<vmem_shared>> -> memref<112x128xf32, #tpu.memory_space<vmem_shared>>
      %dma_wait3A_42 = arith.constant 0 : i32
      %dma_wait3A_43 = tpu.memref_slice %arg11[%add3A_10, %dma_wait3A_42] : memref<10000x128xf32, #tpu.memory_space<vmem_shared>> -> memref<112x128xf32, #tpu.memory_space<vmem_shared>>
      %dma_wait3A_44 = arith.constant 0 : i32
      %dma_wait3A_45 = arith.constant 0 : i32
      %dma_wait3A_46 = tpu.memref_slice %arg10[%dma_wait3A_44, %dma_wait3A_45] : memref<128x128xf32, #tpu.memory_space<vmem>> -> memref<112x128xf32, #tpu.memory_space<vmem>>
      tpu.wait_dma2 semaphore(%run_scoped3A : memref<!tpu.dma_semaphore, #tpu.memory_space<semaphore_mem>>) src(%dma_wait3A_46 : memref<112x128xf32, #tpu.memory_space<vmem>>) dst(%dma_wait3A_43 : memref<112x128xf32, #tpu.memory_space<vmem_shared>>)
      tpu.yield
    }) : () -> ()
    %eq3A = arith.constant 15 : i32
    %eq3A_11 = arith.cmpi eq, %arg1, %eq3A : i32
    %convert_element_type3A = arith.extui %eq3A_11 : i1 to i32
    %cond3A = arith.constant 0 : i32
    %cond3A_12 = arith.cmpi ne, %convert_element_type3A, %cond3A : i32
    scf.if %cond3A_12 {
      "tpu.region"() ({
        %run_scoped3A = tpu.sem_alloc : memref<!tpu.dma_semaphore, #tpu.memory_space<semaphore_mem>>
        %dma_start3A = arith.constant 0 : i32
        %dma_start3A_29 = arith.constant 0 : i32
        %dma_start3A_30 = tpu.memref_slice %arg10[%dma_start3A, %dma_start3A_29] : memref<128x128xf32, #tpu.memory_space<vmem>> -> memref<16x128xf32, #tpu.memory_space<vmem>>
        %dma_start3A_31 = arith.constant 9984 : i32
        %dma_start3A_32 = arith.constant 0 : i32
        %dma_start3A_33 = tpu.memref_slice %arg11[%dma_start3A_31, %dma_start3A_32] : memref<10000x128xf32, #tpu.memory_space<vmem_shared>> -> memref<16x128xf32, #tpu.memory_space<vmem_shared>>
        %dma_start3A_34 = arith.constant 9984 : i32
        %dma_start3A_35 = arith.constant 0 : i32
        %dma_start3A_36 = tpu.memref_slice %arg11[%dma_start3A_34, %dma_start3A_35] : memref<10000x128xf32, #tpu.memory_space<vmem_shared>> -> memref<16x128xf32, #tpu.memory_space<vmem_shared>>
        %dma_start3A_37 = arith.constant 0 : i32
        %dma_start3A_38 = arith.constant 0 : i32
        %dma_start3A_39 = tpu.memref_slice %arg10[%dma_start3A_37, %dma_start3A_38] : memref<128x128xf32, #tpu.memory_space<vmem>> -> memref<16x128xf32, #tpu.memory_space<vmem>>
        tpu.enqueue_dma source(%dma_start3A_39 : memref<16x128xf32, #tpu.memory_space<vmem>>) target(%dma_start3A_36 : memref<16x128xf32, #tpu.memory_space<vmem_shared>>) target_semaphore(%run_scoped3A : memref<!tpu.dma_semaphore, #tpu.memory_space<semaphore_mem>>)
        %dma_wait3A = arith.constant 0 : i32
        %dma_wait3A_40 = arith.constant 0 : i32
        %dma_wait3A_41 = tpu.memref_slice %arg10[%dma_wait3A, %dma_wait3A_40] : memref<128x128xf32, #tpu.memory_space<vmem>> -> memref<16x128xf32, #tpu.memory_space<vmem>>
        %dma_wait3A_42 = arith.constant 9984 : i32
        %dma_wait3A_43 = arith.constant 0 : i32
        %dma_wait3A_44 = tpu.memref_slice %arg11[%dma_wait3A_42, %dma_wait3A_43] : memref<10000x128xf32, #tpu.memory_space<vmem_shared>> -> memref<16x128xf32, #tpu.memory_space<vmem_shared>>
        %dma_wait3A_45 = arith.constant 9984 : i32
        %dma_wait3A_46 = arith.constant 0 : i32
        %dma_wait3A_47 = tpu.memref_slice %arg11[%dma_wait3A_45, %dma_wait3A_46] : memref<10000x128xf32, #tpu.memory_space<vmem_shared>> -> memref<16x128xf32, #tpu.memory_space<vmem_shared>>
        %dma_wait3A_48 = arith.constant 0 : i32
        %dma_wait3A_49 = arith.constant 0 : i32
        %dma_wait3A_50 = tpu.memref_slice %arg10[%dma_wait3A_48, %dma_wait3A_49] : memref<128x128xf32, #tpu.memory_space<vmem>> -> memref<16x128xf32, #tpu.memory_space<vmem>>
        tpu.wait_dma2 semaphore(%run_scoped3A : memref<!tpu.dma_semaphore, #tpu.memory_space<semaphore_mem>>) src(%dma_wait3A_50 : memref<16x128xf32, #tpu.memory_space<vmem>>) dst(%dma_wait3A_47 : memref<16x128xf32, #tpu.memory_space<vmem_shared>>)
        tpu.yield
      }) : () -> ()
    } else {
    }
    %barrier3A = arith.constant 0 : index
    tpu.barrier barrier_id(%barrier3A)
    %scan3A_13 = arith.constant 0 : i32
    %scan3A_14 = arith.constant 79 : i32
    %scan3A_15 = arith.addi %scan3A_13, %scan3A_14 : i32
    %scan3A_16 = arith.constant 1 : i32
    scf.for %scan3A_29 = %scan3A_13 to %scan3A_15 step %scan3A_16  : i32 {
      %mul3A_30 = arith.constant 1 : i32
      %mul3A_31 = arith.muli %scan3A_29, %mul3A_30 : i32
      %add3A_32 = arith.constant 0 : i32
      %add3A_33 = arith.addi %add3A_32, %mul3A_31 : i32
      %mul3A_34 = arith.constant 16 : i32
      %mul3A_35 = arith.muli %add3A_33, %mul3A_34 : i32
      %add3A_36 = arith.addi %arg1, %mul3A_35 : i32
      %lt3A = arith.constant 1250 : i32
      %lt3A_37 = arith.cmpi slt, %add3A_36, %lt3A : i32
      %convert_element_type3A_38 = arith.extui %lt3A_37 : i1 to i32
      %cond3A_39 = arith.constant 0 : i32
      %cond3A_40 = arith.cmpi ne, %convert_element_type3A_38, %cond3A_39 : i32
      scf.if %cond3A_40 {
        %mul3A_41 = arith.constant 128 : i32
        %mul3A_42 = arith.muli %add3A_36, %mul3A_41 : i32
        "tpu.region"() ({
          %run_scoped3A = tpu.sem_alloc : memref<!tpu.dma_semaphore, #tpu.memory_space<semaphore_mem>>
          %dma_start3A = tpu.memref_slice %arg4[%mul3A_42] : memref<160000xi32, #tpu.memory_space<hbm>> -> memref<128xi32, #tpu.memory_space<hbm>>
          %dma_start3A_53 = tpu.memref_slice %arg4[%mul3A_42] : memref<160000xi32, #tpu.memory_space<hbm>> -> memref<128xi32, #tpu.memory_space<hbm>>
          tpu.enqueue_dma source(%dma_start3A_53 : memref<128xi32, #tpu.memory_space<hbm>>) target(%arg8 : memref<128xi32, #tpu.memory_space<vmem>>) target_semaphore(%run_scoped3A : memref<!tpu.dma_semaphore, #tpu.memory_space<semaphore_mem>>)
          %dma_wait3A = tpu.memref_slice %arg4[%mul3A_42] : memref<160000xi32, #tpu.memory_space<hbm>> -> memref<128xi32, #tpu.memory_space<hbm>>
          %dma_wait3A_54 = tpu.memref_slice %arg4[%mul3A_42] : memref<160000xi32, #tpu.memory_space<hbm>> -> memref<128xi32, #tpu.memory_space<hbm>>
          tpu.wait_dma2 semaphore(%run_scoped3A : memref<!tpu.dma_semaphore, #tpu.memory_space<semaphore_mem>>) src(%dma_wait3A_54 : memref<128xi32, #tpu.memory_space<hbm>>) dst(%arg8 : memref<128xi32, #tpu.memory_space<vmem>>)
          tpu.yield
        }) : () -> ()
        "tpu.region"() ({
          %run_scoped3A = tpu.sem_alloc : memref<!tpu.dma_semaphore, #tpu.memory_space<semaphore_mem>>
          %dma_start3A = tpu.memref_slice %arg5[%mul3A_42] : memref<160000xi32, #tpu.memory_space<hbm>> -> memref<128xi32, #tpu.memory_space<hbm>>
          %dma_start3A_53 = tpu.memref_slice %arg5[%mul3A_42] : memref<160000xi32, #tpu.memory_space<hbm>> -> memref<128xi32, #tpu.memory_space<hbm>>
          tpu.enqueue_dma source(%dma_start3A_53 : memref<128xi32, #tpu.memory_space<hbm>>) target(%arg9 : memref<128xi32, #tpu.memory_space<vmem>>) target_semaphore(%run_scoped3A : memref<!tpu.dma_semaphore, #tpu.memory_space<semaphore_mem>>)
          %dma_wait3A = tpu.memref_slice %arg5[%mul3A_42] : memref<160000xi32, #tpu.memory_space<hbm>> -> memref<128xi32, #tpu.memory_space<hbm>>
          %dma_wait3A_54 = tpu.memref_slice %arg5[%mul3A_42] : memref<160000xi32, #tpu.memory_space<hbm>> -> memref<128xi32, #tpu.memory_space<hbm>>
          tpu.wait_dma2 semaphore(%run_scoped3A : memref<!tpu.dma_semaphore, #tpu.memory_space<semaphore_mem>>) src(%dma_wait3A_54 : memref<128xi32, #tpu.memory_space<hbm>>) dst(%arg9 : memref<128xi32, #tpu.memory_space<vmem>>)
          tpu.yield
        }) : () -> ()
        %eq3A_43 = arith.constant 0 : i32
        %eq3A_44 = arith.cmpi eq, %arg0, %eq3A_43 : i32
        %convert_element_type3A_45 = arith.extui %eq3A_44 : i1 to i32
        %cond3A_46 = arith.constant 0 : i32
        %cond3A_47 = arith.cmpi ne, %convert_element_type3A_45, %cond3A_46 : i32
        scf.if %cond3A_47 {
          %dma_start3A = arith.constant 0 : i32
          %dma_start3A_53 = arith.constant 0 : i32
          %dma_start3A_54 = tpu.memref_slice %arg2[%dma_start3A, %dma_start3A_53] : memref<10000x128xf32, #tpu.memory_space<hbm>> -> memref<10000x128xf32, #tpu.memory_space<hbm>>
          tpu.enqueue_indirect_dma source(%dma_start3A_54 : memref<10000x128xf32, #tpu.memory_space<hbm>>) target(%arg10 : memref<128x128xf32, #tpu.memory_space<vmem>>) offsets(%arg8 : memref<128xi32, #tpu.memory_space<vmem>>) semaphore(%arg12 : memref<!tpu.dma_semaphore, #tpu.memory_space<semaphore_mem>>)
          %dma_wait3A = arith.constant 0 : i32
          %dma_wait3A_55 = arith.constant 0 : i32
          %dma_wait3A_56 = tpu.memref_slice %arg2[%dma_wait3A, %dma_wait3A_55] : memref<10000x128xf32, #tpu.memory_space<hbm>> -> memref<10000x128xf32, #tpu.memory_space<hbm>>
          tpu.wait_indirect_dma semaphore(%arg12 : memref<!tpu.dma_semaphore, #tpu.memory_space<semaphore_mem>>) src(%dma_wait3A_56 : memref<10000x128xf32, #tpu.memory_space<hbm>>) dst(%arg10 : memref<128x128xf32, #tpu.memory_space<vmem>>)
        } else {
        }
        %eq3A_48 = arith.constant 1 : i32
        %eq3A_49 = arith.cmpi eq, %arg0, %eq3A_48 : i32
        %convert_element_type3A_50 = arith.extui %eq3A_49 : i1 to i32
        %cond3A_51 = arith.constant 0 : i32
        %cond3A_52 = arith.cmpi ne, %convert_element_type3A_50, %cond3A_51 : i32
        scf.if %cond3A_52 {
          %dma_start3A = arith.constant 0 : i32
          %dma_start3A_53 = arith.constant 0 : i32
          %dma_start3A_54 = tpu.memref_slice %arg3[%dma_start3A, %dma_start3A_53] : memref<10000x128xf32, #tpu.memory_space<hbm>> -> memref<10000x128xf32, #tpu.memory_space<hbm>>
          tpu.enqueue_indirect_dma source(%dma_start3A_54 : memref<10000x128xf32, #tpu.memory_space<hbm>>) target(%arg10 : memref<128x128xf32, #tpu.memory_space<vmem>>) offsets(%arg8 : memref<128xi32, #tpu.memory_space<vmem>>) semaphore(%arg12 : memref<!tpu.dma_semaphore, #tpu.memory_space<semaphore_mem>>)
          %dma_wait3A = arith.constant 0 : i32
          %dma_wait3A_55 = arith.constant 0 : i32
          %dma_wait3A_56 = tpu.memref_slice %arg3[%dma_wait3A, %dma_wait3A_55] : memref<10000x128xf32, #tpu.memory_space<hbm>> -> memref<10000x128xf32, #tpu.memory_space<hbm>>
          tpu.wait_indirect_dma semaphore(%arg12 : memref<!tpu.dma_semaphore, #tpu.memory_space<semaphore_mem>>) src(%dma_wait3A_56 : memref<10000x128xf32, #tpu.memory_space<hbm>>) dst(%arg10 : memref<128x128xf32, #tpu.memory_space<vmem>>)
        } else {
        }
        "tpu.region"() ({
          %run_scoped3A = tpu.sem_alloc : memref<!tpu.dma_semaphore, #tpu.memory_space<semaphore_mem>>
          %dma_start3A = arith.constant 0 : i32
          %dma_start3A_53 = arith.constant 0 : i32
          %dma_start3A_54 = tpu.memref_slice %arg11[%dma_start3A, %dma_start3A_53] : memref<10000x128xf32, #tpu.memory_space<vmem_shared>> -> memref<10000x128xf32, #tpu.memory_space<vmem_shared>>
          tpu.enqueue_indirect_dma source(%arg10 : memref<128x128xf32, #tpu.memory_space<vmem>>) target(%dma_start3A_54 : memref<10000x128xf32, #tpu.memory_space<vmem_shared>>) offsets(%arg9 : memref<128xi32, #tpu.memory_space<vmem>>) semaphore(%run_scoped3A : memref<!tpu.dma_semaphore, #tpu.memory_space<semaphore_mem>>) {add = true}
          %dma_wait3A = arith.constant 0 : i32
          %dma_wait3A_55 = arith.constant 0 : i32
          %dma_wait3A_56 = tpu.memref_slice %arg11[%dma_wait3A, %dma_wait3A_55] : memref<10000x128xf32, #tpu.memory_space<vmem_shared>> -> memref<10000x128xf32, #tpu.memory_space<vmem_shared>>
          tpu.wait_indirect_dma semaphore(%run_scoped3A : memref<!tpu.dma_semaphore, #tpu.memory_space<semaphore_mem>>) src(%arg10 : memref<128x128xf32, #tpu.memory_space<vmem>>) dst(%dma_wait3A_56 : memref<10000x128xf32, #tpu.memory_space<vmem_shared>>)
          tpu.yield
        }) : () -> ()
      } else {
      }
    }
    %scan3A_17 = arith.constant 79 : i32
    %barrier3A_18 = arith.constant 0 : index
    tpu.barrier barrier_id(%barrier3A_18)
    %eq3A_19 = arith.constant 0 : i32
    %eq3A_20 = arith.cmpi eq, %arg0, %eq3A_19 : i32
    %convert_element_type3A_21 = arith.extui %eq3A_20 : i1 to i32
    %cond3A_22 = arith.constant 0 : i32
    %cond3A_23 = arith.cmpi ne, %convert_element_type3A_21, %cond3A_22 : i32
    scf.if %cond3A_23 {
      "tpu.region"() ({
        %run_scoped3A = tpu.sem_alloc : memref<!tpu.dma_semaphore, #tpu.memory_space<semaphore_mem>>
        %dma_start3A = arith.constant 0 : i32
        %dma_start3A_34 = tpu.memref_slice %arg6[%mul3A_4, %dma_start3A] : memref<10000x128xf32, #tpu.memory_space<hbm>> -> memref<624x128xf32, #tpu.memory_space<hbm>>
        %dma_start3A_35 = arith.constant 0 : i32
        %dma_start3A_36 = tpu.memref_slice %arg11[%mul3A_4, %dma_start3A_35] : memref<10000x128xf32, #tpu.memory_space<vmem_shared>> -> memref<624x128xf32, #tpu.memory_space<vmem_shared>>
        tpu.enqueue_dma source(%dma_start3A_36 : memref<624x128xf32, #tpu.memory_space<vmem_shared>>) target(%dma_start3A_34 : memref<624x128xf32, #tpu.memory_space<hbm>>) target_semaphore(%run_scoped3A : memref<!tpu.dma_semaphore, #tpu.memory_space<semaphore_mem>>)
        %dma_wait3A = arith.constant 0 : i32
        %dma_wait3A_37 = tpu.memref_slice %arg6[%mul3A_4, %dma_wait3A] : memref<10000x128xf32, #tpu.memory_space<hbm>> -> memref<624x128xf32, #tpu.memory_space<hbm>>
        %dma_wait3A_38 = arith.constant 0 : i32
        %dma_wait3A_39 = tpu.memref_slice %arg11[%mul3A_4, %dma_wait3A_38] : memref<10000x128xf32, #tpu.memory_space<vmem_shared>> -> memref<624x128xf32, #tpu.memory_space<vmem_shared>>
        tpu.wait_dma2 semaphore(%run_scoped3A : memref<!tpu.dma_semaphore, #tpu.memory_space<semaphore_mem>>) src(%dma_wait3A_39 : memref<624x128xf32, #tpu.memory_space<vmem_shared>>) dst(%dma_wait3A_37 : memref<624x128xf32, #tpu.memory_space<hbm>>)
        tpu.yield
      }) : () -> ()
      %eq3A_29 = arith.constant 15 : i32
      %eq3A_30 = arith.cmpi eq, %arg1, %eq3A_29 : i32
      %convert_element_type3A_31 = arith.extui %eq3A_30 : i1 to i32
      %cond3A_32 = arith.constant 0 : i32
      %cond3A_33 = arith.cmpi ne, %convert_element_type3A_31, %cond3A_32 : i32
      scf.if %cond3A_33 {
        "tpu.region"() ({
          %run_scoped3A = tpu.sem_alloc : memref<!tpu.dma_semaphore, #tpu.memory_space<semaphore_mem>>
          %dma_start3A = arith.constant 9984 : i32
          %dma_start3A_34 = arith.constant 0 : i32
          %dma_start3A_35 = tpu.memref_slice %arg6[%dma_start3A, %dma_start3A_34] : memref<10000x128xf32, #tpu.memory_space<hbm>> -> memref<16x128xf32, #tpu.memory_space<hbm>>
          %dma_start3A_36 = arith.constant 9984 : i32
          %dma_start3A_37 = arith.constant 0 : i32
          %dma_start3A_38 = tpu.memref_slice %arg11[%dma_start3A_36, %dma_start3A_37] : memref<10000x128xf32, #tpu.memory_space<vmem_shared>> -> memref<16x128xf32, #tpu.memory_space<vmem_shared>>
          tpu.enqueue_dma source(%dma_start3A_38 : memref<16x128xf32, #tpu.memory_space<vmem_shared>>) target(%dma_start3A_35 : memref<16x128xf32, #tpu.memory_space<hbm>>) target_semaphore(%run_scoped3A : memref<!tpu.dma_semaphore, #tpu.memory_space<semaphore_mem>>)
          %dma_wait3A = arith.constant 9984 : i32
          %dma_wait3A_39 = arith.constant 0 : i32
          %dma_wait3A_40 = tpu.memref_slice %arg6[%dma_wait3A, %dma_wait3A_39] : memref<10000x128xf32, #tpu.memory_space<hbm>> -> memref<16x128xf32, #tpu.memory_space<hbm>>
          %dma_wait3A_41 = arith.constant 9984 : i32
          %dma_wait3A_42 = arith.constant 0 : i32
          %dma_wait3A_43 = tpu.memref_slice %arg11[%dma_wait3A_41, %dma_wait3A_42] : memref<10000x128xf32, #tpu.memory_space<vmem_shared>> -> memref<16x128xf32, #tpu.memory_space<vmem_shared>>
          tpu.wait_dma2 semaphore(%run_scoped3A : memref<!tpu.dma_semaphore, #tpu.memory_space<semaphore_mem>>) src(%dma_wait3A_43 : memref<16x128xf32, #tpu.memory_space<vmem_shared>>) dst(%dma_wait3A_40 : memref<16x128xf32, #tpu.memory_space<hbm>>)
          tpu.yield
        }) : () -> ()
      } else {
      }
    } else {
    }
    %eq3A_24 = arith.constant 1 : i32
    %eq3A_25 = arith.cmpi eq, %arg0, %eq3A_24 : i32
    %convert_element_type3A_26 = arith.extui %eq3A_25 : i1 to i32
    %cond3A_27 = arith.constant 0 : i32
    %cond3A_28 = arith.cmpi ne, %convert_element_type3A_26, %cond3A_27 : i32
    scf.if %cond3A_28 {
      "tpu.region"() ({
        %run_scoped3A = tpu.sem_alloc : memref<!tpu.dma_semaphore, #tpu.memory_space<semaphore_mem>>
        %dma_start3A = arith.constant 0 : i32
        %dma_start3A_34 = tpu.memref_slice %arg7[%mul3A_4, %dma_start3A] : memref<10000x128xf32, #tpu.memory_space<hbm>> -> memref<624x128xf32, #tpu.memory_space<hbm>>
        %dma_start3A_35 = arith.constant 0 : i32
        %dma_start3A_36 = tpu.memref_slice %arg11[%mul3A_4, %dma_start3A_35] : memref<10000x128xf32, #tpu.memory_space<vmem_shared>> -> memref<624x128xf32, #tpu.memory_space<vmem_shared>>
        tpu.enqueue_dma source(%dma_start3A_36 : memref<624x128xf32, #tpu.memory_space<vmem_shared>>) target(%dma_start3A_34 : memref<624x128xf32, #tpu.memory_space<hbm>>) target_semaphore(%run_scoped3A : memref<!tpu.dma_semaphore, #tpu.memory_space<semaphore_mem>>)
        %dma_wait3A = arith.constant 0 : i32
        %dma_wait3A_37 = tpu.memref_slice %arg7[%mul3A_4, %dma_wait3A] : memref<10000x128xf32, #tpu.memory_space<hbm>> -> memref<624x128xf32, #tpu.memory_space<hbm>>
        %dma_wait3A_38 = arith.constant 0 : i32
        %dma_wait3A_39 = tpu.memref_slice %arg11[%mul3A_4, %dma_wait3A_38] : memref<10000x128xf32, #tpu.memory_space<vmem_shared>> -> memref<624x128xf32, #tpu.memory_space<vmem_shared>>
        tpu.wait_dma2 semaphore(%run_scoped3A : memref<!tpu.dma_semaphore, #tpu.memory_space<semaphore_mem>>) src(%dma_wait3A_39 : memref<624x128xf32, #tpu.memory_space<vmem_shared>>) dst(%dma_wait3A_37 : memref<624x128xf32, #tpu.memory_space<hbm>>)
        tpu.yield
      }) : () -> ()
      %eq3A_29 = arith.constant 15 : i32
      %eq3A_30 = arith.cmpi eq, %arg1, %eq3A_29 : i32
      %convert_element_type3A_31 = arith.extui %eq3A_30 : i1 to i32
      %cond3A_32 = arith.constant 0 : i32
      %cond3A_33 = arith.cmpi ne, %convert_element_type3A_31, %cond3A_32 : i32
      scf.if %cond3A_33 {
        "tpu.region"() ({
          %run_scoped3A = tpu.sem_alloc : memref<!tpu.dma_semaphore, #tpu.memory_space<semaphore_mem>>
          %dma_start3A = arith.constant 9984 : i32
          %dma_start3A_34 = arith.constant 0 : i32
          %dma_start3A_35 = tpu.memref_slice %arg7[%dma_start3A, %dma_start3A_34] : memref<10000x128xf32, #tpu.memory_space<hbm>> -> memref<16x128xf32, #tpu.memory_space<hbm>>
          %dma_start3A_36 = arith.constant 9984 : i32
          %dma_start3A_37 = arith.constant 0 : i32
          %dma_start3A_38 = tpu.memref_slice %arg11[%dma_start3A_36, %dma_start3A_37] : memref<10000x128xf32, #tpu.memory_space<vmem_shared>> -> memref<16x128xf32, #tpu.memory_space<vmem_shared>>
          tpu.enqueue_dma source(%dma_start3A_38 : memref<16x128xf32, #tpu.memory_space<vmem_shared>>) target(%dma_start3A_35 : memref<16x128xf32, #tpu.memory_space<hbm>>) target_semaphore(%run_scoped3A : memref<!tpu.dma_semaphore, #tpu.memory_space<semaphore_mem>>)
          %dma_wait3A = arith.constant 9984 : i32
          %dma_wait3A_39 = arith.constant 0 : i32
          %dma_wait3A_40 = tpu.memref_slice %arg7[%dma_wait3A, %dma_wait3A_39] : memref<10000x128xf32, #tpu.memory_space<hbm>> -> memref<16x128xf32, #tpu.memory_space<hbm>>
          %dma_wait3A_41 = arith.constant 9984 : i32
          %dma_wait3A_42 = arith.constant 0 : i32
          %dma_wait3A_43 = tpu.memref_slice %arg11[%dma_wait3A_41, %dma_wait3A_42] : memref<10000x128xf32, #tpu.memory_space<vmem_shared>> -> memref<16x128xf32, #tpu.memory_space<vmem_shared>>
          tpu.wait_dma2 semaphore(%run_scoped3A : memref<!tpu.dma_semaphore, #tpu.memory_space<semaphore_mem>>) src(%dma_wait3A_43 : memref<16x128xf32, #tpu.memory_space<vmem_shared>>) dst(%dma_wait3A_40 : memref<16x128xf32, #tpu.memory_space<hbm>>)
          tpu.yield
        }) : () -> ()
      } else {
      }
    } else {
    }
    return
  }
}

#map = affine_map<(d0, d1) -> (0, 0)>
#map1 = affine_map<(d0, d1) -> (0)>
module attributes {stable_mosaic.version = 14 : i64} {
  func.func @_agg_pad_body(%arg0: i32, %arg1: i32, %arg2: memref<10000x128xf32, #tpu.memory_space<hbm>>, %arg3: memref<160000xi32, #tpu.memory_space<hbm>>, %arg4: memref<160000xi32, #tpu.memory_space<hbm>>, %arg5: memref<10000x128xf32, #tpu.memory_space<hbm>>, %arg6: memref<10000x128xf32, #tpu.memory_space<hbm>>, %arg7: memref<128xi32, #tpu.memory_space<vmem>>, %arg8: memref<128xi32, #tpu.memory_space<vmem>>, %arg9: memref<128x128xf32, #tpu.memory_space<vmem>>, %arg10: memref<10000x128xf32, #tpu.memory_space<vmem_shared>>, %arg11: memref<!tpu.dma_semaphore, #tpu.memory_space<semaphore_mem>>) attributes {dimension_semantics = [#tpu.dimension_semantics<core_parallel>, #tpu.dimension_semantics<subcore_parallel>], iteration_bounds = array<i64: 2, 16>, scalar_prefetch = 0 : i64, scratch_operands = 5 : i64, tpu.core_type = #tpu.core_type<sc_vector_subcore>, window_params = [{transform_indices = #map}, {transform_indices = #map1}, {transform_indices = #map1}, {transform_indices = #map}, {transform_indices = #map}]} {
    %scan3A = arith.constant 0 : i32
    %scan3A_0 = arith.constant 128 : i32
    %scan3A_1 = arith.addi %scan3A, %scan3A_0 : i32
    %scan3A_2 = arith.constant 1 : i32
    scf.for %scan3A_31 = %scan3A to %scan3A_1 step %scan3A_2  : i32 {
      %mul3A_32 = arith.constant 1 : i32
      %mul3A_33 = arith.muli %scan3A_31, %mul3A_32 : i32
      %add3A_34 = arith.constant 0 : i32
      %add3A_35 = arith.addi %add3A_34, %mul3A_33 : i32
      %broadcast_in_dim3A = arith.constant 0.000000e+00 : f32
      %broadcast_in_dim3A_36 = vector.broadcast %broadcast_in_dim3A : f32 to vector<16xf32>
      %swap3A = arith.index_cast %add3A_35 : i32 to index
      %swap3A_37 = arith.constant 0 : index
      %swap3A_38 = tpu.vector_load %arg9[%swap3A, %swap3A_37] {strides = array<i32>} : memref<128x128xf32, #tpu.memory_space<vmem>>, vector<1x16xf32>,
      %swap3A_39 = vector.shape_cast %swap3A_38 : vector<1x16xf32> to vector<16xf32>
      %swap3A_40 = vector.shape_cast %broadcast_in_dim3A_36 : vector<16xf32> to vector<1x16xf32>
      tpu.vector_store %arg9[%swap3A, %swap3A_37], %swap3A_40 {strides = array<i32>} : memref<128x128xf32, #tpu.memory_space<vmem>>, vector<1x16xf32>,
      %broadcast_in_dim3A_41 = arith.constant 0.000000e+00 : f32
      %broadcast_in_dim3A_42 = vector.broadcast %broadcast_in_dim3A_41 : f32 to vector<16xf32>
      %swap3A_43 = arith.index_cast %add3A_35 : i32 to index
      %swap3A_44 = arith.constant 16 : index
      %swap3A_45 = tpu.vector_load %arg9[%swap3A_43, %swap3A_44] {strides = array<i32>} : memref<128x128xf32, #tpu.memory_space<vmem>>, vector<1x16xf32>,
      %swap3A_46 = vector.shape_cast %swap3A_45 : vector<1x16xf32> to vector<16xf32>
      %swap3A_47 = vector.shape_cast %broadcast_in_dim3A_42 : vector<16xf32> to vector<1x16xf32>
      tpu.vector_store %arg9[%swap3A_43, %swap3A_44], %swap3A_47 {strides = array<i32>} : memref<128x128xf32, #tpu.memory_space<vmem>>, vector<1x16xf32>,
      %broadcast_in_dim3A_48 = arith.constant 0.000000e+00 : f32
      %broadcast_in_dim3A_49 = vector.broadcast %broadcast_in_dim3A_48 : f32 to vector<16xf32>
      %swap3A_50 = arith.index_cast %add3A_35 : i32 to index
      %swap3A_51 = arith.constant 32 : index
      %swap3A_52 = tpu.vector_load %arg9[%swap3A_50, %swap3A_51] {strides = array<i32>} : memref<128x128xf32, #tpu.memory_space<vmem>>, vector<1x16xf32>,
      %swap3A_53 = vector.shape_cast %swap3A_52 : vector<1x16xf32> to vector<16xf32>
      %swap3A_54 = vector.shape_cast %broadcast_in_dim3A_49 : vector<16xf32> to vector<1x16xf32>
      tpu.vector_store %arg9[%swap3A_50, %swap3A_51], %swap3A_54 {strides = array<i32>} : memref<128x128xf32, #tpu.memory_space<vmem>>, vector<1x16xf32>,
      %broadcast_in_dim3A_55 = arith.constant 0.000000e+00 : f32
      %broadcast_in_dim3A_56 = vector.broadcast %broadcast_in_dim3A_55 : f32 to vector<16xf32>
      %swap3A_57 = arith.index_cast %add3A_35 : i32 to index
      %swap3A_58 = arith.constant 48 : index
      %swap3A_59 = tpu.vector_load %arg9[%swap3A_57, %swap3A_58] {strides = array<i32>} : memref<128x128xf32, #tpu.memory_space<vmem>>, vector<1x16xf32>,
      %swap3A_60 = vector.shape_cast %swap3A_59 : vector<1x16xf32> to vector<16xf32>
      %swap3A_61 = vector.shape_cast %broadcast_in_dim3A_56 : vector<16xf32> to vector<1x16xf32>
      tpu.vector_store %arg9[%swap3A_57, %swap3A_58], %swap3A_61 {strides = array<i32>} : memref<128x128xf32, #tpu.memory_space<vmem>>, vector<1x16xf32>,
      %broadcast_in_dim3A_62 = arith.constant 0.000000e+00 : f32
      %broadcast_in_dim3A_63 = vector.broadcast %broadcast_in_dim3A_62 : f32 to vector<16xf32>
      %swap3A_64 = arith.index_cast %add3A_35 : i32 to index
      %swap3A_65 = arith.constant 64 : index
      %swap3A_66 = tpu.vector_load %arg9[%swap3A_64, %swap3A_65] {strides = array<i32>} : memref<128x128xf32, #tpu.memory_space<vmem>>, vector<1x16xf32>,
      %swap3A_67 = vector.shape_cast %swap3A_66 : vector<1x16xf32> to vector<16xf32>
      %swap3A_68 = vector.shape_cast %broadcast_in_dim3A_63 : vector<16xf32> to vector<1x16xf32>
      tpu.vector_store %arg9[%swap3A_64, %swap3A_65], %swap3A_68 {strides = array<i32>} : memref<128x128xf32, #tpu.memory_space<vmem>>, vector<1x16xf32>,
      %broadcast_in_dim3A_69 = arith.constant 0.000000e+00 : f32
      %broadcast_in_dim3A_70 = vector.broadcast %broadcast_in_dim3A_69 : f32 to vector<16xf32>
      %swap3A_71 = arith.index_cast %add3A_35 : i32 to index
      %swap3A_72 = arith.constant 80 : index
      %swap3A_73 = tpu.vector_load %arg9[%swap3A_71, %swap3A_72] {strides = array<i32>} : memref<128x128xf32, #tpu.memory_space<vmem>>, vector<1x16xf32>,
      %swap3A_74 = vector.shape_cast %swap3A_73 : vector<1x16xf32> to vector<16xf32>
      %swap3A_75 = vector.shape_cast %broadcast_in_dim3A_70 : vector<16xf32> to vector<1x16xf32>
      tpu.vector_store %arg9[%swap3A_71, %swap3A_72], %swap3A_75 {strides = array<i32>} : memref<128x128xf32, #tpu.memory_space<vmem>>, vector<1x16xf32>,
      %broadcast_in_dim3A_76 = arith.constant 0.000000e+00 : f32
      %broadcast_in_dim3A_77 = vector.broadcast %broadcast_in_dim3A_76 : f32 to vector<16xf32>
      %swap3A_78 = arith.index_cast %add3A_35 : i32 to index
      %swap3A_79 = arith.constant 96 : index
      %swap3A_80 = tpu.vector_load %arg9[%swap3A_78, %swap3A_79] {strides = array<i32>} : memref<128x128xf32, #tpu.memory_space<vmem>>, vector<1x16xf32>,
      %swap3A_81 = vector.shape_cast %swap3A_80 : vector<1x16xf32> to vector<16xf32>
      %swap3A_82 = vector.shape_cast %broadcast_in_dim3A_77 : vector<16xf32> to vector<1x16xf32>
      tpu.vector_store %arg9[%swap3A_78, %swap3A_79], %swap3A_82 {strides = array<i32>} : memref<128x128xf32, #tpu.memory_space<vmem>>, vector<1x16xf32>,
      %broadcast_in_dim3A_83 = arith.constant 0.000000e+00 : f32
      %broadcast_in_dim3A_84 = vector.broadcast %broadcast_in_dim3A_83 : f32 to vector<16xf32>
      %swap3A_85 = arith.index_cast %add3A_35 : i32 to index
      %swap3A_86 = arith.constant 112 : index
      %swap3A_87 = tpu.vector_load %arg9[%swap3A_85, %swap3A_86] {strides = array<i32>} : memref<128x128xf32, #tpu.memory_space<vmem>>, vector<1x16xf32>,
      %swap3A_88 = vector.shape_cast %swap3A_87 : vector<1x16xf32> to vector<16xf32>
      %swap3A_89 = vector.shape_cast %broadcast_in_dim3A_84 : vector<16xf32> to vector<1x16xf32>
      tpu.vector_store %arg9[%swap3A_85, %swap3A_86], %swap3A_89 {strides = array<i32>} : memref<128x128xf32, #tpu.memory_space<vmem>>, vector<1x16xf32>,
    }
    %scan3A_3 = arith.constant 128 : i32
    %mul3A = arith.constant 624 : i32
    %mul3A_4 = arith.muli %arg1, %mul3A : i32
    %scan3A_5 = arith.constant 0 : i32
    %scan3A_6 = arith.constant 4 : i32
    %scan3A_7 = arith.addi %scan3A_5, %scan3A_6 : i32
    %scan3A_8 = arith.constant 1 : i32
    scf.for %scan3A_31 = %scan3A_5 to %scan3A_7 step %scan3A_8  : i32 {
      %mul3A_32 = arith.constant 1 : i32
      %mul3A_33 = arith.muli %scan3A_31, %mul3A_32 : i32
      %add3A_34 = arith.constant 0 : i32
      %add3A_35 = arith.addi %add3A_34, %mul3A_33 : i32
      %mul3A_36 = arith.constant 128 : i32
      %mul3A_37 = arith.muli %add3A_35, %mul3A_36 : i32
      %add3A_38 = arith.addi %mul3A_4, %mul3A_37 : i32
      "tpu.region"() ({
        %run_scoped3A = tpu.sem_alloc : memref<!tpu.dma_semaphore, #tpu.memory_space<semaphore_mem>>
        %dma_start3A = arith.constant 0 : i32
        %dma_start3A_39 = tpu.memref_slice %arg10[%add3A_38, %dma_start3A] : memref<10000x128xf32, #tpu.memory_space<vmem_shared>> -> memref<128x128xf32, #tpu.memory_space<vmem_shared>>
        %dma_start3A_40 = arith.constant 0 : i32
        %dma_start3A_41 = tpu.memref_slice %arg10[%add3A_38, %dma_start3A_40] : memref<10000x128xf32, #tpu.memory_space<vmem_shared>> -> memref<128x128xf32, #tpu.memory_space<vmem_shared>>
        tpu.enqueue_dma source(%arg9 : memref<128x128xf32, #tpu.memory_space<vmem>>) target(%dma_start3A_41 : memref<128x128xf32, #tpu.memory_space<vmem_shared>>) target_semaphore(%run_scoped3A : memref<!tpu.dma_semaphore, #tpu.memory_space<semaphore_mem>>)
        %dma_wait3A = arith.constant 0 : i32
        %dma_wait3A_42 = tpu.memref_slice %arg10[%add3A_38, %dma_wait3A] : memref<10000x128xf32, #tpu.memory_space<vmem_shared>> -> memref<128x128xf32, #tpu.memory_space<vmem_shared>>
        %dma_wait3A_43 = arith.constant 0 : i32
        %dma_wait3A_44 = tpu.memref_slice %arg10[%add3A_38, %dma_wait3A_43] : memref<10000x128xf32, #tpu.memory_space<vmem_shared>> -> memref<128x128xf32, #tpu.memory_space<vmem_shared>>
        tpu.wait_dma2 semaphore(%run_scoped3A : memref<!tpu.dma_semaphore, #tpu.memory_space<semaphore_mem>>) src(%arg9 : memref<128x128xf32, #tpu.memory_space<vmem>>) dst(%dma_wait3A_44 : memref<128x128xf32, #tpu.memory_space<vmem_shared>>)
        tpu.yield
      }) : () -> ()
    }
    %scan3A_9 = arith.constant 4 : i32
    %add3A = arith.constant 512 : i32
    %add3A_10 = arith.addi %mul3A_4, %add3A : i32
    "tpu.region"() ({
      %run_scoped3A = tpu.sem_alloc : memref<!tpu.dma_semaphore, #tpu.memory_space<semaphore_mem>>
      %dma_start3A = arith.constant 0 : i32
      %dma_start3A_31 = arith.constant 0 : i32
      %dma_start3A_32 = tpu.memref_slice %arg9[%dma_start3A, %dma_start3A_31] : memref<128x128xf32, #tpu.memory_space<vmem>> -> memref<112x128xf32, #tpu.memory_space<vmem>>
      %dma_start3A_33 = arith.constant 0 : i32
      %dma_start3A_34 = tpu.memref_slice %arg10[%add3A_10, %dma_start3A_33] : memref<10000x128xf32, #tpu.memory_space<vmem_shared>> -> memref<112x128xf32, #tpu.memory_space<vmem_shared>>
      %dma_start3A_35 = arith.constant 0 : i32
      %dma_start3A_36 = tpu.memref_slice %arg10[%add3A_10, %dma_start3A_35] : memref<10000x128xf32, #tpu.memory_space<vmem_shared>> -> memref<112x128xf32, #tpu.memory_space<vmem_shared>>
      %dma_start3A_37 = arith.constant 0 : i32
      %dma_start3A_38 = arith.constant 0 : i32
      %dma_start3A_39 = tpu.memref_slice %arg9[%dma_start3A_37, %dma_start3A_38] : memref<128x128xf32, #tpu.memory_space<vmem>> -> memref<112x128xf32, #tpu.memory_space<vmem>>
      tpu.enqueue_dma source(%dma_start3A_39 : memref<112x128xf32, #tpu.memory_space<vmem>>) target(%dma_start3A_36 : memref<112x128xf32, #tpu.memory_space<vmem_shared>>) target_semaphore(%run_scoped3A : memref<!tpu.dma_semaphore, #tpu.memory_space<semaphore_mem>>)
      %dma_wait3A = arith.constant 0 : i32
      %dma_wait3A_40 = arith.constant 0 : i32
      %dma_wait3A_41 = tpu.memref_slice %arg9[%dma_wait3A, %dma_wait3A_40] : memref<128x128xf32, #tpu.memory_space<vmem>> -> memref<112x128xf32, #tpu.memory_space<vmem>>
      %dma_wait3A_42 = arith.constant 0 : i32
      %dma_wait3A_43 = tpu.memref_slice %arg10[%add3A_10, %dma_wait3A_42] : memref<10000x128xf32, #tpu.memory_space<vmem_shared>> -> memref<112x128xf32, #tpu.memory_space<vmem_shared>>
      %dma_wait3A_44 = arith.constant 0 : i32
      %dma_wait3A_45 = tpu.memref_slice %arg10[%add3A_10, %dma_wait3A_44] : memref<10000x128xf32, #tpu.memory_space<vmem_shared>> -> memref<112x128xf32, #tpu.memory_space<vmem_shared>>
      %dma_wait3A_46 = arith.constant 0 : i32
      %dma_wait3A_47 = arith.constant 0 : i32
      %dma_wait3A_48 = tpu.memref_slice %arg9[%dma_wait3A_46, %dma_wait3A_47] : memref<128x128xf32, #tpu.memory_space<vmem>> -> memref<112x128xf32, #tpu.memory_space<vmem>>
      tpu.wait_dma2 semaphore(%run_scoped3A : memref<!tpu.dma_semaphore, #tpu.memory_space<semaphore_mem>>) src(%dma_wait3A_48 : memref<112x128xf32, #tpu.memory_space<vmem>>) dst(%dma_wait3A_45 : memref<112x128xf32, #tpu.memory_space<vmem_shared>>)
      tpu.yield
    }) : () -> ()
    %eq3A = arith.constant 15 : i32
    %eq3A_11 = arith.cmpi eq, %arg1, %eq3A : i32
    %convert_element_type3A = arith.extui %eq3A_11 : i1 to i32
    %cond3A = arith.constant 0 : i32
    %cond3A_12 = arith.cmpi ne, %convert_element_type3A, %cond3A : i32
    scf.if %cond3A_12 {
      "tpu.region"() ({
        %run_scoped3A = tpu.sem_alloc : memref<!tpu.dma_semaphore, #tpu.memory_space<semaphore_mem>>
        %dma_start3A = arith.constant 0 : i32
        %dma_start3A_31 = arith.constant 0 : i32
        %dma_start3A_32 = tpu.memref_slice %arg9[%dma_start3A, %dma_start3A_31] : memref<128x128xf32, #tpu.memory_space<vmem>> -> memref<16x128xf32, #tpu.memory_space<vmem>>
        %dma_start3A_33 = arith.constant 9984 : i32
        %dma_start3A_34 = arith.constant 0 : i32
        %dma_start3A_35 = tpu.memref_slice %arg10[%dma_start3A_33, %dma_start3A_34] : memref<10000x128xf32, #tpu.memory_space<vmem_shared>> -> memref<16x128xf32, #tpu.memory_space<vmem_shared>>
        %dma_start3A_36 = arith.constant 9984 : i32
        %dma_start3A_37 = arith.constant 0 : i32
        %dma_start3A_38 = tpu.memref_slice %arg10[%dma_start3A_36, %dma_start3A_37] : memref<10000x128xf32, #tpu.memory_space<vmem_shared>> -> memref<16x128xf32, #tpu.memory_space<vmem_shared>>
        %dma_start3A_39 = arith.constant 0 : i32
        %dma_start3A_40 = arith.constant 0 : i32
        %dma_start3A_41 = tpu.memref_slice %arg9[%dma_start3A_39, %dma_start3A_40] : memref<128x128xf32, #tpu.memory_space<vmem>> -> memref<16x128xf32, #tpu.memory_space<vmem>>
        tpu.enqueue_dma source(%dma_start3A_41 : memref<16x128xf32, #tpu.memory_space<vmem>>) target(%dma_start3A_38 : memref<16x128xf32, #tpu.memory_space<vmem_shared>>) target_semaphore(%run_scoped3A : memref<!tpu.dma_semaphore, #tpu.memory_space<semaphore_mem>>)
        %dma_wait3A = arith.constant 0 : i32
        %dma_wait3A_42 = arith.constant 0 : i32
        %dma_wait3A_43 = tpu.memref_slice %arg9[%dma_wait3A, %dma_wait3A_42] : memref<128x128xf32, #tpu.memory_space<vmem>> -> memref<16x128xf32, #tpu.memory_space<vmem>>
        %dma_wait3A_44 = arith.constant 9984 : i32
        %dma_wait3A_45 = arith.constant 0 : i32
        %dma_wait3A_46 = tpu.memref_slice %arg10[%dma_wait3A_44, %dma_wait3A_45] : memref<10000x128xf32, #tpu.memory_space<vmem_shared>> -> memref<16x128xf32, #tpu.memory_space<vmem_shared>>
        %dma_wait3A_47 = arith.constant 9984 : i32
        %dma_wait3A_48 = arith.constant 0 : i32
        %dma_wait3A_49 = tpu.memref_slice %arg10[%dma_wait3A_47, %dma_wait3A_48] : memref<10000x128xf32, #tpu.memory_space<vmem_shared>> -> memref<16x128xf32, #tpu.memory_space<vmem_shared>>
        %dma_wait3A_50 = arith.constant 0 : i32
        %dma_wait3A_51 = arith.constant 0 : i32
        %dma_wait3A_52 = tpu.memref_slice %arg9[%dma_wait3A_50, %dma_wait3A_51] : memref<128x128xf32, #tpu.memory_space<vmem>> -> memref<16x128xf32, #tpu.memory_space<vmem>>
        tpu.wait_dma2 semaphore(%run_scoped3A : memref<!tpu.dma_semaphore, #tpu.memory_space<semaphore_mem>>) src(%dma_wait3A_52 : memref<16x128xf32, #tpu.memory_space<vmem>>) dst(%dma_wait3A_49 : memref<16x128xf32, #tpu.memory_space<vmem_shared>>)
        tpu.yield
      }) : () -> ()
    } else {
    }
    %barrier3A = arith.constant 0 : index
    tpu.barrier barrier_id(%barrier3A)
    %mul3A_13 = arith.constant 80000 : i32
    %mul3A_14 = arith.muli %arg0, %mul3A_13 : i32
    %scan3A_15 = arith.constant 0 : i32
    %scan3A_16 = arith.constant 40 : i32
    %scan3A_17 = arith.addi %scan3A_15, %scan3A_16 : i32
    %scan3A_18 = arith.constant 1 : i32
    scf.for %scan3A_31 = %scan3A_15 to %scan3A_17 step %scan3A_18  : i32 {
      %mul3A_32 = arith.constant 1 : i32
      %mul3A_33 = arith.muli %scan3A_31, %mul3A_32 : i32
      %add3A_34 = arith.constant 0 : i32
      %add3A_35 = arith.addi %add3A_34, %mul3A_33 : i32
      %mul3A_36 = arith.constant 16 : i32
      %mul3A_37 = arith.muli %add3A_35, %mul3A_36 : i32
      %add3A_38 = arith.addi %arg1, %mul3A_37 : i32
      %lt3A = arith.constant 625 : i32
      %lt3A_39 = arith.cmpi slt, %add3A_38, %lt3A : i32
      %convert_element_type3A_40 = arith.extui %lt3A_39 : i1 to i32
      %cond3A_41 = arith.constant 0 : i32
      %cond3A_42 = arith.cmpi ne, %convert_element_type3A_40, %cond3A_41 : i32
      scf.if %cond3A_42 {
        %mul3A_43 = arith.constant 128 : i32
        %mul3A_44 = arith.muli %add3A_38, %mul3A_43 : i32
        %add3A_45 = arith.addi %mul3A_14, %mul3A_44 : i32
        "tpu.region"() ({
          %run_scoped3A = tpu.sem_alloc : memref<!tpu.dma_semaphore, #tpu.memory_space<semaphore_mem>>
          %dma_start3A_50 = tpu.memref_slice %arg3[%add3A_45] : memref<160000xi32, #tpu.memory_space<hbm>> -> memref<128xi32, #tpu.memory_space<hbm>>
          %dma_start3A_51 = tpu.memref_slice %arg3[%add3A_45] : memref<160000xi32, #tpu.memory_space<hbm>> -> memref<128xi32, #tpu.memory_space<hbm>>
          tpu.enqueue_dma source(%dma_start3A_51 : memref<128xi32, #tpu.memory_space<hbm>>) target(%arg7 : memref<128xi32, #tpu.memory_space<vmem>>) target_semaphore(%run_scoped3A : memref<!tpu.dma_semaphore, #tpu.memory_space<semaphore_mem>>)
          %dma_wait3A_52 = tpu.memref_slice %arg3[%add3A_45] : memref<160000xi32, #tpu.memory_space<hbm>> -> memref<128xi32, #tpu.memory_space<hbm>>
          %dma_wait3A_53 = tpu.memref_slice %arg3[%add3A_45] : memref<160000xi32, #tpu.memory_space<hbm>> -> memref<128xi32, #tpu.memory_space<hbm>>
          tpu.wait_dma2 semaphore(%run_scoped3A : memref<!tpu.dma_semaphore, #tpu.memory_space<semaphore_mem>>) src(%dma_wait3A_53 : memref<128xi32, #tpu.memory_space<hbm>>) dst(%arg7 : memref<128xi32, #tpu.memory_space<vmem>>)
          tpu.yield
        }) : () -> ()
        "tpu.region"() ({
          %run_scoped3A = tpu.sem_alloc : memref<!tpu.dma_semaphore, #tpu.memory_space<semaphore_mem>>
          %dma_start3A_50 = tpu.memref_slice %arg4[%add3A_45] : memref<160000xi32, #tpu.memory_space<hbm>> -> memref<128xi32, #tpu.memory_space<hbm>>
          %dma_start3A_51 = tpu.memref_slice %arg4[%add3A_45] : memref<160000xi32, #tpu.memory_space<hbm>> -> memref<128xi32, #tpu.memory_space<hbm>>
          tpu.enqueue_dma source(%dma_start3A_51 : memref<128xi32, #tpu.memory_space<hbm>>) target(%arg8 : memref<128xi32, #tpu.memory_space<vmem>>) target_semaphore(%run_scoped3A : memref<!tpu.dma_semaphore, #tpu.memory_space<semaphore_mem>>)
          %dma_wait3A_52 = tpu.memref_slice %arg4[%add3A_45] : memref<160000xi32, #tpu.memory_space<hbm>> -> memref<128xi32, #tpu.memory_space<hbm>>
          %dma_wait3A_53 = tpu.memref_slice %arg4[%add3A_45] : memref<160000xi32, #tpu.memory_space<hbm>> -> memref<128xi32, #tpu.memory_space<hbm>>
          tpu.wait_dma2 semaphore(%run_scoped3A : memref<!tpu.dma_semaphore, #tpu.memory_space<semaphore_mem>>) src(%dma_wait3A_53 : memref<128xi32, #tpu.memory_space<hbm>>) dst(%arg8 : memref<128xi32, #tpu.memory_space<vmem>>)
          tpu.yield
        }) : () -> ()
        %dma_start3A = arith.constant 0 : i32
        %dma_start3A_46 = arith.constant 0 : i32
        %dma_start3A_47 = tpu.memref_slice %arg2[%dma_start3A, %dma_start3A_46] : memref<10000x128xf32, #tpu.memory_space<hbm>> -> memref<10000x128xf32, #tpu.memory_space<hbm>>
        tpu.enqueue_indirect_dma source(%dma_start3A_47 : memref<10000x128xf32, #tpu.memory_space<hbm>>) target(%arg9 : memref<128x128xf32, #tpu.memory_space<vmem>>) offsets(%arg7 : memref<128xi32, #tpu.memory_space<vmem>>) semaphore(%arg11 : memref<!tpu.dma_semaphore, #tpu.memory_space<semaphore_mem>>)
        %dma_wait3A = arith.constant 0 : i32
        %dma_wait3A_48 = arith.constant 0 : i32
        %dma_wait3A_49 = tpu.memref_slice %arg2[%dma_wait3A, %dma_wait3A_48] : memref<10000x128xf32, #tpu.memory_space<hbm>> -> memref<10000x128xf32, #tpu.memory_space<hbm>>
        tpu.wait_indirect_dma semaphore(%arg11 : memref<!tpu.dma_semaphore, #tpu.memory_space<semaphore_mem>>) src(%dma_wait3A_49 : memref<10000x128xf32, #tpu.memory_space<hbm>>) dst(%arg9 : memref<128x128xf32, #tpu.memory_space<vmem>>)
        "tpu.region"() ({
          %run_scoped3A = tpu.sem_alloc : memref<!tpu.dma_semaphore, #tpu.memory_space<semaphore_mem>>
          %dma_start3A_50 = arith.constant 0 : i32
          %dma_start3A_51 = arith.constant 0 : i32
          %dma_start3A_52 = tpu.memref_slice %arg10[%dma_start3A_50, %dma_start3A_51] : memref<10000x128xf32, #tpu.memory_space<vmem_shared>> -> memref<10000x128xf32, #tpu.memory_space<vmem_shared>>
          tpu.enqueue_indirect_dma source(%arg9 : memref<128x128xf32, #tpu.memory_space<vmem>>) target(%dma_start3A_52 : memref<10000x128xf32, #tpu.memory_space<vmem_shared>>) offsets(%arg8 : memref<128xi32, #tpu.memory_space<vmem>>) semaphore(%run_scoped3A : memref<!tpu.dma_semaphore, #tpu.memory_space<semaphore_mem>>) {add = true}
          %dma_wait3A_53 = arith.constant 0 : i32
          %dma_wait3A_54 = arith.constant 0 : i32
          %dma_wait3A_55 = tpu.memref_slice %arg10[%dma_wait3A_53, %dma_wait3A_54] : memref<10000x128xf32, #tpu.memory_space<vmem_shared>> -> memref<10000x128xf32, #tpu.memory_space<vmem_shared>>
          tpu.wait_indirect_dma semaphore(%run_scoped3A : memref<!tpu.dma_semaphore, #tpu.memory_space<semaphore_mem>>) src(%arg9 : memref<128x128xf32, #tpu.memory_space<vmem>>) dst(%dma_wait3A_55 : memref<10000x128xf32, #tpu.memory_space<vmem_shared>>)
          tpu.yield
        }) : () -> ()
      } else {
      }
    }
    %scan3A_19 = arith.constant 40 : i32
    %barrier3A_20 = arith.constant 0 : index
    tpu.barrier barrier_id(%barrier3A_20)
    %eq3A_21 = arith.constant 0 : i32
    %eq3A_22 = arith.cmpi eq, %arg0, %eq3A_21 : i32
    %convert_element_type3A_23 = arith.extui %eq3A_22 : i1 to i32
    %cond3A_24 = arith.constant 0 : i32
    %cond3A_25 = arith.cmpi ne, %convert_element_type3A_23, %cond3A_24 : i32
    scf.if %cond3A_25 {
      "tpu.region"() ({
        %run_scoped3A = tpu.sem_alloc : memref<!tpu.dma_semaphore, #tpu.memory_space<semaphore_mem>>
        %dma_start3A = arith.constant 0 : i32
        %dma_start3A_36 = tpu.memref_slice %arg5[%mul3A_4, %dma_start3A] : memref<10000x128xf32, #tpu.memory_space<hbm>> -> memref<624x128xf32, #tpu.memory_space<hbm>>
        %dma_start3A_37 = arith.constant 0 : i32
        %dma_start3A_38 = tpu.memref_slice %arg10[%mul3A_4, %dma_start3A_37] : memref<10000x128xf32, #tpu.memory_space<vmem_shared>> -> memref<624x128xf32, #tpu.memory_space<vmem_shared>>
        tpu.enqueue_dma source(%dma_start3A_38 : memref<624x128xf32, #tpu.memory_space<vmem_shared>>) target(%dma_start3A_36 : memref<624x128xf32, #tpu.memory_space<hbm>>) target_semaphore(%run_scoped3A : memref<!tpu.dma_semaphore, #tpu.memory_space<semaphore_mem>>)
        %dma_wait3A = arith.constant 0 : i32
        %dma_wait3A_39 = tpu.memref_slice %arg5[%mul3A_4, %dma_wait3A] : memref<10000x128xf32, #tpu.memory_space<hbm>> -> memref<624x128xf32, #tpu.memory_space<hbm>>
        %dma_wait3A_40 = arith.constant 0 : i32
        %dma_wait3A_41 = tpu.memref_slice %arg10[%mul3A_4, %dma_wait3A_40] : memref<10000x128xf32, #tpu.memory_space<vmem_shared>> -> memref<624x128xf32, #tpu.memory_space<vmem_shared>>
        tpu.wait_dma2 semaphore(%run_scoped3A : memref<!tpu.dma_semaphore, #tpu.memory_space<semaphore_mem>>) src(%dma_wait3A_41 : memref<624x128xf32, #tpu.memory_space<vmem_shared>>) dst(%dma_wait3A_39 : memref<624x128xf32, #tpu.memory_space<hbm>>)
        tpu.yield
      }) : () -> ()
      %eq3A_31 = arith.constant 15 : i32
      %eq3A_32 = arith.cmpi eq, %arg1, %eq3A_31 : i32
      %convert_element_type3A_33 = arith.extui %eq3A_32 : i1 to i32
      %cond3A_34 = arith.constant 0 : i32
      %cond3A_35 = arith.cmpi ne, %convert_element_type3A_33, %cond3A_34 : i32
      scf.if %cond3A_35 {
        "tpu.region"() ({
          %run_scoped3A = tpu.sem_alloc : memref<!tpu.dma_semaphore, #tpu.memory_space<semaphore_mem>>
          %dma_start3A = arith.constant 9984 : i32
          %dma_start3A_36 = arith.constant 0 : i32
          %dma_start3A_37 = tpu.memref_slice %arg5[%dma_start3A, %dma_start3A_36] : memref<10000x128xf32, #tpu.memory_space<hbm>> -> memref<16x128xf32, #tpu.memory_space<hbm>>
          %dma_start3A_38 = arith.constant 9984 : i32
          %dma_start3A_39 = arith.constant 0 : i32
          %dma_start3A_40 = tpu.memref_slice %arg10[%dma_start3A_38, %dma_start3A_39] : memref<10000x128xf32, #tpu.memory_space<vmem_shared>> -> memref<16x128xf32, #tpu.memory_space<vmem_shared>>
          tpu.enqueue_dma source(%dma_start3A_40 : memref<16x128xf32, #tpu.memory_space<vmem_shared>>) target(%dma_start3A_37 : memref<16x128xf32, #tpu.memory_space<hbm>>) target_semaphore(%run_scoped3A : memref<!tpu.dma_semaphore, #tpu.memory_space<semaphore_mem>>)
          %dma_wait3A = arith.constant 9984 : i32
          %dma_wait3A_41 = arith.constant 0 : i32
          %dma_wait3A_42 = tpu.memref_slice %arg5[%dma_wait3A, %dma_wait3A_41] : memref<10000x128xf32, #tpu.memory_space<hbm>> -> memref<16x128xf32, #tpu.memory_space<hbm>>
          %dma_wait3A_43 = arith.constant 9984 : i32
          %dma_wait3A_44 = arith.constant 0 : i32
          %dma_wait3A_45 = tpu.memref_slice %arg10[%dma_wait3A_43, %dma_wait3A_44] : memref<10000x128xf32, #tpu.memory_space<vmem_shared>> -> memref<16x128xf32, #tpu.memory_space<vmem_shared>>
          tpu.wait_dma2 semaphore(%run_scoped3A : memref<!tpu.dma_semaphore, #tpu.memory_space<semaphore_mem>>) src(%dma_wait3A_45 : memref<16x128xf32, #tpu.memory_space<vmem_shared>>) dst(%dma_wait3A_42 : memref<16x128xf32, #tpu.memory_space<hbm>>)
          tpu.yield
        }) : () -> ()
      } else {
      }
    } else {
    }
    %eq3A_26 = arith.constant 1 : i32
    %eq3A_27 = arith.cmpi eq, %arg0, %eq3A_26 : i32
    %convert_element_type3A_28 = arith.extui %eq3A_27 : i1 to i32
    %cond3A_29 = arith.constant 0 : i32
    %cond3A_30 = arith.cmpi ne, %convert_element_type3A_28, %cond3A_29 : i32
    scf.if %cond3A_30 {
      "tpu.region"() ({
        %run_scoped3A = tpu.sem_alloc : memref<!tpu.dma_semaphore, #tpu.memory_space<semaphore_mem>>
        %dma_start3A = arith.constant 0 : i32
        %dma_start3A_36 = tpu.memref_slice %arg6[%mul3A_4, %dma_start3A] : memref<10000x128xf32, #tpu.memory_space<hbm>> -> memref<624x128xf32, #tpu.memory_space<hbm>>
        %dma_start3A_37 = arith.constant 0 : i32
        %dma_start3A_38 = tpu.memref_slice %arg10[%mul3A_4, %dma_start3A_37] : memref<10000x128xf32, #tpu.memory_space<vmem_shared>> -> memref<624x128xf32, #tpu.memory_space<vmem_shared>>
        tpu.enqueue_dma source(%dma_start3A_38 : memref<624x128xf32, #tpu.memory_space<vmem_shared>>) target(%dma_start3A_36 : memref<624x128xf32, #tpu.memory_space<hbm>>) target_semaphore(%run_scoped3A : memref<!tpu.dma_semaphore, #tpu.memory_space<semaphore_mem>>)
        %dma_wait3A = arith.constant 0 : i32
        %dma_wait3A_39 = tpu.memref_slice %arg6[%mul3A_4, %dma_wait3A] : memref<10000x128xf32, #tpu.memory_space<hbm>> -> memref<624x128xf32, #tpu.memory_space<hbm>>
        %dma_wait3A_40 = arith.constant 0 : i32
        %dma_wait3A_41 = tpu.memref_slice %arg10[%mul3A_4, %dma_wait3A_40] : memref<10000x128xf32, #tpu.memory_space<vmem_shared>> -> memref<624x128xf32, #tpu.memory_space<vmem_shared>>
        tpu.wait_dma2 semaphore(%run_scoped3A : memref<!tpu.dma_semaphore, #tpu.memory_space<semaphore_mem>>) src(%dma_wait3A_41 : memref<624x128xf32, #tpu.memory_space<vmem_shared>>) dst(%dma_wait3A_39 : memref<624x128xf32, #tpu.memory_space<hbm>>)
        tpu.yield
      }) : () -> ()
      %eq3A_31 = arith.constant 15 : i32
      %eq3A_32 = arith.cmpi eq, %arg1, %eq3A_31 : i32
      %convert_element_type3A_33 = arith.extui %eq3A_32 : i1 to i32
      %cond3A_34 = arith.constant 0 : i32
      %cond3A_35 = arith.cmpi ne, %convert_element_type3A_33, %cond3A_34 : i32
      scf.if %cond3A_35 {
        "tpu.region"() ({
          %run_scoped3A = tpu.sem_alloc : memref<!tpu.dma_semaphore, #tpu.memory_space<semaphore_mem>>
          %dma_start3A = arith.constant 9984 : i32
          %dma_start3A_36 = arith.constant 0 : i32
          %dma_start3A_37 = tpu.memref_slice %arg6[%dma_start3A, %dma_start3A_36] : memref<10000x128xf32, #tpu.memory_space<hbm>> -> memref<16x128xf32, #tpu.memory_space<hbm>>
          %dma_start3A_38 = arith.constant 9984 : i32
          %dma_start3A_39 = arith.constant 0 : i32
          %dma_start3A_40 = tpu.memref_slice %arg10[%dma_start3A_38, %dma_start3A_39] : memref<10000x128xf32, #tpu.memory_space<vmem_shared>> -> memref<16x128xf32, #tpu.memory_space<vmem_shared>>
          tpu.enqueue_dma source(%dma_start3A_40 : memref<16x128xf32, #tpu.memory_space<vmem_shared>>) target(%dma_start3A_37 : memref<16x128xf32, #tpu.memory_space<hbm>>) target_semaphore(%run_scoped3A : memref<!tpu.dma_semaphore, #tpu.memory_space<semaphore_mem>>)
          %dma_wait3A = arith.constant 9984 : i32
          %dma_wait3A_41 = arith.constant 0 : i32
          %dma_wait3A_42 = tpu.memref_slice %arg6[%dma_wait3A, %dma_wait3A_41] : memref<10000x128xf32, #tpu.memory_space<hbm>> -> memref<16x128xf32, #tpu.memory_space<hbm>>
          %dma_wait3A_43 = arith.constant 9984 : i32
          %dma_wait3A_44 = arith.constant 0 : i32
          %dma_wait3A_45 = tpu.memref_slice %arg10[%dma_wait3A_43, %dma_wait3A_44] : memref<10000x128xf32, #tpu.memory_space<vmem_shared>> -> memref<16x128xf32, #tpu.memory_space<vmem_shared>>
          tpu.wait_dma2 semaphore(%run_scoped3A : memref<!tpu.dma_semaphore, #tpu.memory_space<semaphore_mem>>) src(%dma_wait3A_45 : memref<16x128xf32, #tpu.memory_space<vmem_shared>>) dst(%dma_wait3A_42 : memref<16x128xf32, #tpu.memory_space<hbm>>)
          tpu.yield
        }) : () -> ()
      } else {
      }
    } else {
    }
    return
  }
}

module attributes {stable_mosaic.version = 14 : i64} {
  func.func @_k1_body(%arg0: i32, %arg1: memref<2000x2xf32, #tpu.memory_space<vmem>>, %arg2: memref<2000x256xf32, #tpu.memory_space<vmem>>, %arg3: memref<256x256xf32, #tpu.memory_space<vmem>>, %arg4: memref<2000x128xf32, #tpu.memory_space<vmem>>, %arg5: memref<2000x128xf32, #tpu.memory_space<vmem>>) attributes {dimension_semantics = [#tpu.dimension_semantics<arbitrary>], iteration_bounds = array<i64: 5>, scalar_prefetch = 0 : i64, scratch_operands = 0 : i64, tpu.core_type = #tpu.core_type<tc>, window_params = [{transform_indices = @transform_0, window_bounds = array<i64: 2000, 2>}, {transform_indices = @transform_1, window_bounds = array<i64: 2000, 256>}, {pipeline_mode = #tpu.pipeline_mode<synchronous>, transform_indices = @transform_2, window_bounds = array<i64: 256, 256>}, {transform_indices = @transform_3, window_bounds = array<i64: 2000, 128>}, {transform_indices = @transform_4, window_bounds = array<i64: 2000, 128>}]} {
    %get3A = arith.constant 0 : index
    %get3A_0 = arith.constant 0 : index
    %get3A_1 = vector.load %arg1[%get3A, %get3A_0] : memref<2000x2xf32, #tpu.memory_space<vmem>>, vector<2000x1xf32>
    %get3A_2 = arith.constant 0 : index
    %get3A_3 = arith.constant 1 : index
    %get3A_4 = vector.load %arg1[%get3A_2, %get3A_3] : memref<2000x2xf32, #tpu.memory_space<vmem>>, vector<2000x1xf32>
    %add3A = arith.addf %get3A_1, %get3A_4 : vector<2000x1xf32>
    %add3A_5 = arith.constant 1.000000e+00 : f32
    %add3A_6 = vector.broadcast %add3A_5 : f32 to vector<2000x1xf32>
    %add3A_7 = arith.addf %add3A, %add3A_6 : vector<2000x1xf32>
    %rsqrt3A = math.rsqrt %add3A_7 : vector<2000x1xf32>
    %get3A_8 = arith.constant 0 : index
    %get3A_9 = arith.constant 0 : index
    %get3A_10 = vector.load %arg2[%get3A_8, %get3A_9] : memref<2000x256xf32, #tpu.memory_space<vmem>>, vector<2000x256xf32>
    %get3A_11 = arith.constant 0 : index
    %get3A_12 = arith.constant 0 : index
    %get3A_13 = vector.load %arg3[%get3A_11, %get3A_12] : memref<256x256xf32, #tpu.memory_space<vmem>>, vector<256x256xf32>
    %dot_general3A = arith.constant dense<0.000000e+00> : vector<2000x256xf32>
    %dot_general3A_14 = tpu.matmul %get3A_10, %get3A_13, %dot_general3A {dimension_numbers = #tpu.dot_dimension_numbers<[1], [0], [0], [1], [0, 0, 1, 1], [], []>, transpose_lhs_hint = false} : vector<2000x256xf32>, vector<256x256xf32>, vector<2000x256xf32> -> vector<2000x256xf32>
    %mul3A = vector.broadcast %rsqrt3A : vector<2000x1xf32> to vector<2000x256xf32>
    %mul3A_15 = arith.mulf %dot_general3A_14, %mul3A : vector<2000x256xf32>
    %slice3A = vector.extract_strided_slice %mul3A_15 {offsets = [0, 0], sizes = [2000, 128], strides = [1, 1]} : vector<2000x256xf32> to vector<2000x128xf32>
    %swap3A = arith.constant 0 : index
    %swap3A_16 = arith.constant 0 : index
    %swap3A_17 = vector.load %arg4[%swap3A, %swap3A_16] : memref<2000x128xf32, #tpu.memory_space<vmem>>, vector<2000x128xf32>
    tpu.vector_store %arg4[%swap3A, %swap3A_16], %slice3A {strides = array<i32>} : memref<2000x128xf32, #tpu.memory_space<vmem>>, vector<2000x128xf32>,
    %slice3A_18 = vector.extract_strided_slice %mul3A_15 {offsets = [0, 128], sizes = [2000, 128], strides = [1, 1]} : vector<2000x256xf32> to vector<2000x128xf32>
    %swap3A_19 = arith.constant 0 : index
    %swap3A_20 = arith.constant 0 : index
    %swap3A_21 = vector.load %arg5[%swap3A_19, %swap3A_20] : memref<2000x128xf32, #tpu.memory_space<vmem>>, vector<2000x128xf32>
    tpu.vector_store %arg5[%swap3A_19, %swap3A_20], %slice3A_18 {strides = array<i32>} : memref<2000x128xf32, #tpu.memory_space<vmem>>, vector<2000x128xf32>,
    return
  }
  func.func @transform_0(%arg0: i32) -> (i32, i32) {
    %c0_i32 = arith.constant 0 : i32
    %c0_i32_0 = arith.constant 0 : i32
    return %arg0, %c0_i32 : i32, i32
  }
  func.func @transform_1(%arg0: i32) -> (i32, i32) {
    %c0_i32 = arith.constant 0 : i32
    %c0_i32_0 = arith.constant 0 : i32
    return %arg0, %c0_i32 : i32, i32
  }
  func.func @transform_2(%arg0: i32) -> (i32, i32) {
    %c0_i32 = arith.constant 0 : i32
    %c0_i32_0 = arith.constant 0 : i32
    %c0_i32_1 = arith.constant 0 : i32
    return %c0_i32, %c0_i32_0 : i32, i32
  }
  func.func @transform_3(%arg0: i32) -> (i32, i32) {
    %c0_i32 = arith.constant 0 : i32
    %c0_i32_0 = arith.constant 0 : i32
    return %arg0, %c0_i32 : i32, i32
  }
  func.func @transform_4(%arg0: i32) -> (i32, i32) {
    %c0_i32 = arith.constant 0 : i32
    %c0_i32_0 = arith.constant 0 : i32
    return %arg0, %c0_i32 : i32, i32
  }
}

module attributes {stable_mosaic.version = 14 : i64} {
  func.func @_mid_body(%arg0: i32, %arg1: memref<2000x2xf32, #tpu.memory_space<vmem>>, %arg2: memref<2000x128xf32, #tpu.memory_space<vmem>>, %arg3: memref<2000x128xf32, #tpu.memory_space<vmem>>, %arg4: memref<2000x128xf32, #tpu.memory_space<vmem>>, %arg5: memref<2000x128xf32, #tpu.memory_space<vmem>>, %arg6: memref<256x256xf32, #tpu.memory_space<vmem>>, %arg7: memref<1x256xf32, #tpu.memory_space<vmem>>, %arg8: memref<2000x128xf32, #tpu.memory_space<vmem>>, %arg9: memref<2000x128xf32, #tpu.memory_space<vmem>>) attributes {dimension_semantics = [#tpu.dimension_semantics<arbitrary>], iteration_bounds = array<i64: 5>, scalar_prefetch = 0 : i64, scratch_operands = 0 : i64, tpu.core_type = #tpu.core_type<tc>, window_params = [{transform_indices = @transform_0, window_bounds = array<i64: 2000, 2>}, {transform_indices = @transform_1, window_bounds = array<i64: 2000, 128>}, {transform_indices = @transform_2, window_bounds = array<i64: 2000, 128>}, {transform_indices = @transform_3, window_bounds = array<i64: 2000, 128>}, {transform_indices = @transform_4, window_bounds = array<i64: 2000, 128>}, {pipeline_mode = #tpu.pipeline_mode<synchronous>, transform_indices = @transform_5, window_bounds = array<i64: 256, 256>}, {pipeline_mode = #tpu.pipeline_mode<synchronous>, transform_indices = @transform_6, window_bounds = array<i64: 1, 256>}, {transform_indices = @transform_7, window_bounds = array<i64: 2000, 128>}, {transform_indices = @transform_8, window_bounds = array<i64: 2000, 128>}]} {
    %get3A = arith.constant 0 : index
    %get3A_0 = arith.constant 0 : index
    %get3A_1 = vector.load %arg1[%get3A, %get3A_0] : memref<2000x2xf32, #tpu.memory_space<vmem>>, vector<2000x1xf32>
    %get3A_2 = arith.constant 0 : index
    %get3A_3 = arith.constant 1 : index
    %get3A_4 = vector.load %arg1[%get3A_2, %get3A_3] : memref<2000x2xf32, #tpu.memory_space<vmem>>, vector<2000x1xf32>
    %add3A = arith.addf %get3A_1, %get3A_4 : vector<2000x1xf32>
    %add3A_5 = arith.constant 1.000000e+00 : f32
    %add3A_6 = vector.broadcast %add3A_5 : f32 to vector<2000x1xf32>
    %add3A_7 = arith.addf %add3A, %add3A_6 : vector<2000x1xf32>
    %rsqrt3A = math.rsqrt %add3A_7 : vector<2000x1xf32>
    %get3A_8 = arith.constant 0 : index
    %get3A_9 = arith.constant 0 : index
    %get3A_10 = vector.load %arg2[%get3A_8, %get3A_9] : memref<2000x128xf32, #tpu.memory_space<vmem>>, vector<2000x128xf32>
    %get3A_11 = arith.constant 0 : index
    %get3A_12 = arith.constant 0 : index
    %get3A_13 = vector.load %arg3[%get3A_11, %get3A_12] : memref<2000x128xf32, #tpu.memory_space<vmem>>, vector<2000x128xf32>
    %concatenate3A = tpu.concatenate %get3A_10, %get3A_13 in 1 : vector<2000x128xf32>, vector<2000x128xf32> -> vector<2000x256xf32>
    %get3A_14 = arith.constant 0 : index
    %get3A_15 = arith.constant 0 : index
    %get3A_16 = vector.load %arg4[%get3A_14, %get3A_15] : memref<2000x128xf32, #tpu.memory_space<vmem>>, vector<2000x128xf32>
    %get3A_17 = arith.constant 0 : index
    %get3A_18 = arith.constant 0 : index
    %get3A_19 = vector.load %arg5[%get3A_17, %get3A_18] : memref<2000x128xf32, #tpu.memory_space<vmem>>, vector<2000x128xf32>
    %concatenate3A_20 = tpu.concatenate %get3A_16, %get3A_19 in 1 : vector<2000x128xf32>, vector<2000x128xf32> -> vector<2000x256xf32>
    %add3A_21 = arith.addf %concatenate3A, %concatenate3A_20 : vector<2000x256xf32>
    %mul3A = vector.broadcast %rsqrt3A : vector<2000x1xf32> to vector<2000x256xf32>
    %mul3A_22 = arith.mulf %mul3A, %add3A_21 : vector<2000x256xf32>
    %get3A_23 = arith.constant 0 : index
    %get3A_24 = arith.constant 0 : index
    %get3A_25 = vector.load %arg7[%get3A_23, %get3A_24] : memref<1x256xf32, #tpu.memory_space<vmem>>, vector<1x256xf32>
    %add3A_26 = vector.broadcast %get3A_25 : vector<1x256xf32> to vector<2000x256xf32>
    %add3A_27 = arith.addf %mul3A_22, %add3A_26 : vector<2000x256xf32>
    %max3A = arith.constant 0.000000e+00 : f32
    %max3A_28 = vector.broadcast %max3A : f32 to vector<2000x256xf32>
    %max3A_29 = arith.maximumf %add3A_27, %max3A_28 : vector<2000x256xf32>
    %get3A_30 = arith.constant 0 : index
    %get3A_31 = arith.constant 0 : index
    %get3A_32 = vector.load %arg6[%get3A_30, %get3A_31] : memref<256x256xf32, #tpu.memory_space<vmem>>, vector<256x256xf32>
    %dot_general3A = arith.constant dense<0.000000e+00> : vector<2000x256xf32>
    %dot_general3A_33 = tpu.matmul %max3A_29, %get3A_32, %dot_general3A {dimension_numbers = #tpu.dot_dimension_numbers<[1], [0], [0], [1], [0, 0, 1, 1], [], []>, transpose_lhs_hint = false} : vector<2000x256xf32>, vector<256x256xf32>, vector<2000x256xf32> -> vector<2000x256xf32>
    %mul3A_34 = vector.broadcast %rsqrt3A : vector<2000x1xf32> to vector<2000x256xf32>
    %mul3A_35 = arith.mulf %dot_general3A_33, %mul3A_34 : vector<2000x256xf32>
    %slice3A = vector.extract_strided_slice %mul3A_35 {offsets = [0, 0], sizes = [2000, 128], strides = [1, 1]} : vector<2000x256xf32> to vector<2000x128xf32>
    %swap3A = arith.constant 0 : index
    %swap3A_36 = arith.constant 0 : index
    %swap3A_37 = vector.load %arg8[%swap3A, %swap3A_36] : memref<2000x128xf32, #tpu.memory_space<vmem>>, vector<2000x128xf32>
    tpu.vector_store %arg8[%swap3A, %swap3A_36], %slice3A {strides = array<i32>} : memref<2000x128xf32, #tpu.memory_space<vmem>>, vector<2000x128xf32>,
    %slice3A_38 = vector.extract_strided_slice %mul3A_35 {offsets = [0, 128], sizes = [2000, 128], strides = [1, 1]} : vector<2000x256xf32> to vector<2000x128xf32>
    %swap3A_39 = arith.constant 0 : index
    %swap3A_40 = arith.constant 0 : index
    %swap3A_41 = vector.load %arg9[%swap3A_39, %swap3A_40] : memref<2000x128xf32, #tpu.memory_space<vmem>>, vector<2000x128xf32>
    tpu.vector_store %arg9[%swap3A_39, %swap3A_40], %slice3A_38 {strides = array<i32>} : memref<2000x128xf32, #tpu.memory_space<vmem>>, vector<2000x128xf32>,
    return
  }
  func.func @transform_0(%arg0: i32) -> (i32, i32) {
    %c0_i32 = arith.constant 0 : i32
    %c0_i32_0 = arith.constant 0 : i32
    return %arg0, %c0_i32 : i32, i32
  }
  func.func @transform_1(%arg0: i32) -> (i32, i32) {
    %c0_i32 = arith.constant 0 : i32
    %c0_i32_0 = arith.constant 0 : i32
    return %arg0, %c0_i32 : i32, i32
  }
  func.func @transform_2(%arg0: i32) -> (i32, i32) {
    %c0_i32 = arith.constant 0 : i32
    %c0_i32_0 = arith.constant 0 : i32
    return %arg0, %c0_i32 : i32, i32
  }
  func.func @transform_3(%arg0: i32) -> (i32, i32) {
    %c0_i32 = arith.constant 0 : i32
    %c0_i32_0 = arith.constant 0 : i32
    return %arg0, %c0_i32 : i32, i32
  }
  func.func @transform_4(%arg0: i32) -> (i32, i32) {
    %c0_i32 = arith.constant 0 : i32
    %c0_i32_0 = arith.constant 0 : i32
    return %arg0, %c0_i32 : i32, i32
  }
  func.func @transform_5(%arg0: i32) -> (i32, i32) {
    %c0_i32 = arith.constant 0 : i32
    %c0_i32_0 = arith.constant 0 : i32
    %c0_i32_1 = arith.constant 0 : i32
    return %c0_i32, %c0_i32_0 : i32, i32
  }
  func.func @transform_6(%arg0: i32) -> (i32, i32) {
    %c0_i32 = arith.constant 0 : i32
    %c0_i32_0 = arith.constant 0 : i32
    %c0_i32_1 = arith.constant 0 : i32
    return %c0_i32, %c0_i32_0 : i32, i32
  }
  func.func @transform_7(%arg0: i32) -> (i32, i32) {
    %c0_i32 = arith.constant 0 : i32
    %c0_i32_0 = arith.constant 0 : i32
    return %arg0, %c0_i32 : i32, i32
  }
  func.func @transform_8(%arg0: i32) -> (i32, i32) {
    %c0_i32 = arith.constant 0 : i32
    %c0_i32_0 = arith.constant 0 : i32
    return %arg0, %c0_i32 : i32, i32
  }
}

module attributes {stable_mosaic.version = 14 : i64} {
  func.func @_k3_body(%arg0: i32, %arg1: memref<2000x2xf32, #tpu.memory_space<vmem>>, %arg2: memref<2000x128xf32, #tpu.memory_space<vmem>>, %arg3: memref<2000x128xf32, #tpu.memory_space<vmem>>, %arg4: memref<2000x128xf32, #tpu.memory_space<vmem>>, %arg5: memref<2000x128xf32, #tpu.memory_space<vmem>>, %arg6: memref<256x64xf32, #tpu.memory_space<vmem>>, %arg7: memref<1x256xf32, #tpu.memory_space<vmem>>, %arg8: memref<2000x128xf32, #tpu.memory_space<vmem>>) attributes {dimension_semantics = [#tpu.dimension_semantics<arbitrary>], iteration_bounds = array<i64: 5>, scalar_prefetch = 0 : i64, scratch_operands = 0 : i64, tpu.core_type = #tpu.core_type<tc>, window_params = [{transform_indices = @transform_0, window_bounds = array<i64: 2000, 2>}, {transform_indices = @transform_1, window_bounds = array<i64: 2000, 128>}, {transform_indices = @transform_2, window_bounds = array<i64: 2000, 128>}, {transform_indices = @transform_3, window_bounds = array<i64: 2000, 128>}, {transform_indices = @transform_4, window_bounds = array<i64: 2000, 128>}, {pipeline_mode = #tpu.pipeline_mode<synchronous>, transform_indices = @transform_5, window_bounds = array<i64: 256, 64>}, {pipeline_mode = #tpu.pipeline_mode<synchronous>, transform_indices = @transform_6, window_bounds = array<i64: 1, 256>}, {transform_indices = @transform_7, window_bounds = array<i64: 2000, 128>}]} {
    %get3A = arith.constant 0 : index
    %get3A_0 = arith.constant 0 : index
    %get3A_1 = vector.load %arg1[%get3A, %get3A_0] : memref<2000x2xf32, #tpu.memory_space<vmem>>, vector<2000x1xf32>
    %get3A_2 = arith.constant 0 : index
    %get3A_3 = arith.constant 1 : index
    %get3A_4 = vector.load %arg1[%get3A_2, %get3A_3] : memref<2000x2xf32, #tpu.memory_space<vmem>>, vector<2000x1xf32>
    %add3A = arith.addf %get3A_1, %get3A_4 : vector<2000x1xf32>
    %add3A_5 = arith.constant 1.000000e+00 : f32
    %add3A_6 = vector.broadcast %add3A_5 : f32 to vector<2000x1xf32>
    %add3A_7 = arith.addf %add3A, %add3A_6 : vector<2000x1xf32>
    %rsqrt3A = math.rsqrt %add3A_7 : vector<2000x1xf32>
    %get3A_8 = arith.constant 0 : index
    %get3A_9 = arith.constant 0 : index
    %get3A_10 = vector.load %arg2[%get3A_8, %get3A_9] : memref<2000x128xf32, #tpu.memory_space<vmem>>, vector<2000x128xf32>
    %get3A_11 = arith.constant 0 : index
    %get3A_12 = arith.constant 0 : index
    %get3A_13 = vector.load %arg3[%get3A_11, %get3A_12] : memref<2000x128xf32, #tpu.memory_space<vmem>>, vector<2000x128xf32>
    %concatenate3A = tpu.concatenate %get3A_10, %get3A_13 in 1 : vector<2000x128xf32>, vector<2000x128xf32> -> vector<2000x256xf32>
    %get3A_14 = arith.constant 0 : index
    %get3A_15 = arith.constant 0 : index
    %get3A_16 = vector.load %arg4[%get3A_14, %get3A_15] : memref<2000x128xf32, #tpu.memory_space<vmem>>, vector<2000x128xf32>
    %get3A_17 = arith.constant 0 : index
    %get3A_18 = arith.constant 0 : index
    %get3A_19 = vector.load %arg5[%get3A_17, %get3A_18] : memref<2000x128xf32, #tpu.memory_space<vmem>>, vector<2000x128xf32>
    %concatenate3A_20 = tpu.concatenate %get3A_16, %get3A_19 in 1 : vector<2000x128xf32>, vector<2000x128xf32> -> vector<2000x256xf32>
    %add3A_21 = arith.addf %concatenate3A, %concatenate3A_20 : vector<2000x256xf32>
    %mul3A = vector.broadcast %rsqrt3A : vector<2000x1xf32> to vector<2000x256xf32>
    %mul3A_22 = arith.mulf %mul3A, %add3A_21 : vector<2000x256xf32>
    %get3A_23 = arith.constant 0 : index
    %get3A_24 = arith.constant 0 : index
    %get3A_25 = vector.load %arg7[%get3A_23, %get3A_24] : memref<1x256xf32, #tpu.memory_space<vmem>>, vector<1x256xf32>
    %add3A_26 = vector.broadcast %get3A_25 : vector<1x256xf32> to vector<2000x256xf32>
    %add3A_27 = arith.addf %mul3A_22, %add3A_26 : vector<2000x256xf32>
    %max3A = arith.constant 0.000000e+00 : f32
    %max3A_28 = vector.broadcast %max3A : f32 to vector<2000x256xf32>
    %max3A_29 = arith.maximumf %add3A_27, %max3A_28 : vector<2000x256xf32>
    %get3A_30 = arith.constant 0 : index
    %get3A_31 = arith.constant 0 : index
    %get3A_32 = vector.load %arg6[%get3A_30, %get3A_31] : memref<256x64xf32, #tpu.memory_space<vmem>>, vector<256x64xf32>
    %dot_general3A = arith.constant dense<0.000000e+00> : vector<2000x64xf32>
    %dot_general3A_33 = tpu.matmul %max3A_29, %get3A_32, %dot_general3A {dimension_numbers = #tpu.dot_dimension_numbers<[1], [0], [0], [1], [0, 0, 1, 1], [], []>, transpose_lhs_hint = false} : vector<2000x256xf32>, vector<256x64xf32>, vector<2000x64xf32> -> vector<2000x64xf32>
    %mul3A_34 = vector.broadcast %rsqrt3A : vector<2000x1xf32> to vector<2000x64xf32>
    %mul3A_35 = arith.mulf %dot_general3A_33, %mul3A_34 : vector<2000x64xf32>
    %broadcast_in_dim3A = arith.constant 0.000000e+00 : f32
    %broadcast_in_dim3A_36 = vector.broadcast %broadcast_in_dim3A : f32 to vector<2000x64xf32>
    %concatenate3A_37 = tpu.concatenate %mul3A_35, %broadcast_in_dim3A_36 in 1 : vector<2000x64xf32>, vector<2000x64xf32> -> vector<2000x128xf32>
    %swap3A = arith.constant 0 : index
    %swap3A_38 = arith.constant 0 : index
    %swap3A_39 = vector.load %arg8[%swap3A, %swap3A_38] : memref<2000x128xf32, #tpu.memory_space<vmem>>, vector<2000x128xf32>
    tpu.vector_store %arg8[%swap3A, %swap3A_38], %concatenate3A_37 {strides = array<i32>} : memref<2000x128xf32, #tpu.memory_space<vmem>>, vector<2000x128xf32>,
    return
  }
  func.func @transform_0(%arg0: i32) -> (i32, i32) {
    %c0_i32 = arith.constant 0 : i32
    %c0_i32_0 = arith.constant 0 : i32
    return %arg0, %c0_i32 : i32, i32
  }
  func.func @transform_1(%arg0: i32) -> (i32, i32) {
    %c0_i32 = arith.constant 0 : i32
    %c0_i32_0 = arith.constant 0 : i32
    return %arg0, %c0_i32 : i32, i32
  }
  func.func @transform_2(%arg0: i32) -> (i32, i32) {
    %c0_i32 = arith.constant 0 : i32
    %c0_i32_0 = arith.constant 0 : i32
    return %arg0, %c0_i32 : i32, i32
  }
  func.func @transform_3(%arg0: i32) -> (i32, i32) {
    %c0_i32 = arith.constant 0 : i32
    %c0_i32_0 = arith.constant 0 : i32
    return %arg0, %c0_i32 : i32, i32
  }
  func.func @transform_4(%arg0: i32) -> (i32, i32) {
    %c0_i32 = arith.constant 0 : i32
    %c0_i32_0 = arith.constant 0 : i32
    return %arg0, %c0_i32 : i32, i32
  }
  func.func @transform_5(%arg0: i32) -> (i32, i32) {
    %c0_i32 = arith.constant 0 : i32
    %c0_i32_0 = arith.constant 0 : i32
    %c0_i32_1 = arith.constant 0 : i32
    return %c0_i32, %c0_i32_0 : i32, i32
  }
  func.func @transform_6(%arg0: i32) -> (i32, i32) {
    %c0_i32 = arith.constant 0 : i32
    %c0_i32_0 = arith.constant 0 : i32
    %c0_i32_1 = arith.constant 0 : i32
    return %c0_i32, %c0_i32_0 : i32, i32
  }
  func.func @transform_7(%arg0: i32) -> (i32, i32) {
    %c0_i32 = arith.constant 0 : i32
    %c0_i32_0 = arith.constant 0 : i32
    return %arg0, %c0_i32 : i32, i32
  }
}

module attributes {stable_mosaic.version = 14 : i64} {
  func.func @_k4_body(%arg0: i32, %arg1: memref<2000x2xf32, #tpu.memory_space<vmem>>, %arg2: memref<2000x128xf32, #tpu.memory_space<vmem>>, %arg3: memref<2000x128xf32, #tpu.memory_space<vmem>>, %arg4: memref<2000x128xf32, #tpu.memory_space<vmem>>, %arg5: memref<1x64xf32, #tpu.memory_space<vmem>>, %arg6: memref<2000x64xf32, #tpu.memory_space<vmem>>) attributes {dimension_semantics = [#tpu.dimension_semantics<arbitrary>], iteration_bounds = array<i64: 5>, scalar_prefetch = 0 : i64, scratch_operands = 0 : i64, tpu.core_type = #tpu.core_type<tc>, window_params = [{transform_indices = @transform_0, window_bounds = array<i64: 2000, 2>}, {transform_indices = @transform_1, window_bounds = array<i64: 2000, 128>}, {transform_indices = @transform_2, window_bounds = array<i64: 2000, 128>}, {transform_indices = @transform_3, window_bounds = array<i64: 2000, 128>}, {pipeline_mode = #tpu.pipeline_mode<synchronous>, transform_indices = @transform_4, window_bounds = array<i64: 1, 64>}, {transform_indices = @transform_5, window_bounds = array<i64: 2000, 64>}]} {
    %get3A = arith.constant 0 : index
    %get3A_0 = arith.constant 0 : index
    %get3A_1 = vector.load %arg1[%get3A, %get3A_0] : memref<2000x2xf32, #tpu.memory_space<vmem>>, vector<2000x1xf32>
    %get3A_2 = arith.constant 0 : index
    %get3A_3 = arith.constant 1 : index
    %get3A_4 = vector.load %arg1[%get3A_2, %get3A_3] : memref<2000x2xf32, #tpu.memory_space<vmem>>, vector<2000x1xf32>
    %add3A = arith.addf %get3A_1, %get3A_4 : vector<2000x1xf32>
    %add3A_5 = arith.constant 1.000000e+00 : f32
    %add3A_6 = vector.broadcast %add3A_5 : f32 to vector<2000x1xf32>
    %add3A_7 = arith.addf %add3A, %add3A_6 : vector<2000x1xf32>
    %rsqrt3A = math.rsqrt %add3A_7 : vector<2000x1xf32>
    %get3A_8 = arith.constant 0 : index
    %get3A_9 = arith.constant 0 : index
    %get3A_10 = vector.load %arg2[%get3A_8, %get3A_9] : memref<2000x128xf32, #tpu.memory_space<vmem>>, vector<2000x128xf32>
    %slice3A = vector.extract_strided_slice %get3A_10 {offsets = [0, 0], sizes = [2000, 64], strides = [1, 1]} : vector<2000x128xf32> to vector<2000x64xf32>
    %get3A_11 = arith.constant 0 : index
    %get3A_12 = arith.constant 0 : index
    %get3A_13 = vector.load %arg3[%get3A_11, %get3A_12] : memref<2000x128xf32, #tpu.memory_space<vmem>>, vector<2000x128xf32>
    %slice3A_14 = vector.extract_strided_slice %get3A_13 {offsets = [0, 0], sizes = [2000, 64], strides = [1, 1]} : vector<2000x128xf32> to vector<2000x64xf32>
    %add3A_15 = arith.addf %slice3A, %slice3A_14 : vector<2000x64xf32>
    %get3A_16 = arith.constant 0 : index
    %get3A_17 = arith.constant 0 : index
    %get3A_18 = vector.load %arg4[%get3A_16, %get3A_17] : memref<2000x128xf32, #tpu.memory_space<vmem>>, vector<2000x128xf32>
    %slice3A_19 = vector.extract_strided_slice %get3A_18 {offsets = [0, 0], sizes = [2000, 64], strides = [1, 1]} : vector<2000x128xf32> to vector<2000x64xf32>
    %add3A_20 = arith.addf %add3A_15, %slice3A_19 : vector<2000x64xf32>
    %mul3A = vector.broadcast %rsqrt3A : vector<2000x1xf32> to vector<2000x64xf32>
    %mul3A_21 = arith.mulf %mul3A, %add3A_20 : vector<2000x64xf32>
    %get3A_22 = arith.constant 0 : index
    %get3A_23 = arith.constant 0 : index
    %get3A_24 = vector.load %arg5[%get3A_22, %get3A_23] : memref<1x64xf32, #tpu.memory_space<vmem>>, vector<1x64xf32>
    %add3A_25 = vector.broadcast %get3A_24 : vector<1x64xf32> to vector<2000x64xf32>
    %add3A_26 = arith.addf %mul3A_21, %add3A_25 : vector<2000x64xf32>
    %reduce_max3A = arith.constant dense<0xFF800000> : vector<2000xf32>
    %reduce_max3A_27 = vector.multi_reduction <maximumf>, %add3A_26, %reduce_max3A [1] : vector<2000x64xf32> to vector<2000xf32>
    %broadcast_in_dim3A = vector.shape_cast %reduce_max3A_27 : vector<2000xf32> to vector<2000x1xf32>
    %sub3A = vector.broadcast %broadcast_in_dim3A : vector<2000x1xf32> to vector<2000x64xf32>
    %sub3A_28 = arith.subf %add3A_26, %sub3A : vector<2000x64xf32>
    %sub3A_29 = vector.broadcast %broadcast_in_dim3A : vector<2000x1xf32> to vector<2000x64xf32>
    %sub3A_30 = arith.subf %add3A_26, %sub3A_29 : vector<2000x64xf32>
    %exp3A = math.exp %sub3A_30 : vector<2000x64xf32>
    %reduce_sum3A = arith.constant dense<0.000000e+00> : vector<2000xf32>
    %reduce_sum3A_31 = vector.multi_reduction <add>, %exp3A, %reduce_sum3A [1] : vector<2000x64xf32> to vector<2000xf32>
    %broadcast_in_dim3A_32 = vector.shape_cast %reduce_sum3A_31 : vector<2000xf32> to vector<2000x1xf32>
    %log3A = math.log %broadcast_in_dim3A_32 : vector<2000x1xf32>
    %sub3A_33 = vector.broadcast %log3A : vector<2000x1xf32> to vector<2000x64xf32>
    %sub3A_34 = arith.subf %sub3A_28, %sub3A_33 : vector<2000x64xf32>
    %swap3A = arith.constant 0 : index
    %swap3A_35 = arith.constant 0 : index
    %swap3A_36 = vector.load %arg6[%swap3A, %swap3A_35] : memref<2000x64xf32, #tpu.memory_space<vmem>>, vector<2000x64xf32>
    tpu.vector_store %arg6[%swap3A, %swap3A_35], %sub3A_34 {strides = array<i32>} : memref<2000x64xf32, #tpu.memory_space<vmem>>, vector<2000x64xf32>,
    return
  }
  func.func @transform_0(%arg0: i32) -> (i32, i32) {
    %c0_i32 = arith.constant 0 : i32
    %c0_i32_0 = arith.constant 0 : i32
    return %arg0, %c0_i32 : i32, i32
  }
  func.func @transform_1(%arg0: i32) -> (i32, i32) {
    %c0_i32 = arith.constant 0 : i32
    %c0_i32_0 = arith.constant 0 : i32
    return %arg0, %c0_i32 : i32, i32
  }
  func.func @transform_2(%arg0: i32) -> (i32, i32) {
    %c0_i32 = arith.constant 0 : i32
    %c0_i32_0 = arith.constant 0 : i32
    return %arg0, %c0_i32 : i32, i32
  }
  func.func @transform_3(%arg0: i32) -> (i32, i32) {
    %c0_i32 = arith.constant 0 : i32
    %c0_i32_0 = arith.constant 0 : i32
    return %arg0, %c0_i32 : i32, i32
  }
  func.func @transform_4(%arg0: i32) -> (i32, i32) {
    %c0_i32 = arith.constant 0 : i32
    %c0_i32_0 = arith.constant 0 : i32
    %c0_i32_1 = arith.constant 0 : i32
    return %c0_i32, %c0_i32_0 : i32, i32
  }
  func.func @transform_5(%arg0: i32) -> (i32, i32) {
    %c0_i32 = arith.constant 0 : i32
    %c0_i32_0 = arith.constant 0 : i32
    return %arg0, %c0_i32 : i32, i32
  }
}

</mosaic_0001>

<sc_bundles>
// kernel: kernel.10.cloned.1.call-start
scs
__scs_entry_jumppad:
0x0: {  	(pc) =	sbr.rel $0x88, $3  }
0x1: {  	(tag) =	ssettag $0x0;
	lr =	simm.s32 $0x1  }
0x2: {  	[smem:$0x3F99] =	sst lr;
	_ =	strace $0xD0000000  }
0x3: {  	_ = 	snop  }
0x4: {  	_ = 	snop  }
0x5: {  	_ = 	snop  }
0x6: {  	_ = 	snop  }
0x7: {  	_ = 	snop  }
__scs_overlays_trampoline_lowered:
0x8: {  	[smem:$0x3FA8] =	sst s0  }
0x9: {  	[smem:$0x3FA9] =	sst s1  }
0xa: {  	[smem:$0x3FAA] =	sst s2  }
0xb: {  	[smem:$0x3FAB] =	sst s3  }
0xc: {  	[smem:$0x3FAC] =	sst s4  }
0xd: {  	[smem:$0x3FAD] =	sst s5  }
0xe: {  	[smem:$0x3FAE] =	sst s6  }
0xf: {  	[smem:$0x3FAF] =	sst s7  }
0x10: {  	[smem:$0x3FB0] =	sst s8  }
0x11: {  	[smem:$0x3FB1] =	sst s9;
	s0 =	simm.s32 @!p0 $0x0  }
0x12: {  	s1 =	sld [smem:$0x3F97];
	s0 =	simm.s32 @p0 $0x1  }
0x13: {  	[smem:$0x3FB2] =	sst s0;
	s0 =	simm.s32 @!p1 $0x0  }
0x14: {  	s2 =	sld [smem:$0x3F96];
	s0 =	simm.s32 @p1 $0x1  }
0x15: {  	[smem:$0x3FB3] =	sst s0;
	s0 =	simm.s32 @!p2 $0x0  }
0x16: {  	s3 =	sld [smem:$0x3FDB];
	s0 =	simm.s32 @p2 $0x1  }
0x17: {  	s4 =	simm.s32 $0x1BF5;
	[smem:$0x3FB5] =	sst s0  }
0x18: {  	s0 =	sld [smem:$0x3F98];
	_ =	swait.ge [sflag:s4], $0x0  }
0x19: {  	s7 =	sld [smem:$0x3F99]  }
0x1a: {  	s8 =	sadd.s32 $0xFFFFE003, lr  }
0x1b: {  	s9 =	sadd.s32 $0xFFFFFEF7, lr;
	s5 =	simm.s32 $0xFFFFFFFF;
	p2 =	slt.u32 s8, $0xFFFFF086  }
0x1c: {  	p1 =	slt.u32 s9, $0xF7A;
	s5 =	simm.s32 @!p2 $0x0  }
0x1d: {  	s5 =	simm.s32 @p1 $0x1;
	p0 =	seq.s32 s7, s2  }
0x1e: {  	s7 =	smul.u32 @!p0 $0xF7A, s2;
	p2 =	seq.s32 @!p0 s5, $0x0  }
0x1f: {  	s9 =	smul.u32 $0xF7A, s1;
	s8 =	simm.s32 @!p0 $0x1BF5;
	p2 =	por !p2, p0  }
0x20: {  	[sflag:s8] =	ssyncset.s32 @!p0 $0xFFFFF086;
	s6 =	sadd.s32 @!p0 s3, s7;
	s7 =	simm.s32 @!p0 $0x108  }
0x21: {  	s3 =	sadd.s32 s3, s9;
	s6 =	sadd.s32 @!p0 $0x88, s6;
	s7 =	simm.s32 @p2 $0x1082  }
0x22: {  	[simem:s7], [sflag:s8] =	dma.local @!p0 [hbm:s6], $0xF7A  }
0x23: {  	s9 =	sor.u32 $0xD0000000, s2;
	s6 =	simm.s32 $0x108;
	_ =	swait.ge @!p0 [sflag:s8], $0x0  }
0x24: {  	s3 =	sadd.s32 $0x88, s3;
	s6 =	simm.s32 @!p1 $0x1082;
	[sflag:s4] =	ssyncset.s32 $0xFFFFF086  }
0x25: {  	[simem:s6], [sflag:s4] =	dma.local [hbm:s3], $0xF7A  }
0x26: {  	[smem:$0x3F99] =	sst s1;
	(tag) =	ssettag s2;
	_ =	strace s9  }
0x27: {  	s1 =	sld [smem:$0x3FA9]  }
0x28: {  	s2 =	sld [smem:$0x3FAA]  }
0x29: {  	s4 =	sld [smem:$0x3FAC]  }
0x2a: {  	p0 =	seq.s32 s5, $0x0;
	s5 =	sld [smem:$0x3FAD]  }
0x2b: {  	s6 =	sld [smem:$0x3FAE]  }
0x2c: {  	s7 =	sld [smem:$0x3FAF]  }
0x2d: {  	s3 =	simm.s32 $0x108;
	s8 =	sld [smem:$0x3FB0]  }
0x2e: {  	s3 =	simm.s32 @!p0 $0x1082;
	s9 =	sld [smem:$0x3FB1]  }
0x2f: {  	lr =	sadd.s32 s0, s3;
	s0 =	sld [smem:$0x3FA8]  }
0x30: {  	s3 =	sld [smem:$0x3FAB]  }
0x31: {  	[smem:$0x3FB4] =	sst s10  }
0x32: {  	s10 =	sld [smem:$0x3FB2];
	_ =	sdelay $0x3  }
0x33: {  	p0 =	seq.s32 s10, $0x1;
	s10 =	sld [smem:$0x3FB4];
	_ =	sdelay $0x3  }
0x34: {  	[smem:$0x3FB4] =	sst s10  }
0x35: {  	s10 =	sld [smem:$0x3FB3];
	_ =	sdelay $0x3  }
0x36: {  	p1 =	seq.s32 s10, $0x1;
	s10 =	sld [smem:$0x3FB4];
	_ =	sdelay $0x3  }
0x37: {  	[smem:$0x3FB4] =	sst s10  }
0x38: {  	s10 =	sld [smem:$0x3FB5]  }
0x39: {  	_ = 	snop;
	(pc) =	sbr.ind lr, $3  }
0x3a: {  	_ = 	snop  }
0x3b: {  	_ = 	snop  }
0x3c: {  	p2 =	seq.s32 s10, $0x1;
	s10 =	sld [smem:$0x3FB4]  }
0x3d: {  	_ =	shalt  }
0x3e: {  	_ =	shalt  }
0x3f: {  	_ =	shalt  }
0x40: {  	_ =	shalt  }
0x41: {  	_ =	shalt  }
0x42: {  	_ =	shalt  }
0x43: {  	_ =	shalt  }
0x44: {  	_ =	shalt  }
0x45: {  	_ =	shalt  }
0x46: {  	_ =	shalt  }
0x47: {  	_ =	shalt  }
0x48: {  	_ =	shalt  }
0x49: {  	_ =	shalt  }
0x4a: {  	_ =	shalt  }
0x4b: {  	_ =	shalt  }
0x4c: {  	_ =	shalt  }
0x4d: {  	_ =	shalt  }
0x4e: {  	_ =	shalt  }
0x4f: {  	_ =	shalt  }
0x50: {  	_ =	shalt  }
0x51: {  	_ =	shalt  }
0x52: {  	_ =	shalt  }
0x53: {  	_ =	shalt  }
0x54: {  	_ =	shalt  }
0x55: {  	_ =	shalt  }
0x56: {  	_ =	shalt  }
0x57: {  	_ =	shalt  }
0x58: {  	_ =	shalt  }
0x59: {  	_ =	shalt  }
0x5a: {  	_ =	shalt  }
0x5b: {  	_ =	shalt  }
0x5c: {  	_ =	shalt  }
0x5d: {  	_ =	shalt  }
0x5e: {  	_ =	shalt  }
0x5f: {  	_ =	shalt  }
0x60: {  	_ =	shalt  }
0x61: {  	_ =	shalt  }
0x62: {  	_ =	shalt  }
0x63: {  	_ =	shalt  }
0x64: {  	_ =	shalt  }
0x65: {  	_ =	shalt  }
0x66: {  	_ =	shalt  }
0x67: {  	_ =	shalt  }
0x68: {  	_ =	shalt  }
0x69: {  	_ =	shalt  }
0x6a: {  	_ =	shalt  }
0x6b: {  	_ =	shalt  }
0x6c: {  	_ =	shalt  }
0x6d: {  	_ =	shalt  }
0x6e: {  	_ =	shalt  }
0x6f: {  	_ =	shalt  }
0x70: {  	_ =	shalt  }
0x71: {  	_ =	shalt  }
0x72: {  	_ =	shalt  }
0x73: {  	_ =	shalt  }
0x74: {  	_ =	shalt  }
0x75: {  	_ =	shalt  }
0x76: {  	_ =	shalt  }
0x77: {  	_ =	shalt  }
0x78: {  	_ =	shalt  }
0x79: {  	_ =	shalt  }
0x7a: {  	_ =	shalt  }
0x7b: {  	_ =	shalt  }
0x7c: {  	_ =	shalt  }
0x7d: {  	_ =	shalt  }
0x7e: {  	_ =	shalt  }
0x7f: {  	_ =	shalt  }
0x80: {  	_ =	shalt  }
0x81: {  	_ =	shalt  }
0x82: {  	_ =	shalt  }
0x83: {  	_ =	shalt  }
0x84: {  	_ =	shalt  }
0x85: {  	_ =	shalt  }
0x86: {  	_ =	shalt  }
0x87: {  	_ =	shalt  }
.Lfunc_end0:
.L_simem_size_0:
called_computation_lowered:
.L_overlay_start_0:
0x88: {  	s2 =	sld [smem:$0x3FD9]  }
0x89: {  	s3 =	sld [smem:$0x3FFE];
	_ =	sdelay $0x1  }
0x8a: {  	s1 =	srdreg.scid  }
0x8b: {  	s0 =	sand.u32 $0x1, s1  }
0x8c: {  	s16 =	sshll.u32 s0, $0xA;
	s2 =	sadd.s32 s3, s2  }
0x8d: {  	s2 =	sadd.s32 s2, s16  }
0x8e: {  	[smem:$0x3FC0] =	sst s2  }
0x8f: {  	_ = 	snop  }
0x90: {  	(tm) =	ssettm $0x1  }
0x91: {  	s17 =	sld [smem:$0x3FFB];
	_ =	sdelay $0x3  }
0x92: {  	_ =	strace s17  }
0x93: {  	s2 =	sld [smem:$0x3FFC];
	_ =	sdelay $0x3  }
0x94: {  	_ =	strace s2  }
0x95: {  	s2 =	sld [smem:$0x3FFD];
	_ =	sdelay $0x3  }
0x96: {  	_ =	strace s2  }
0x97: {  	_ =	strace $0x8FFFFFFF  }
0x98: {  	s18 =	sld [smem:$0x3FDB];
	_ =	sdelay $0x1  }
0x99: {  	s19 =	simm.s32 $_scs_section_size  }
0x9a: {  	s4 =	simm.s32 $_size__tile_overlayer_lowered;
	s5 =	simm.s32 $_tile_overlayer_lowered  }
0x9b: {  	s22 =	simm.s32 $0x1BFF;
	s21 =	sshll.u32 s5, $0x1;
	s2 =	sadd.s32 s19, s18  }
0x9c: {  	s6 =	simm.s32 $0x0;
	s20 =	sshll.u32 s4, $0x1;
	s4 =	sadd.s32 s21, s2  }
0x9d: {  	[timem:s6], [sflag:s22] =	dma.local [hbm:s4], s20  }
0x9e: {  	_ =	swait.ge [sflag:s22], s20  }
0x9f: {  	s3 =	ssub.s32 $0x0, s20;
	[sflag:s22] =	ssyncset.done $0x0  }
0xa0: {  	[sflag:s22] =	ssyncadd.s32 s3;
	_ =	sdelay $0x1  }
0xa1: {  	s23 =	simm.s32 $0x1B8B  }
0xa2: {  	_ =	swait.ge [sflag:s23], $0x1  }
0xa3: {  	[sflag:s23] =	ssyncset.done $0x0  }
0xa4: {  	s25 =	simm.s32 $0x1B8E;
	s24 =	sld [smem:$0x3FFE];
	[sflag:s23] =	ssyncadd.s32 $0xFFFFFFFF  }
0xa5: {  	s26 =	simm.s32 $execute0_lowered;
	[smem:$0x3FD2] =	sst s25  }
0xa6: {  	s4 =	sshll.u32 s26, $0x1;
	_ =	strace $0x80000046;
	[dreg:$0x1] =	wrdreg $0xFFFFFFFF  }
0xa7: {  	s28 =	simm.s32 $_size_execute0_lowered;
	s2 =	sadd.s32 s2, s4;
	[dreg:$0x0] =	wrdreg $0x0  }
0xa8: {  	s4 =	sshll.u32 s28, $0x1;
	[dreg:$0x2] =	wrdreg s2  }
0xa9: {  	[dreg:$0x3] =	wrdreg s4  }
0xaa: {  	[dreg:$0x4] =	wrdreg $0xC0  }
0xab: {  	_ =	task [dreg:s6], $0x5FFFF  }
0xac: {  	[dreg:$0x1] =	wrdreg $0xFFFFFFFF  }
0xad: {  	[dreg:$0x0] =	wrdreg $0x60  }
0xae: {  	[dreg:$0x2] =	wrdreg s24  }
0xaf: {  	[dreg:$0x3] =	wrdreg $0x28800  }
0xb0: {  	[dreg:$0x4] =	wrdreg $0x9  }
0xb1: {  	_ =	task.clear_ibuf [dreg:s6], $0x5FFFF;
	_ =	strace $0x90000046  }
0xb2: {  	s29 =	simm.s32 $0x9;
	_ =	strace $0x80000048  }
0xb3: {  	_ =	swait.ge [sflag:s29], $0x1  }
0xb4: {  	[sflag:s29] =	ssyncadd.s32 $0xFFFFFFFF  }
0xb5: {  	_ =	strace $0x90000048  }
0xb6: {  	_ =	sfence  }
0xb7: {  	s30 =	sld [smem:$0x0];
	_ =	sdelay $0x2  }
0xb8: {  	s31 =	sshll.u32 s1, $0xD;
	s1 =	sshrl.u32 s1, $0x2  }
0xb9: {  	s3 =	sand.u32 $0x4000, s31;
	s1 =	sadd.s32 s1, s30  }
0xba: {  	s0 =	sor.u32 s3, s0;
	s1 =	sshll.u32 s1, $0x11  }
0xbb: {  	s0 =	sor.u32 s1, s0  }
0xbc: {  	s0 =	sadd.s32 $0x8F2B, s0  }
0xbd: {  	[sflag:s0] =	ssyncadd.remote.s32 $0x1  }
0xbe: {  	_ =	sfence.sel $0xFFFF  }
0xbf: {  	[dreg:$0x0] =	wrdreg $0xFFFFFFFF;
	(pc) =	sbr.abs _section_cstart, $3  }
0xc0: {  	[dreg:$0x1] =	wrdreg $0xFFFFFFFF  }
0xc1: {  	_ =	task.clear_ibuf [dreg:s6], $0x2FFFF;
	_ =	strace $0x9FFFFFFF  }
0xc2: {  	(tm) =	ssettm $0x7FFFFFFF  }
0xc3: {  	_ =	shalt  }
tec
execute0_lowered:
.L_overlay_start_1:
0x0: {  	(tag) =	ssettag $0x1  }
0x1: {  	s4 =	rddreg [dreg:$0x0]  }
0x2: {  	s1 =	rddreg [dreg:$0x1];
	s3 =	srdreg.scid  }
0x3: {  	s0 =	rddreg [dreg:$0x2];
	s2 =	simm.s32 $0x0;
	s5 =	stileid.u32  }
0x4: {  	s6 =	sand.u32 $0x1, s3;
	[smem:$0x7FF] =	sst s2;
	p0 =	seq.s32 s5, $0x0  }
0x5: {  	s10 =	sshll.u32 s5, $0x4;
	s3 =	smul.u32 $0x2710, s6;
	_ =	strace $0x80000047  }
0x6: {  	s8 =	ssub.s32 $0x2, s6;
	p1 =	seq.s32 s6, $0x1;
	s31 =	sor.u32 s6, s5  }
0x7: {  	s9 =	sshrl.u32 s8, $0x1;
	p0 =	por !p0, !p1;
	p2 =	sne.s32 s31, $0x0  }
0x8: {  	s7 =	sadd.s32 s3, s4;
	s3 =	sadd.s32 $0x8C00, s4;
	s4 =	sadd.s32 $0x9200, s4  }
0x9: {  	s8 =	ssub.s32 s8, s9;
	p1 =	por !p0, !p0;
	p0 =	sne.s32 s5, $0x0  }
0xa: {  	s9 =	simm.s32 $0x1;
	s11 =	sshrl.u32 @!p2 s1, $0x3;
	s6 =	smax.u32 s8, $0x1  }
0xb: {  	s7 =	sadd.s32 s10, s7;
	s8 =	simm.s32 $0x100;
	s10 =	sshll.u32 @!p2 s5, $0x6  }
0xc: {  	v0 =	vimm.f32 $1.000000000e+00;
	v1 =	vimm.f32 $0.0e+00;
	s12 =	sshrl.u32 @p1 s1, $0x3;
	s7 =	sadd.s32 $0x3C00, s7;
	s10 =	sor.u32 @!p2 $0x1C01, s10  }
.LBB2_1:
0xd: {  	[tilespmem:$0x80] =	vst v0  }
0xe: {  	[tilespmem:$0x90] =	vst v0  }
0xf: {  	[tilespmem:$0xA0] =	vst v0  }
.Ltmp0:
0x10: {  	[tilespmem:$0xB0] =	vst v0;
	(pc) =	sbr.rel @p0 .LBB2_5-.Ltmp0, $4  }
0x11: {  	[tilespmem:$0xC0] =	vst v0  }
0x12: {  	[tilespmem:$0xD0] =	vst v0  }
0x13: {  	[tilespmem:$0xE0] =	vst v0  }
0x14: {  	[tilespmem:$0xF0] =	vst v0  }
0x15: {  	s13 =	simm.s32 $0x40;
	s14 =	simm.s32 $0x0  }
.LBB2_3:
0x16: {  	p3 =	sne.s32 s13, $0x9C00;
	[tilespmem:s14+$0x100] =	vst v1;
	s14 =	smov.u32 s13;
	s13 =	sadd.s32 $0x40, s13  }
.Ltmp1:
0x17: {  	(pc) =	sbr.rel @p3 .LBB2_3-.Ltmp1, $2  }
0x18: {  	_ =	sdelay $0x2  }
0x19: {  	s14 =	sshra.s32 s14, $0x2  }
0x1a: {  	[tilespmem:s14+$0x100] =	vst v1  }
0x1b: {  	[spmem:s1] =	stream.linear.scatter [tilespmem:s8], [sflag:$0x1], $0x2780, $0x38;
	[tilespmem:$0x2AF8] =	vst v63  }
0x1c: {  	_ =	swait.ge [sflag:s9], $0x2780  }
0x1d: {  	[sflag:s9] =	ssyncset.done $0x0  }
0x1e: {  	[sflag:s9] =	ssyncadd.s32 $0xFFFFD880  }
.LBB2_5:
0x1f: {  	s13 =	sadd.s32 $0x0, s5  }
0x20: {  	p3 =	sgt.u32 s13, $0x270  }
0x21: {  	[bflag:$0x0] =	sbarrier.arrive $0xFFFF;
	s14 =	simm.s32 @!p3 $0x0;
	s15 =	simm.s32 @!p3 $0x2  }
0x22: {  	[tilespmem:s14], [sflag:$0x2] =	stream.linear.gather @!p3 [hbm4b:s7+s14], $0x80, $0x38;
	[tilespmem:$0x2AF8] =	vst v63  }
0x23: {  	_ =	swait.ge @!p3 [sflag:s15], $0x80  }
0x24: {  	s31 =	sadd.s32 $0x10, s5;
	[sflag:s15] =	ssyncset.done @!p3 $0x0  }
0x25: {  	s16 =	simm.s32 @!p3 $0x80;
	[sflag:s15] =	ssyncadd.s32 @!p3 $0xFFFFFF80;
	s15 =	simm.s32 @!p3 $0x1  }
0x26: {  	[spmem:s1] =	stream.indirect.scatter.add.f32 @!p3 [tilespmem:s16], [sflag:$0x1], $0x1, s14, s16, $0xb8;
	[tilespmem:$0x2AF8] =	vst v63  }
0x27: {  	s13 =	simm.s32 $0x20;
	p4 =	por p3, p3;
	_ =	swait.ge @!p3 [sflag:s15], $0x80  }
0x28: {  	s14 =	sadd.s32 $0x100, s7;
	p3 =	sgt.u32 s31, $0x270;
	[sflag:s15] =	ssyncset.done @!p4 $0x0  }
.LBB2_6:
0x29: {  	s16 =	simm.s32 @!p3 $0x0;
	s17 =	simm.s32 @!p3 $0x2  }
0x2a: {  	[sflag:s15] =	ssyncadd.s32 @!p4 $0xFFFFFF80;
	s18 =	smov.u32 s13;
	s13 =	sadd.s32 $0x10, s13  }
0x2b: {  	[tilespmem:s16], [sflag:$0x2] =	stream.linear.gather @!p3 [hbm4b:s14+s16], $0x80, $0x38;
	[tilespmem:$0x2AF8] =	vst v63  }
0x2c: {  	p5 =	sne.s32 s13, $0x280;
	_ =	swait.ge @!p3 [sflag:s17], $0x80  }
.Ltmp2:
0x2d: {  	[sflag:s17] =	ssyncset.done @!p3 $0x0;
	(pc) =	sbr.rel @p5 .LBB2_6-.Ltmp2, $4  }
0x2e: {  	s15 =	simm.s32 @!p3 $0x1;
	[sflag:s17] =	ssyncadd.s32 @!p3 $0xFFFFFF80;
	s17 =	simm.s32 @!p3 $0x80  }
0x2f: {  	[spmem:s1] =	stream.indirect.scatter.add.f32 @!p3 [tilespmem:s17], [sflag:$0x1], $0x1, s16, s17, $0xb8;
	[tilespmem:$0x2AF8] =	vst v63  }
0x30: {  	p4 =	por p3, p3;
	s16 =	sadd.s32 s18, s5;
	_ =	swait.ge @!p3 [sflag:s15], $0x80  }
0x31: {  	s14 =	sadd.s32 $0x100, s14;
	p3 =	sgt.u32 s16, $0x270;
	[sflag:s15] =	ssyncset.done @!p4 $0x0  }
0x32: {  	s13 =	simm.s32 @!p3 $0x0;
	s16 =	simm.s32 @!p3 $0x2;
	[sflag:s15] =	ssyncadd.s32 @!p4 $0xFFFFFF80  }
0x33: {  	[tilespmem:s13], [sflag:$0x2] =	stream.linear.gather @!p3 [hbm4b:s14+s13], $0x80, $0x38;
	[tilespmem:$0x2AF8] =	vst v63  }
0x34: {  	_ =	swait.ge @!p3 [sflag:s16], $0x80  }
0x35: {  	[sflag:s16] =	ssyncset.done @!p3 $0x0  }
0x36: {  	s15 =	simm.s32 @!p3 $0x1;
	s14 =	simm.s32 @!p3 $0x80;
	[sflag:s16] =	ssyncadd.s32 @!p3 $0xFFFFFF80  }
0x37: {  	[spmem:s1] =	stream.indirect.scatter.add.f32 @!p3 [tilespmem:s14], [sflag:$0x1], $0x1, s13, s14, $0xb8;
	[tilespmem:$0x2AF8] =	vst v63  }
0x38: {  	_ =	swait.ge @!p3 [sflag:s15], $0x80;
	p3 =	por p3, p3  }
0x39: {  	[sflag:s15] =	ssyncset.done @!p3 $0x0  }
0x3a: {  	[sflag:s15] =	ssyncadd.s32 @!p3 $0xFFFFFF80  }
0x3b: {  	s13 =	simm.s32 @!p2 $0x1;
	[bflag:$0x0] =	sbarrier.arrive $0xFFFF  }
0x3c: {  	[hbm:s3], [sflag:s10] =	dma.local @!p2 [spmem:s11], $0x4F0  }
0x3d: {  	_ =	swait.ge @!p2 [sflag:s13], $0x4F0  }
0x3e: {  	s2 =	sadd.s32 $0x1, s2;
	[sflag:s13] =	ssyncset.done @!p2 $0x0  }
0x3f: {  	p3 =	sne.s32 s2, s6;
	[sflag:s13] =	ssyncadd.s32 @!p2 $0xFFFFFB10;
	s13 =	simm.s32 @p1 $0x1C01  }
0x40: {  	[hbm:s4], [sflag:s13] =	dma.local @p1 [spmem:s12], $0x4F0  }
.Ltmp3:
0x41: {  	_ = 	snop;
	(pc) =	sbr.rel @p3 .LBB2_1-.Ltmp3, $4  }
0x42: {  	s13 =	simm.s32 @p1 $0x1  }
0x43: {  	_ =	swait.ge @p1 [sflag:s13], $0x4F0  }
0x44: {  	[sflag:s13] =	ssyncset.done @p1 $0x0  }
0x45: {  	[sflag:s13] =	ssyncadd.s32 @p1 $0xFFFFFB10  }
0x46: {  	_ =	sfence.sel $0x180000  }
0x47: {  	[bflag:$0x0] =	sbarrier.arrive $0xFFFF  }
0x48: {  	_ =	strace $0x90000047  }
0x49: {  	s0 =	sadd.s32 @!p0 $0x100000, s0;
	[bflag:$0x2] =	sbarrier.arrive $0xFFFF  }
0x4a: {  	[sflag:s0] =	ssyncadd.tile.s32 @!p0 $0x1;
	_ =	shalt  }
.Lfunc_end2:
_tile_overlayer_lowered:
.L_overlay_start_2:
0x4b: {  	(tag) =	ssettag $0x2  }
0x4c: {  	s0 =	rddreg [dreg:$0x0];
	s2 =	stileid.u32  }
0x4d: {  	s1 =	rddreg [dreg:$0x1];
	p0 =	sne.s32 s2, $0x0  }
0x4e: {  	s3 =	rddreg [dreg:$0x2];
	[bflag:$0x3] =	sbarrier.arrive $0xFFFF;
	s2 =	simm.s32 @!p0 $0x1C01  }
0x4f: {  	[timem:s3], [sflag:s2] =	dma.local @!p0 [hbm:s0], s1  }
0x50: {  	s0 =	simm.s32 @!p0 $0x1  }
0x51: {  	_ =	swait.ge @!p0 [sflag:s0], s1  }
0x52: {  	s1 =	ssub.s32 @!p0 $0x0, s1;
	[sflag:s0] =	ssyncset.done @!p0 $0x0  }
0x53: {  	[sflag:s0] =	ssyncadd.s32 @!p0 s1  }
0x54: {  	[bflag:$0x3] =	sbarrier.arrive $0xFFFF  }
0x55: {  	_ =	shalt  }

// kernel: kernel.13.cloned.1.call-start
scs
__scs_entry_jumppad:
0x0: {  	(pc) =	sbr.rel $0x88, $3  }
0x1: {  	(tag) =	ssettag $0x0;
	lr =	simm.s32 $0x1  }
0x2: {  	[smem:$0x3F99] =	sst lr;
	_ =	strace $0xD0000000  }
0x3: {  	_ = 	snop  }
0x4: {  	_ = 	snop  }
0x5: {  	_ = 	snop  }
0x6: {  	_ = 	snop  }
0x7: {  	_ = 	snop  }
__scs_overlays_trampoline_lowered:
0x8: {  	[smem:$0x3FA8] =	sst s0  }
0x9: {  	[smem:$0x3FA9] =	sst s1  }
0xa: {  	[smem:$0x3FAA] =	sst s2  }
0xb: {  	[smem:$0x3FAB] =	sst s3  }
0xc: {  	[smem:$0x3FAC] =	sst s4  }
0xd: {  	[smem:$0x3FAD] =	sst s5  }
0xe: {  	[smem:$0x3FAE] =	sst s6  }
0xf: {  	[smem:$0x3FAF] =	sst s7  }
0x10: {  	[smem:$0x3FB0] =	sst s8  }
0x11: {  	[smem:$0x3FB1] =	sst s9;
	s0 =	simm.s32 @!p0 $0x0  }
0x12: {  	s1 =	sld [smem:$0x3F97];
	s0 =	simm.s32 @p0 $0x1  }
0x13: {  	[smem:$0x3FB2] =	sst s0;
	s0 =	simm.s32 @!p1 $0x0  }
0x14: {  	s2 =	sld [smem:$0x3F96];
	s0 =	simm.s32 @p1 $0x1  }
0x15: {  	[smem:$0x3FB3] =	sst s0;
	s0 =	simm.s32 @!p2 $0x0  }
0x16: {  	s3 =	sld [smem:$0x3FDB];
	s0 =	simm.s32 @p2 $0x1  }
0x17: {  	s4 =	simm.s32 $0x1BF5;
	[smem:$0x3FB5] =	sst s0  }
0x18: {  	s0 =	sld [smem:$0x3F98];
	_ =	swait.ge [sflag:s4], $0x0  }
0x19: {  	s7 =	sld [smem:$0x3F99]  }
0x1a: {  	s8 =	sadd.s32 $0xFFFFE003, lr  }
0x1b: {  	s9 =	sadd.s32 $0xFFFFFEF7, lr;
	s5 =	simm.s32 $0xFFFFFFFF;
	p2 =	slt.u32 s8, $0xFFFFF086  }
0x1c: {  	p1 =	slt.u32 s9, $0xF7A;
	s5 =	simm.s32 @!p2 $0x0  }
0x1d: {  	s5 =	simm.s32 @p1 $0x1;
	p0 =	seq.s32 s7, s2  }
0x1e: {  	s7 =	smul.u32 @!p0 $0xF7A, s2;
	p2 =	seq.s32 @!p0 s5, $0x0  }
0x1f: {  	s9 =	smul.u32 $0xF7A, s1;
	s8 =	simm.s32 @!p0 $0x1BF5;
	p2 =	por !p2, p0  }
0x20: {  	[sflag:s8] =	ssyncset.s32 @!p0 $0xFFFFF086;
	s6 =	sadd.s32 @!p0 s3, s7;
	s7 =	simm.s32 @!p0 $0x108  }
0x21: {  	s3 =	sadd.s32 s3, s9;
	s6 =	sadd.s32 @!p0 $0x88, s6;
	s7 =	simm.s32 @p2 $0x1082  }
0x22: {  	[simem:s7], [sflag:s8] =	dma.local @!p0 [hbm:s6], $0xF7A  }
0x23: {  	s9 =	sor.u32 $0xD0000000, s2;
	s6 =	simm.s32 $0x108;
	_ =	swait.ge @!p0 [sflag:s8], $0x0  }
0x24: {  	s3 =	sadd.s32 $0x88, s3;
	s6 =	simm.s32 @!p1 $0x1082;
	[sflag:s4] =	ssyncset.s32 $0xFFFFF086  }
0x25: {  	[simem:s6], [sflag:s4] =	dma.local [hbm:s3], $0xF7A  }
0x26: {  	[smem:$0x3F99] =	sst s1;
	(tag) =	ssettag s2;
	_ =	strace s9  }
0x27: {  	s1 =	sld [smem:$0x3FA9]  }
0x28: {  	s2 =	sld [smem:$0x3FAA]  }
0x29: {  	s4 =	sld [smem:$0x3FAC]  }
0x2a: {  	p0 =	seq.s32 s5, $0x0;
	s5 =	sld [smem:$0x3FAD]  }
0x2b: {  	s6 =	sld [smem:$0x3FAE]  }
0x2c: {  	s7 =	sld [smem:$0x3FAF]  }
0x2d: {  	s3 =	simm.s32 $0x108;
	s8 =	sld [smem:$0x3FB0]  }
0x2e: {  	s3 =	simm.s32 @!p0 $0x1082;
	s9 =	sld [smem:$0x3FB1]  }
0x2f: {  	lr =	sadd.s32 s0, s3;
	s0 =	sld [smem:$0x3FA8]  }
0x30: {  	s3 =	sld [smem:$0x3FAB]  }
0x31: {  	[smem:$0x3FB4] =	sst s10  }
0x32: {  	s10 =	sld [smem:$0x3FB2];
	_ =	sdelay $0x3  }
0x33: {  	p0 =	seq.s32 s10, $0x1;
	s10 =	sld [smem:$0x3FB4];
	_ =	sdelay $0x3  }
0x34: {  	[smem:$0x3FB4] =	sst s10  }
0x35: {  	s10 =	sld [smem:$0x3FB3];
	_ =	sdelay $0x3  }
0x36: {  	p1 =	seq.s32 s10, $0x1;
	s10 =	sld [smem:$0x3FB4];
	_ =	sdelay $0x3  }
0x37: {  	[smem:$0x3FB4] =	sst s10  }
0x38: {  	s10 =	sld [smem:$0x3FB5]  }
0x39: {  	_ = 	snop;
	(pc) =	sbr.ind lr, $3  }
0x3a: {  	_ = 	snop  }
0x3b: {  	_ = 	snop  }
0x3c: {  	p2 =	seq.s32 s10, $0x1;
	s10 =	sld [smem:$0x3FB4]  }
0x3d: {  	_ =	shalt  }
0x3e: {  	_ =	shalt  }
0x3f: {  	_ =	shalt  }
0x40: {  	_ =	shalt  }
0x41: {  	_ =	shalt  }
0x42: {  	_ =	shalt  }
0x43: {  	_ =	shalt  }
0x44: {  	_ =	shalt  }
0x45: {  	_ =	shalt  }
0x46: {  	_ =	shalt  }
0x47: {  	_ =	shalt  }
0x48: {  	_ =	shalt  }
0x49: {  	_ =	shalt  }
0x4a: {  	_ =	shalt  }
0x4b: {  	_ =	shalt  }
0x4c: {  	_ =	shalt  }
0x4d: {  	_ =	shalt  }
0x4e: {  	_ =	shalt  }
0x4f: {  	_ =	shalt  }
0x50: {  	_ =	shalt  }
0x51: {  	_ =	shalt  }
0x52: {  	_ =	shalt  }
0x53: {  	_ =	shalt  }
0x54: {  	_ =	shalt  }
0x55: {  	_ =	shalt  }
0x56: {  	_ =	shalt  }
0x57: {  	_ =	shalt  }
0x58: {  	_ =	shalt  }
0x59: {  	_ =	shalt  }
0x5a: {  	_ =	shalt  }
0x5b: {  	_ =	shalt  }
0x5c: {  	_ =	shalt  }
0x5d: {  	_ =	shalt  }
0x5e: {  	_ =	shalt  }
0x5f: {  	_ =	shalt  }
0x60: {  	_ =	shalt  }
0x61: {  	_ =	shalt  }
0x62: {  	_ =	shalt  }
0x63: {  	_ =	shalt  }
0x64: {  	_ =	shalt  }
0x65: {  	_ =	shalt  }
0x66: {  	_ =	shalt  }
0x67: {  	_ =	shalt  }
0x68: {  	_ =	shalt  }
0x69: {  	_ =	shalt  }
0x6a: {  	_ =	shalt  }
0x6b: {  	_ =	shalt  }
0x6c: {  	_ =	shalt  }
0x6d: {  	_ =	shalt  }
0x6e: {  	_ =	shalt  }
0x6f: {  	_ =	shalt  }
0x70: {  	_ =	shalt  }
0x71: {  	_ =	shalt  }
0x72: {  	_ =	shalt  }
0x73: {  	_ =	shalt  }
0x74: {  	_ =	shalt  }
0x75: {  	_ =	shalt  }
0x76: {  	_ =	shalt  }
0x77: {  	_ =	shalt  }
0x78: {  	_ =	shalt  }
0x79: {  	_ =	shalt  }
0x7a: {  	_ =	shalt  }
0x7b: {  	_ =	shalt  }
0x7c: {  	_ =	shalt  }
0x7d: {  	_ =	shalt  }
0x7e: {  	_ =	shalt  }
0x7f: {  	_ =	shalt  }
0x80: {  	_ =	shalt  }
0x81: {  	_ =	shalt  }
0x82: {  	_ =	shalt  }
0x83: {  	_ =	shalt  }
0x84: {  	_ =	shalt  }
0x85: {  	_ =	shalt  }
0x86: {  	_ =	shalt  }
0x87: {  	_ =	shalt  }
.Lfunc_end0:
.L_simem_size_0:
called_computation.1_lowered:
.L_overlay_start_0:
0x88: {  	s2 =	sld [smem:$0x3FD9]  }
0x89: {  	s3 =	sld [smem:$0x3FFE];
	_ =	sdelay $0x1  }
0x8a: {  	s1 =	srdreg.scid  }
0x8b: {  	s0 =	sand.u32 $0x1, s1  }
0x8c: {  	s17 =	sshll.u32 s0, $0xA;
	s2 =	sadd.s32 s3, s2  }
0x8d: {  	s2 =	sadd.s32 s2, s17  }
0x8e: {  	[smem:$0x3FC0] =	sst s2  }
0x8f: {  	_ = 	snop  }
0x90: {  	s2 =	sld [smem:$0x3FD0];
	(tm) =	ssettm $0x1  }
0x91: {  	s18 =	sld [smem:$0x3FFB];
	_ =	sdelay $0x3  }
0x92: {  	_ =	strace s18  }
0x93: {  	s3 =	sld [smem:$0x3FFC];
	_ =	sdelay $0x3  }
0x94: {  	_ =	strace s3  }
0x95: {  	s3 =	sld [smem:$0x3FFD];
	_ =	sdelay $0x3  }
0x96: {  	_ =	strace s3  }
0x97: {  	_ =	strace $0x8FFFFFFF  }
0x98: {  	s19 =	sld [smem:$0x3FDB];
	_ =	sdelay $0x1  }
0x99: {  	s4 =	simm.s32 $_scs_section_size  }
0x9a: {  	s5 =	simm.s32 $_size__tile_overlayer_lowered;
	s6 =	simm.s32 $_tile_overlayer_lowered  }
0x9b: {  	s22 =	simm.s32 $0x1BFF;
	s21 =	sshll.u32 s6, $0x1;
	s3 =	sadd.s32 s4, s19  }
0x9c: {  	s7 =	simm.s32 $0x0;
	s20 =	sshll.u32 s5, $0x1;
	s5 =	sadd.s32 s21, s3  }
0x9d: {  	[timem:s7], [sflag:s22] =	dma.local [hbm:s5], s20  }
0x9e: {  	_ =	swait.ge [sflag:s22], s20  }
0x9f: {  	s4 =	ssub.s32 $0x0, s20;
	[sflag:s22] =	ssyncset.done $0x0  }
0xa0: {  	[sflag:s22] =	ssyncadd.s32 s4;
	_ =	sdelay $0x1  }
0xa1: {  	s23 =	simm.s32 $0x1B8B  }
0xa2: {  	_ =	swait.ge [sflag:s23], $0x1  }
0xa3: {  	[sflag:s23] =	ssyncset.done $0x0  }
0xa4: {  	s25 =	simm.s32 $0x1B8E;
	s24 =	sld [smem:$0x3FFE];
	[sflag:s23] =	ssyncadd.s32 $0xFFFFFFFF  }
0xa5: {  	s26 =	simm.s32 $execute0_lowered;
	[smem:$0x3FD2] =	sst s25  }
0xa6: {  	s5 =	sshll.u32 s26, $0x1;
	_ =	strace $0x80000049;
	[dreg:$0x1] =	wrdreg $0xFFFFFFFF  }
0xa7: {  	s28 =	simm.s32 $_size_execute0_lowered;
	s3 =	sadd.s32 s3, s5;
	[dreg:$0x0] =	wrdreg $0x0  }
0xa8: {  	s5 =	sshll.u32 s28, $0x1;
	[dreg:$0x2] =	wrdreg s3  }
0xa9: {  	[dreg:$0x3] =	wrdreg s5  }
0xaa: {  	[dreg:$0x4] =	wrdreg $0xC0  }
0xab: {  	_ =	task [dreg:s7], $0x5FFFF  }
0xac: {  	[dreg:$0x1] =	wrdreg $0xFFFFFFFF  }
0xad: {  	[dreg:$0x0] =	wrdreg $0x60  }
0xae: {  	[dreg:$0x2] =	wrdreg s24  }
0xaf: {  	[dreg:$0x3] =	wrdreg s2  }
0xb0: {  	[dreg:$0x4] =	wrdreg $0x41000  }
0xb1: {  	[dreg:$0x5] =	wrdreg $0x9  }
0xb2: {  	_ =	task.clear_ibuf [dreg:s7], $0x6FFFF;
	_ =	strace $0x90000049  }
0xb3: {  	s29 =	simm.s32 $0x9;
	_ =	strace $0x8000004B  }
0xb4: {  	_ =	swait.ge [sflag:s29], $0x1  }
0xb5: {  	[sflag:s29] =	ssyncadd.s32 $0xFFFFFFFF  }
0xb6: {  	_ =	strace $0x9000004B  }
0xb7: {  	_ =	sfence  }
0xb8: {  	s30 =	sld [smem:$0x0];
	_ =	sdelay $0x2  }
0xb9: {  	s31 =	sshll.u32 s1, $0xD;
	s1 =	sshrl.u32 s1, $0x2  }
0xba: {  	s3 =	sand.u32 $0x4000, s31;
	s1 =	sadd.s32 s1, s30  }
0xbb: {  	s0 =	sor.u32 s3, s0;
	s1 =	sshll.u32 s1, $0x11  }
0xbc: {  	s0 =	sor.u32 s1, s0  }
0xbd: {  	s0 =	sadd.s32 $0x8F2B, s0  }
0xbe: {  	[sflag:s0] =	ssyncadd.remote.s32 $0x1  }
0xbf: {  	_ =	sfence.sel $0xFFFF  }
0xc0: {  	[dreg:$0x0] =	wrdreg $0xFFFFFFFF;
	(pc) =	sbr.abs _section_cstart, $3  }
0xc1: {  	[dreg:$0x1] =	wrdreg $0xFFFFFFFF  }
0xc2: {  	_ =	task.clear_ibuf [dreg:s7], $0x2FFFF;
	_ =	strace $0x9FFFFFFF  }
0xc3: {  	(tm) =	ssettm $0x7FFFFFFF  }
tec
execute0_lowered:
.L_overlay_start_1:
0x0: {  	(tag) =	ssettag $0x1  }
0x1: {  	s7 =	rddreg [dreg:$0x0]  }
0x2: {  	s17 =	rddreg [dreg:$0x1]  }
0x3: {  	s1 =	rddreg [dreg:$0x2]  }
0x4: {  	s0 =	rddreg [dreg:$0x3]  }
0x5: {  	s3 =	simm.s32 $0x0;
	s2 =	stileid.u32;
	s5 =	srdreg.scid  }
0x6: {  	[smem:$0x7FF] =	sst s3;
	s4 =	sadd.s32 $0x8C00, s7;
	s18 =	sshll.u32 s2, $0x4  }
0x7: {  	s6 =	smul.u32 $0x4E000, s2;
	s16 =	sadd.s32 $0x2FE00, s7;
	s10 =	sand.u32 $0x1, s5  }
0x8: {  	s5 =	sadd.s32 $0x57000, s7;
	s11 =	smul.u32 $0x2700, s2;
	p1 =	sne.s32 s2, $0xF  }
0x9: {  	p2 =	seq.s32 s2, $0xF;
	_ =	strace $0x8000004A;
	s19 =	sadd.s32 s18, s7  }
0xa: {  	s8 =	ssub.s32 $0x2, s10;
	s7 =	sadd.s32 $0x7E200, s7;
	p0 =	seq.s32 s10, $0x1  }
0xb: {  	s17 =	sadd.s32 s18, s17;
	s18 =	simm.s32 $0x100;
	s6 =	sshrl.u32 s6, $0x2  }
.Ltmp0:
0xc: {  	s9 =	sshrl.u32 s8, $0x1;
	s10 =	sadd.s32 s5, s11;
	(pc) =	sbr.rel .LBB2_1-.Ltmp0, $4  }
0xd: {  	s11 =	sadd.s32 s7, s11;
	s4 =	smov.u32 @p0 s16;
	s16 =	sadd.s32 $0x3C00, s19  }
0xe: {  	s19 =	simm.s32 $0x2;
	s6 =	sadd.s32 s6, s1;
	s12 =	ssub.s32 s8, s9  }
0xf: {  	s9 =	sadd.s32 $0x138000, s1;
	s8 =	sadd.s32 $0x10000, s6;
	s12 =	smax.u32 s12, $0x1  }
0x10: {  	v0 =	vimm.f32 $0.0e+00;
	s13 =	sadd.s32 $0x4000, s6;
	s14 =	sadd.s32 $0x8000, s6;
	s15 =	sadd.s32 $0xC000, s6  }
.LBB2_8:
0x11: {  	s21 =	sadd.s32 $0x27000, s21;
	s22 =	sshrl.u32 s9, $0x3  }
0x12: {  	[hbm:s21], [sflag:s20] =	dma.local [spmem:s22], $0x100  }
0x13: {  	_ =	swait.ge [sflag:s19], $0x100  }
0x14: {  	[sflag:s19] =	ssyncset.done $0x0  }
0x15: {  	[sflag:s19] =	ssyncadd.s32 $0xFFFFFF00  }
.LBB2_9:
0x16: {  	s3 =	sadd.s32 $0x1, s3  }
0x17: {  	p3 =	sne.s32 s3, s12  }
.Ltmp1:
0x18: {  	_ = 	snop;
	(pc) =	sbr.rel @!p3 .LBB2_10-.Ltmp1, $1  }
0x19: {  	_ =	sdelay $0x3  }
.LBB2_1:
0x1a: {  	s20 =	simm.s32 $0x0;
	s21 =	simm.s32 $0x200  }
.LBB2_2:
0x1b: {  	p3 =	sne.s32 s21, $0xFE00;
	[tilespmem:s20+$0x170] =	vst v0  }
0x1c: {  	[tilespmem:s20+$0x100] =	vst v0  }
0x1d: {  	[tilespmem:s20+$0x110] =	vst v0  }
.Ltmp2:
0x1e: {  	[tilespmem:s20+$0x120] =	vst v0;
	(pc) =	sbr.rel @p3 .LBB2_2-.Ltmp2, $4  }
0x1f: {  	[tilespmem:s20+$0x130] =	vst v0  }
0x20: {  	[tilespmem:s20+$0x140] =	vst v0  }
0x21: {  	[tilespmem:s20+$0x150] =	vst v0  }
0x22: {  	[tilespmem:s20+$0x160] =	vst v0;
	s20 =	sshra.s32 s21, $0x2;
	s21 =	sadd.s32 $0x200, s21  }
0x23: {  	[tilespmem:s20+$0x170] =	vst v0  }
0x24: {  	[tilespmem:s20+$0x100] =	vst v0  }
0x25: {  	[tilespmem:s20+$0x110] =	vst v0  }
0x26: {  	[tilespmem:s20+$0x120] =	vst v0  }
0x27: {  	[tilespmem:s20+$0x130] =	vst v0  }
0x28: {  	[tilespmem:s20+$0x140] =	vst v0  }
0x29: {  	[tilespmem:s20+$0x150] =	vst v0  }
0x2a: {  	[tilespmem:s20+$0x160] =	vst v0  }
0x2b: {  	[spmem:s6] =	stream.linear.scatter [tilespmem:s18], [sflag:$0x2], $0x4000, $0x38;
	[tilespmem:$0x17980] =	vst v63  }
0x2c: {  	_ =	swait.ge [sflag:s19], $0x4000  }
0x2d: {  	[sflag:s19] =	ssyncset.done $0x0  }
0x2e: {  	[sflag:s19] =	ssyncadd.s32 $0xFFFFC000  }
0x2f: {  	[spmem:s13] =	stream.linear.scatter [tilespmem:s18], [sflag:$0x2], $0x4000, $0x38;
	[tilespmem:$0x17980] =	vst v63  }
0x30: {  	_ =	swait.ge [sflag:s19], $0x4000  }
0x31: {  	[sflag:s19] =	ssyncset.done $0x0  }
0x32: {  	[sflag:s19] =	ssyncadd.s32 $0xFFFFC000  }
0x33: {  	[spmem:s14] =	stream.linear.scatter [tilespmem:s18], [sflag:$0x2], $0x4000, $0x38;
	[tilespmem:$0x17980] =	vst v63  }
0x34: {  	_ =	swait.ge [sflag:s19], $0x4000  }
0x35: {  	[sflag:s19] =	ssyncset.done $0x0  }
0x36: {  	[sflag:s19] =	ssyncadd.s32 $0xFFFFC000  }
0x37: {  	[spmem:s15] =	stream.linear.scatter [tilespmem:s18], [sflag:$0x2], $0x4000, $0x38;
	[tilespmem:$0x17980] =	vst v63  }
0x38: {  	_ =	swait.ge [sflag:s19], $0x4000  }
0x39: {  	[sflag:s19] =	ssyncset.done $0x0  }
0x3a: {  	[sflag:s19] =	ssyncadd.s32 $0xFFFFC000  }
0x3b: {  	[spmem:s8] =	stream.linear.scatter [tilespmem:s18], [sflag:$0x2], $0x3800, $0x38;
	[tilespmem:$0x17980] =	vst v63  }
0x3c: {  	_ =	swait.ge [sflag:s19], $0x3800  }
0x3d: {  	[sflag:s19] =	ssyncset.done $0x0  }
0x3e: {  	s20 =	simm.s32 @!p1 $0x100;
	[sflag:s19] =	ssyncadd.s32 $0xFFFFC800  }
0x3f: {  	[spmem:s9] =	stream.linear.scatter @!p1 [tilespmem:s20], [sflag:$0x2], $0x800, $0x38;
	[tilespmem:$0x17980] =	vst v63  }
0x40: {  	s20 =	simm.s32 @!p1 $0x2  }
0x41: {  	_ =	swait.ge @!p1 [sflag:s20], $0x800  }
0x42: {  	p3 =	sgt.u32 s2, $0x4E1;
	[sflag:s20] =	ssyncset.done @!p1 $0x0  }
0x43: {  	s21 =	simm.s32 @!p3 $0x0;
	[sflag:s20] =	ssyncadd.s32 @!p1 $0xFFFFF800  }
0x44: {  	s22 =	simm.s32 @!p3 $0x3;
	s20 =	sadd.s32 @!p3 $0x0, s17;
	[bflag:$0x0] =	sbarrier.arrive $0xFFFF  }
0x45: {  	[tilespmem:s21], [sflag:$0x3] =	stream.linear.gather @!p3 [hbm4b:s20+s21], $0x80, $0x38;
	[tilespmem:$0x17980] =	vst v63  }
0x46: {  	_ =	swait.ge @!p3 [sflag:s22], $0x80;
	p3 =	por p3, p3  }
0x47: {  	[sflag:s22] =	ssyncset.done @!p3 $0x0  }
0x48: {  	s20 =	sadd.s32 @!p3 $0x0, s16;
	s23 =	simm.s32 @!p3 $0x80;
	[sflag:s22] =	ssyncadd.s32 @!p3 $0xFFFFFF80  }
0x49: {  	[tilespmem:s23], [sflag:$0x3] =	stream.linear.gather @!p3 [hbm4b:s20+s21], $0x80, $0x38;
	[tilespmem:$0x17980] =	vst v63  }
0x4a: {  	_ =	swait.ge @!p3 [sflag:s22], $0x80  }
0x4b: {  	[sflag:s22] =	ssyncset.done @!p3 $0x0  }
0x4c: {  	s20 =	simm.s32 @!p3 $0x100;
	[sflag:s22] =	ssyncadd.s32 @!p3 $0xFFFFFF80;
	s22 =	simm.s32 @!p3 $0x1  }
0x4d: {  	[tilespmem:s20], [sflag:$0x1] =	stream.indirect.gather @!p3 [hbm4b:s4+s23], $0x80, s21, s23, $0xb8;
	[tilespmem:$0x17980] =	vst v63  }
0x4e: {  	_ =	swait.ge @!p3 [sflag:s22], $0x4000  }
0x4f: {  	[sflag:s22] =	ssyncset.done @!p3 $0x0  }
0x50: {  	s21 =	sadd.s32 $0x10, s2;
	[sflag:s22] =	ssyncadd.s32 @!p3 $0xFFFFC000  }
0x51: {  	[spmem:s1] =	stream.indirect.scatter.add.f32 @!p3 [tilespmem:s20], [sflag:$0x2], $0x80, s23, s23, $0xb8;
	[tilespmem:$0x17980] =	vst v63  }
0x52: {  	p5 =	sgt.u32 s21, $0x4E1;
	s23 =	simm.s32 @!p3 $0x2  }
0x53: {  	s22 =	simm.s32 $0x200;
	s20 =	simm.s32 $0x100;
	_ =	swait.ge @!p3 [sflag:s23], $0x4000  }
.LBB2_4:
0x54: {  	s24 =	sadd.s32 @!p5 s20, s17  }
0x55: {  	s25 =	simm.s32 @!p5 $0x0;
	[sflag:s23] =	ssyncset.done @!p3 $0x0;
	s26 =	smov.u32 s22  }
0x56: {  	s22 =	sadd.s32 $0x100, s22;
	s28 =	simm.s32 @!p5 $0x3;
	[sflag:s23] =	ssyncadd.s32 @!p3 $0xFFFFC000  }
0x57: {  	[tilespmem:s25], [sflag:$0x3] =	stream.linear.gather @!p5 [hbm4b:s24+s25], $0x80, $0x38;
	[tilespmem:$0x17980] =	vst v63  }
0x58: {  	p4 =	sne.s32 s22, $0x4F00;
	p3 =	por p5, p5;
	_ =	swait.ge @!p5 [sflag:s28], $0x80  }
0x59: {  	[sflag:s28] =	ssyncset.done @!p3 $0x0  }
0x5a: {  	s20 =	sadd.s32 @!p3 s20, s16;
	s24 =	simm.s32 @!p3 $0x80;
	[sflag:s28] =	ssyncadd.s32 @!p3 $0xFFFFFF80  }
0x5b: {  	[tilespmem:s24], [sflag:$0x3] =	stream.linear.gather @!p3 [hbm4b:s20+s25], $0x80, $0x38;
	[tilespmem:$0x17980] =	vst v63  }
0x5c: {  	s20 =	smov.u32 s26;
	_ =	swait.ge @!p3 [sflag:s28], $0x80  }
0x5d: {  	[sflag:s28] =	ssyncset.done @!p3 $0x0  }
0x5e: {  	s23 =	simm.s32 @!p3 $0x1;
	s26 =	simm.s32 @!p3 $0x100;
	[sflag:s28] =	ssyncadd.s32 @!p3 $0xFFFFFF80  }
0x5f: {  	[tilespmem:s26], [sflag:$0x1] =	stream.indirect.gather @!p3 [hbm4b:s4+s24], $0x80, s25, s24, $0xb8;
	[tilespmem:$0x17980] =	vst v63  }
.Ltmp3:
0x60: {  	_ =	swait.ge @!p3 [sflag:s23], $0x4000;
	(pc) =	sbr.rel @p4 .LBB2_4-.Ltmp3, $4  }
0x61: {  	[sflag:s23] =	ssyncset.done @!p3 $0x0  }
0x62: {  	s21 =	sadd.s32 $0x10, s21;
	[sflag:s23] =	ssyncadd.s32 @!p3 $0xFFFFC000;
	s23 =	simm.s32 @!p3 $0x2  }
0x63: {  	[spmem:s1] =	stream.indirect.scatter.add.f32 @!p3 [tilespmem:s26], [sflag:$0x2], $0x80, s24, s24, $0xb8;
	[tilespmem:$0x17980] =	vst v63  }
0x64: {  	p5 =	sgt.u32 s21, $0x4E1;
	_ =	swait.ge @!p3 [sflag:s23], $0x4000  }
0x65: {  	s21 =	sadd.s32 @!p5 s20, s17;
	[sflag:s23] =	ssyncset.done @!p3 $0x0  }
0x66: {  	s22 =	simm.s32 @!p5 $0x0;
	s24 =	simm.s32 @!p5 $0x3;
	[sflag:s23] =	ssyncadd.s32 @!p3 $0xFFFFC000  }
0x67: {  	[tilespmem:s22], [sflag:$0x3] =	stream.linear.gather @!p5 [hbm4b:s21+s22], $0x80, $0x38;
	[tilespmem:$0x17980] =	vst v63  }
0x68: {  	p3 =	por p5, p5;
	_ =	swait.ge @!p5 [sflag:s24], $0x80  }
0x69: {  	[sflag:s24] =	ssyncset.done @!p3 $0x0  }
0x6a: {  	s20 =	sadd.s32 @!p3 s20, s16;
	s21 =	simm.s32 @!p3 $0x80;
	[sflag:s24] =	ssyncadd.s32 @!p3 $0xFFFFFF80  }
0x6b: {  	[tilespmem:s21], [sflag:$0x3] =	stream.linear.gather @!p3 [hbm4b:s20+s22], $0x80, $0x38;
	[tilespmem:$0x17980] =	vst v63  }
0x6c: {  	_ =	swait.ge @!p3 [sflag:s24], $0x80  }
0x6d: {  	[sflag:s24] =	ssyncset.done @!p3 $0x0  }
0x6e: {  	s23 =	simm.s32 @!p3 $0x1;
	s20 =	simm.s32 @!p3 $0x100;
	[sflag:s24] =	ssyncadd.s32 @!p3 $0xFFFFFF80  }
0x6f: {  	[tilespmem:s20], [sflag:$0x1] =	stream.indirect.gather @!p3 [hbm4b:s4+s21], $0x80, s22, s21, $0xb8;
	[tilespmem:$0x17980] =	vst v63  }
0x70: {  	_ =	swait.ge @!p3 [sflag:s23], $0x4000  }
0x71: {  	[sflag:s23] =	ssyncset.done @!p3 $0x0  }
0x72: {  	s22 =	simm.s32 @!p3 $0x2;
	[sflag:s23] =	ssyncadd.s32 @!p3 $0xFFFFC000  }
0x73: {  	[spmem:s1] =	stream.indirect.scatter.add.f32 @!p3 [tilespmem:s20], [sflag:$0x2], $0x80, s21, s21, $0xb8;
	[tilespmem:$0x17980] =	vst v63  }
.Ltmp4:
0x74: {  	_ =	swait.ge @!p3 [sflag:s22], $0x4000;
	(pc) =	sbr.rel @!p0 .LBB2_6-.Ltmp4, $4  }
0x75: {  	[sflag:s22] =	ssyncset.done @!p3 $0x0  }
0x76: {  	[sflag:s22] =	ssyncadd.s32 @!p3 $0xFFFFC000  }
0x77: {  	s22 =	sshll.u32 s2, $0x6;
	[bflag:$0x0] =	sbarrier.arrive $0xFFFF  }
0x78: {  	s21 =	sshrl.u32 s6, $0x3;
	s20 =	sor.u32 $0x1C02, s22  }
0x79: {  	s20 =	sor.u32 $0x1C02, s22  }
0x7a: {  	[hbm:s11], [sflag:s20] =	dma.local [spmem:s21], $0x2700  }
.Ltmp5:
0x7b: {  	_ = 	snop;
	(pc) =	sbr.rel @p1 .LBB2_9-.Ltmp5, $4  }
.Ltmp6:
0x7c: {  	_ = 	snop;
	(pc) =	sbr.rel @!p1 .LBB2_8-.Ltmp6, $4  }
0x7d: {  	_ =	swait.ge [sflag:s19], $0x2700  }
0x7e: {  	[sflag:s19] =	ssyncset.done $0x0  }
0x7f: {  	s21 =	smov.u32 s7;
	[sflag:s19] =	ssyncadd.s32 $0xFFFFD900  }
0x80: {  	_ = 	snop  }
.LBB2_6:
0x81: {  	[hbm:s10], [sflag:s20] =	dma.local [spmem:s21], $0x2700  }
.Ltmp7:
0x82: {  	_ = 	snop;
	(pc) =	sbr.rel @p2 .LBB2_8-.Ltmp7, $4  }
.Ltmp8:
0x83: {  	_ = 	snop;
	(pc) =	sbr.rel @!p2 .LBB2_9-.Ltmp8, $4  }
0x84: {  	_ =	swait.ge [sflag:s19], $0x2700  }
0x85: {  	[sflag:s19] =	ssyncset.done $0x0  }
0x86: {  	s21 =	smov.u32 s5;
	[sflag:s19] =	ssyncadd.s32 $0xFFFFD900  }
0x87: {  	_ = 	snop  }
.LBB2_10:
0x88: {  	_ =	sfence.sel $0x180000  }
0x89: {  	[bflag:$0x0] =	sbarrier.arrive $0xFFFF  }
0x8a: {  	p0 =	sne.s32 s2, $0x0;
	_ =	strace $0x9000004A  }
0x8b: {  	s0 =	sadd.s32 @!p0 $0x100000, s0;
	[bflag:$0x2] =	sbarrier.arrive $0xFFFF  }
0x8c: {  	[sflag:s0] =	ssyncadd.tile.s32 @!p0 $0x1;
	_ =	shalt  }
.Lfunc_end2:
_tile_overlayer_lowered:
.L_overlay_start_2:
0x8d: {  	(tag) =	ssettag $0x2  }
0x8e: {  	s0 =	rddreg [dreg:$0x0];
	s2 =	stileid.u32  }
0x8f: {  	s1 =	rddreg [dreg:$0x1];
	p0 =	sne.s32 s2, $0x0  }
0x90: {  	s3 =	rddreg [dreg:$0x2];
	[bflag:$0x3] =	sbarrier.arrive $0xFFFF;
	s2 =	simm.s32 @!p0 $0x1C02  }
0x91: {  	[timem:s3], [sflag:s2] =	dma.local @!p0 [hbm:s0], s1  }
0x92: {  	s0 =	simm.s32 @!p0 $0x2  }
0x93: {  	_ =	swait.ge @!p0 [sflag:s0], s1  }
0x94: {  	s1 =	ssub.s32 @!p0 $0x0, s1;
	[sflag:s0] =	ssyncset.done @!p0 $0x0  }
0x95: {  	[sflag:s0] =	ssyncadd.s32 @!p0 s1  }
0x96: {  	[bflag:$0x3] =	sbarrier.arrive $0xFFFF  }
0x97: {  	_ =	shalt  }

// kernel: kernel.16.cloned.1.call-start
scs
__scs_entry_jumppad:
0x0: {  	(pc) =	sbr.rel $0x88, $3  }
0x1: {  	(tag) =	ssettag $0x0;
	lr =	simm.s32 $0x1  }
0x2: {  	[smem:$0x3F99] =	sst lr;
	_ =	strace $0xD0000000  }
0x3: {  	_ = 	snop  }
0x4: {  	_ = 	snop  }
0x5: {  	_ = 	snop  }
0x6: {  	_ = 	snop  }
0x7: {  	_ = 	snop  }
__scs_overlays_trampoline_lowered:
0x8: {  	[smem:$0x3FA8] =	sst s0  }
0x9: {  	[smem:$0x3FA9] =	sst s1  }
0xa: {  	[smem:$0x3FAA] =	sst s2  }
0xb: {  	[smem:$0x3FAB] =	sst s3  }
0xc: {  	[smem:$0x3FAC] =	sst s4  }
0xd: {  	[smem:$0x3FAD] =	sst s5  }
0xe: {  	[smem:$0x3FAE] =	sst s6  }
0xf: {  	[smem:$0x3FAF] =	sst s7  }
0x10: {  	[smem:$0x3FB0] =	sst s8  }
0x11: {  	[smem:$0x3FB1] =	sst s9;
	s0 =	simm.s32 @!p0 $0x0  }
0x12: {  	s1 =	sld [smem:$0x3F97];
	s0 =	simm.s32 @p0 $0x1  }
0x13: {  	[smem:$0x3FB2] =	sst s0;
	s0 =	simm.s32 @!p1 $0x0  }
0x14: {  	s2 =	sld [smem:$0x3F96];
	s0 =	simm.s32 @p1 $0x1  }
0x15: {  	[smem:$0x3FB3] =	sst s0;
	s0 =	simm.s32 @!p2 $0x0  }
0x16: {  	s3 =	sld [smem:$0x3FDB];
	s0 =	simm.s32 @p2 $0x1  }
0x17: {  	s4 =	simm.s32 $0x1BF5;
	[smem:$0x3FB5] =	sst s0  }
0x18: {  	s0 =	sld [smem:$0x3F98];
	_ =	swait.ge [sflag:s4], $0x0  }
0x19: {  	s7 =	sld [smem:$0x3F99]  }
0x1a: {  	s8 =	sadd.s32 $0xFFFFE003, lr  }
0x1b: {  	s9 =	sadd.s32 $0xFFFFFEF7, lr;
	s5 =	simm.s32 $0xFFFFFFFF;
	p2 =	slt.u32 s8, $0xFFFFF086  }
0x1c: {  	p1 =	slt.u32 s9, $0xF7A;
	s5 =	simm.s32 @!p2 $0x0  }
0x1d: {  	s5 =	simm.s32 @p1 $0x1;
	p0 =	seq.s32 s7, s2  }
0x1e: {  	s7 =	smul.u32 @!p0 $0xF7A, s2;
	p2 =	seq.s32 @!p0 s5, $0x0  }
0x1f: {  	s9 =	smul.u32 $0xF7A, s1;
	s8 =	simm.s32 @!p0 $0x1BF5;
	p2 =	por !p2, p0  }
0x20: {  	[sflag:s8] =	ssyncset.s32 @!p0 $0xFFFFF086;
	s6 =	sadd.s32 @!p0 s3, s7;
	s7 =	simm.s32 @!p0 $0x108  }
0x21: {  	s3 =	sadd.s32 s3, s9;
	s6 =	sadd.s32 @!p0 $0x88, s6;
	s7 =	simm.s32 @p2 $0x1082  }
0x22: {  	[simem:s7], [sflag:s8] =	dma.local @!p0 [hbm:s6], $0xF7A  }
0x23: {  	s9 =	sor.u32 $0xD0000000, s2;
	s6 =	simm.s32 $0x108;
	_ =	swait.ge @!p0 [sflag:s8], $0x0  }
0x24: {  	s3 =	sadd.s32 $0x88, s3;
	s6 =	simm.s32 @!p1 $0x1082;
	[sflag:s4] =	ssyncset.s32 $0xFFFFF086  }
0x25: {  	[simem:s6], [sflag:s4] =	dma.local [hbm:s3], $0xF7A  }
0x26: {  	[smem:$0x3F99] =	sst s1;
	(tag) =	ssettag s2;
	_ =	strace s9  }
0x27: {  	s1 =	sld [smem:$0x3FA9]  }
0x28: {  	s2 =	sld [smem:$0x3FAA]  }
0x29: {  	s4 =	sld [smem:$0x3FAC]  }
0x2a: {  	p0 =	seq.s32 s5, $0x0;
	s5 =	sld [smem:$0x3FAD]  }
0x2b: {  	s6 =	sld [smem:$0x3FAE]  }
0x2c: {  	s7 =	sld [smem:$0x3FAF]  }
0x2d: {  	s3 =	simm.s32 $0x108;
	s8 =	sld [smem:$0x3FB0]  }
0x2e: {  	s3 =	simm.s32 @!p0 $0x1082;
	s9 =	sld [smem:$0x3FB1]  }
0x2f: {  	lr =	sadd.s32 s0, s3;
	s0 =	sld [smem:$0x3FA8]  }
0x30: {  	s3 =	sld [smem:$0x3FAB]  }
0x31: {  	[smem:$0x3FB4] =	sst s10  }
0x32: {  	s10 =	sld [smem:$0x3FB2];
	_ =	sdelay $0x3  }
0x33: {  	p0 =	seq.s32 s10, $0x1;
	s10 =	sld [smem:$0x3FB4];
	_ =	sdelay $0x3  }
0x34: {  	[smem:$0x3FB4] =	sst s10  }
0x35: {  	s10 =	sld [smem:$0x3FB3];
	_ =	sdelay $0x3  }
0x36: {  	p1 =	seq.s32 s10, $0x1;
	s10 =	sld [smem:$0x3FB4];
	_ =	sdelay $0x3  }
0x37: {  	[smem:$0x3FB4] =	sst s10  }
0x38: {  	s10 =	sld [smem:$0x3FB5]  }
0x39: {  	_ = 	snop;
	(pc) =	sbr.ind lr, $3  }
0x3a: {  	_ = 	snop  }
0x3b: {  	_ = 	snop  }
0x3c: {  	p2 =	seq.s32 s10, $0x1;
	s10 =	sld [smem:$0x3FB4]  }
0x3d: {  	_ =	shalt  }
0x3e: {  	_ =	shalt  }
0x3f: {  	_ =	shalt  }
0x40: {  	_ =	shalt  }
0x41: {  	_ =	shalt  }
0x42: {  	_ =	shalt  }
0x43: {  	_ =	shalt  }
0x44: {  	_ =	shalt  }
0x45: {  	_ =	shalt  }
0x46: {  	_ =	shalt  }
0x47: {  	_ =	shalt  }
0x48: {  	_ =	shalt  }
0x49: {  	_ =	shalt  }
0x4a: {  	_ =	shalt  }
0x4b: {  	_ =	shalt  }
0x4c: {  	_ =	shalt  }
0x4d: {  	_ =	shalt  }
0x4e: {  	_ =	shalt  }
0x4f: {  	_ =	shalt  }
0x50: {  	_ =	shalt  }
0x51: {  	_ =	shalt  }
0x52: {  	_ =	shalt  }
0x53: {  	_ =	shalt  }
0x54: {  	_ =	shalt  }
0x55: {  	_ =	shalt  }
0x56: {  	_ =	shalt  }
0x57: {  	_ =	shalt  }
0x58: {  	_ =	shalt  }
0x59: {  	_ =	shalt  }
0x5a: {  	_ =	shalt  }
0x5b: {  	_ =	shalt  }
0x5c: {  	_ =	shalt  }
0x5d: {  	_ =	shalt  }
0x5e: {  	_ =	shalt  }
0x5f: {  	_ =	shalt  }
0x60: {  	_ =	shalt  }
0x61: {  	_ =	shalt  }
0x62: {  	_ =	shalt  }
0x63: {  	_ =	shalt  }
0x64: {  	_ =	shalt  }
0x65: {  	_ =	shalt  }
0x66: {  	_ =	shalt  }
0x67: {  	_ =	shalt  }
0x68: {  	_ =	shalt  }
0x69: {  	_ =	shalt  }
0x6a: {  	_ =	shalt  }
0x6b: {  	_ =	shalt  }
0x6c: {  	_ =	shalt  }
0x6d: {  	_ =	shalt  }
0x6e: {  	_ =	shalt  }
0x6f: {  	_ =	shalt  }
0x70: {  	_ =	shalt  }
0x71: {  	_ =	shalt  }
0x72: {  	_ =	shalt  }
0x73: {  	_ =	shalt  }
0x74: {  	_ =	shalt  }
0x75: {  	_ =	shalt  }
0x76: {  	_ =	shalt  }
0x77: {  	_ =	shalt  }
0x78: {  	_ =	shalt  }
0x79: {  	_ =	shalt  }
0x7a: {  	_ =	shalt  }
0x7b: {  	_ =	shalt  }
0x7c: {  	_ =	shalt  }
0x7d: {  	_ =	shalt  }
0x7e: {  	_ =	shalt  }
0x7f: {  	_ =	shalt  }
0x80: {  	_ =	shalt  }
0x81: {  	_ =	shalt  }
0x82: {  	_ =	shalt  }
0x83: {  	_ =	shalt  }
0x84: {  	_ =	shalt  }
0x85: {  	_ =	shalt  }
0x86: {  	_ =	shalt  }
0x87: {  	_ =	shalt  }
.Lfunc_end0:
.L_simem_size_0:
called_computation.2_lowered:
.L_overlay_start_0:
0x88: {  	s2 =	sld [smem:$0x3FD9]  }
0x89: {  	s3 =	sld [smem:$0x3FFE];
	_ =	sdelay $0x1  }
0x8a: {  	s1 =	srdreg.scid  }
0x8b: {  	s0 =	sand.u32 $0x1, s1  }
0x8c: {  	s17 =	sshll.u32 s0, $0xA;
	s2 =	sadd.s32 s3, s2  }
0x8d: {  	s2 =	sadd.s32 s2, s17  }
0x8e: {  	[smem:$0x3FC0] =	sst s2  }
0x8f: {  	_ = 	snop  }
0x90: {  	s2 =	sld [smem:$0x3FD0];
	(tm) =	ssettm $0x1  }
0x91: {  	s18 =	sld [smem:$0x3FFB];
	_ =	sdelay $0x3  }
0x92: {  	_ =	strace s18  }
0x93: {  	s3 =	sld [smem:$0x3FFC];
	_ =	sdelay $0x3  }
0x94: {  	_ =	strace s3  }
0x95: {  	s3 =	sld [smem:$0x3FFD];
	_ =	sdelay $0x3  }
0x96: {  	_ =	strace s3  }
0x97: {  	_ =	strace $0x8FFFFFFF  }
0x98: {  	s19 =	sld [smem:$0x3FDB];
	_ =	sdelay $0x1  }
0x99: {  	s4 =	simm.s32 $_scs_section_size  }
0x9a: {  	s5 =	simm.s32 $_size__tile_overlayer_lowered;
	s6 =	simm.s32 $_tile_overlayer_lowered  }
0x9b: {  	s22 =	simm.s32 $0x1BFF;
	s21 =	sshll.u32 s6, $0x1;
	s3 =	sadd.s32 s4, s19  }
0x9c: {  	s7 =	simm.s32 $0x0;
	s20 =	sshll.u32 s5, $0x1;
	s5 =	sadd.s32 s21, s3  }
0x9d: {  	[timem:s7], [sflag:s22] =	dma.local [hbm:s5], s20  }
0x9e: {  	_ =	swait.ge [sflag:s22], s20  }
0x9f: {  	s4 =	ssub.s32 $0x0, s20;
	[sflag:s22] =	ssyncset.done $0x0  }
0xa0: {  	[sflag:s22] =	ssyncadd.s32 s4;
	_ =	sdelay $0x1  }
0xa1: {  	s23 =	simm.s32 $0x1B8B  }
0xa2: {  	_ =	swait.ge [sflag:s23], $0x1  }
0xa3: {  	[sflag:s23] =	ssyncset.done $0x0  }
0xa4: {  	s25 =	simm.s32 $0x1B8E;
	s24 =	sld [smem:$0x3FFE];
	[sflag:s23] =	ssyncadd.s32 $0xFFFFFFFF  }
0xa5: {  	s26 =	simm.s32 $execute0_lowered;
	[smem:$0x3FD2] =	sst s25  }
0xa6: {  	s5 =	sshll.u32 s26, $0x1;
	_ =	strace $0x8000004C;
	[dreg:$0x1] =	wrdreg $0xFFFFFFFF  }
0xa7: {  	s28 =	simm.s32 $_size_execute0_lowered;
	s3 =	sadd.s32 s3, s5;
	[dreg:$0x0] =	wrdreg $0x0  }
0xa8: {  	s5 =	sshll.u32 s28, $0x1;
	[dreg:$0x2] =	wrdreg s3  }
0xa9: {  	[dreg:$0x3] =	wrdreg s5  }
0xaa: {  	[dreg:$0x4] =	wrdreg $0xC0  }
0xab: {  	_ =	task [dreg:s7], $0x5FFFF  }
0xac: {  	[dreg:$0x1] =	wrdreg $0xFFFFFFFF  }
0xad: {  	[dreg:$0x0] =	wrdreg $0x60  }
0xae: {  	[dreg:$0x2] =	wrdreg s24  }
0xaf: {  	[dreg:$0x3] =	wrdreg s2  }
0xb0: {  	[dreg:$0x4] =	wrdreg $0x41000  }
0xb1: {  	[dreg:$0x5] =	wrdreg $0x9  }
0xb2: {  	_ =	task.clear_ibuf [dreg:s7], $0x6FFFF;
	_ =	strace $0x9000004C  }
0xb3: {  	s29 =	simm.s32 $0x9;
	_ =	strace $0x8000004E  }
0xb4: {  	_ =	swait.ge [sflag:s29], $0x1  }
0xb5: {  	[sflag:s29] =	ssyncadd.s32 $0xFFFFFFFF  }
0xb6: {  	_ =	strace $0x9000004E  }
0xb7: {  	_ =	sfence  }
0xb8: {  	s30 =	sld [smem:$0x0];
	_ =	sdelay $0x2  }
0xb9: {  	s31 =	sshll.u32 s1, $0xD;
	s1 =	sshrl.u32 s1, $0x2  }
0xba: {  	s3 =	sand.u32 $0x4000, s31;
	s1 =	sadd.s32 s1, s30  }
0xbb: {  	s0 =	sor.u32 s3, s0;
	s1 =	sshll.u32 s1, $0x11  }
0xbc: {  	s0 =	sor.u32 s1, s0  }
0xbd: {  	s0 =	sadd.s32 $0x8F2B, s0  }
0xbe: {  	[sflag:s0] =	ssyncadd.remote.s32 $0x1  }
0xbf: {  	_ =	sfence.sel $0xFFFF  }
0xc0: {  	[dreg:$0x0] =	wrdreg $0xFFFFFFFF;
	(pc) =	sbr.abs _section_cstart, $3  }
0xc1: {  	[dreg:$0x1] =	wrdreg $0xFFFFFFFF  }
0xc2: {  	_ =	task.clear_ibuf [dreg:s7], $0x2FFFF;
	_ =	strace $0x9FFFFFFF  }
0xc3: {  	(tm) =	ssettm $0x7FFFFFFF  }
tec
execute0_lowered:
.L_overlay_start_1:
0x0: {  	(tag) =	ssettag $0x1  }
0x1: {  	s7 =	rddreg [dreg:$0x0]  }
0x2: {  	s17 =	rddreg [dreg:$0x1]  }
0x3: {  	s1 =	rddreg [dreg:$0x2]  }
0x4: {  	s0 =	rddreg [dreg:$0x3]  }
0x5: {  	s3 =	simm.s32 $0x0;
	s2 =	stileid.u32;
	s5 =	srdreg.scid  }
0x6: {  	[smem:$0x7FF] =	sst s3;
	s4 =	sadd.s32 $0x8C00, s7;
	s18 =	sshll.u32 s2, $0x4  }
0x7: {  	s6 =	smul.u32 $0x4E000, s2;
	s16 =	sadd.s32 $0x2FE00, s7;
	s10 =	sand.u32 $0x1, s5  }
0x8: {  	s5 =	sadd.s32 $0x57000, s7;
	s11 =	smul.u32 $0x2700, s2;
	p1 =	sne.s32 s2, $0xF  }
0x9: {  	p2 =	seq.s32 s2, $0xF;
	_ =	strace $0x8000004D;
	s19 =	sadd.s32 s18, s7  }
0xa: {  	s8 =	ssub.s32 $0x2, s10;
	s7 =	sadd.s32 $0x7E200, s7;
	p0 =	seq.s32 s10, $0x1  }
0xb: {  	s17 =	sadd.s32 s18, s17;
	s18 =	simm.s32 $0x100;
	s6 =	sshrl.u32 s6, $0x2  }
.Ltmp0:
0xc: {  	s9 =	sshrl.u32 s8, $0x1;
	s10 =	sadd.s32 s5, s11;
	(pc) =	sbr.rel .LBB2_1-.Ltmp0, $4  }
0xd: {  	s11 =	sadd.s32 s7, s11;
	s4 =	smov.u32 @p0 s16;
	s16 =	sadd.s32 $0x3C00, s19  }
0xe: {  	s19 =	simm.s32 $0x2;
	s6 =	sadd.s32 s6, s1;
	s12 =	ssub.s32 s8, s9  }
0xf: {  	s9 =	sadd.s32 $0x138000, s1;
	s8 =	sadd.s32 $0x10000, s6;
	s12 =	smax.u32 s12, $0x1  }
0x10: {  	v0 =	vimm.f32 $0.0e+00;
	s13 =	sadd.s32 $0x4000, s6;
	s14 =	sadd.s32 $0x8000, s6;
	s15 =	sadd.s32 $0xC000, s6  }
.LBB2_8:
0x11: {  	s21 =	sadd.s32 $0x27000, s21;
	s22 =	sshrl.u32 s9, $0x3  }
0x12: {  	[hbm:s21], [sflag:s20] =	dma.local [spmem:s22], $0x100  }
0x13: {  	_ =	swait.ge [sflag:s19], $0x100  }
0x14: {  	[sflag:s19] =	ssyncset.done $0x0  }
0x15: {  	[sflag:s19] =	ssyncadd.s32 $0xFFFFFF00  }
.LBB2_9:
0x16: {  	s3 =	sadd.s32 $0x1, s3  }
0x17: {  	p3 =	sne.s32 s3, s12  }
.Ltmp1:
0x18: {  	_ = 	snop;
	(pc) =	sbr.rel @!p3 .LBB2_10-.Ltmp1, $1  }
0x19: {  	_ =	sdelay $0x3  }
.LBB2_1:
0x1a: {  	s20 =	simm.s32 $0x0;
	s21 =	simm.s32 $0x200  }
.LBB2_2:
0x1b: {  	p3 =	sne.s32 s21, $0xFE00;
	[tilespmem:s20+$0x170] =	vst v0  }
0x1c: {  	[tilespmem:s20+$0x100] =	vst v0  }
0x1d: {  	[tilespmem:s20+$0x110] =	vst v0  }
.Ltmp2:
0x1e: {  	[tilespmem:s20+$0x120] =	vst v0;
	(pc) =	sbr.rel @p3 .LBB2_2-.Ltmp2, $4  }
0x1f: {  	[tilespmem:s20+$0x130] =	vst v0  }
0x20: {  	[tilespmem:s20+$0x140] =	vst v0  }
0x21: {  	[tilespmem:s20+$0x150] =	vst v0  }
0x22: {  	[tilespmem:s20+$0x160] =	vst v0;
	s20 =	sshra.s32 s21, $0x2;
	s21 =	sadd.s32 $0x200, s21  }
0x23: {  	[tilespmem:s20+$0x170] =	vst v0  }
0x24: {  	[tilespmem:s20+$0x100] =	vst v0  }
0x25: {  	[tilespmem:s20+$0x110] =	vst v0  }
0x26: {  	[tilespmem:s20+$0x120] =	vst v0  }
0x27: {  	[tilespmem:s20+$0x130] =	vst v0  }
0x28: {  	[tilespmem:s20+$0x140] =	vst v0  }
0x29: {  	[tilespmem:s20+$0x150] =	vst v0  }
0x2a: {  	[tilespmem:s20+$0x160] =	vst v0  }
0x2b: {  	[spmem:s6] =	stream.linear.scatter [tilespmem:s18], [sflag:$0x2], $0x4000, $0x38;
	[tilespmem:$0x17980] =	vst v63  }
0x2c: {  	_ =	swait.ge [sflag:s19], $0x4000  }
0x2d: {  	[sflag:s19] =	ssyncset.done $0x0  }
0x2e: {  	[sflag:s19] =	ssyncadd.s32 $0xFFFFC000  }
0x2f: {  	[spmem:s13] =	stream.linear.scatter [tilespmem:s18], [sflag:$0x2], $0x4000, $0x38;
	[tilespmem:$0x17980] =	vst v63  }
0x30: {  	_ =	swait.ge [sflag:s19], $0x4000  }
0x31: {  	[sflag:s19] =	ssyncset.done $0x0  }
0x32: {  	[sflag:s19] =	ssyncadd.s32 $0xFFFFC000  }
0x33: {  	[spmem:s14] =	stream.linear.scatter [tilespmem:s18], [sflag:$0x2], $0x4000, $0x38;
	[tilespmem:$0x17980] =	vst v63  }
0x34: {  	_ =	swait.ge [sflag:s19], $0x4000  }
0x35: {  	[sflag:s19] =	ssyncset.done $0x0  }
0x36: {  	[sflag:s19] =	ssyncadd.s32 $0xFFFFC000  }
0x37: {  	[spmem:s15] =	stream.linear.scatter [tilespmem:s18], [sflag:$0x2], $0x4000, $0x38;
	[tilespmem:$0x17980] =	vst v63  }
0x38: {  	_ =	swait.ge [sflag:s19], $0x4000  }
0x39: {  	[sflag:s19] =	ssyncset.done $0x0  }
0x3a: {  	[sflag:s19] =	ssyncadd.s32 $0xFFFFC000  }
0x3b: {  	[spmem:s8] =	stream.linear.scatter [tilespmem:s18], [sflag:$0x2], $0x3800, $0x38;
	[tilespmem:$0x17980] =	vst v63  }
0x3c: {  	_ =	swait.ge [sflag:s19], $0x3800  }
0x3d: {  	[sflag:s19] =	ssyncset.done $0x0  }
0x3e: {  	s20 =	simm.s32 @!p1 $0x100;
	[sflag:s19] =	ssyncadd.s32 $0xFFFFC800  }
0x3f: {  	[spmem:s9] =	stream.linear.scatter @!p1 [tilespmem:s20], [sflag:$0x2], $0x800, $0x38;
	[tilespmem:$0x17980] =	vst v63  }
0x40: {  	s20 =	simm.s32 @!p1 $0x2  }
0x41: {  	_ =	swait.ge @!p1 [sflag:s20], $0x800  }
0x42: {  	p3 =	sgt.u32 s2, $0x4E1;
	[sflag:s20] =	ssyncset.done @!p1 $0x0  }
0x43: {  	s21 =	simm.s32 @!p3 $0x0;
	[sflag:s20] =	ssyncadd.s32 @!p1 $0xFFFFF800  }
0x44: {  	s22 =	simm.s32 @!p3 $0x3;
	s20 =	sadd.s32 @!p3 $0x0, s17;
	[bflag:$0x0] =	sbarrier.arrive $0xFFFF  }
0x45: {  	[tilespmem:s21], [sflag:$0x3] =	stream.linear.gather @!p3 [hbm4b:s20+s21], $0x80, $0x38;
	[tilespmem:$0x17980] =	vst v63  }
0x46: {  	_ =	swait.ge @!p3 [sflag:s22], $0x80;
	p3 =	por p3, p3  }
0x47: {  	[sflag:s22] =	ssyncset.done @!p3 $0x0  }
0x48: {  	s20 =	sadd.s32 @!p3 $0x0, s16;
	s23 =	simm.s32 @!p3 $0x80;
	[sflag:s22] =	ssyncadd.s32 @!p3 $0xFFFFFF80  }
0x49: {  	[tilespmem:s23], [sflag:$0x3] =	stream.linear.gather @!p3 [hbm4b:s20+s21], $0x80, $0x38;
	[tilespmem:$0x17980] =	vst v63  }
0x4a: {  	_ =	swait.ge @!p3 [sflag:s22], $0x80  }
0x4b: {  	[sflag:s22] =	ssyncset.done @!p3 $0x0  }
0x4c: {  	s20 =	simm.s32 @!p3 $0x100;
	[sflag:s22] =	ssyncadd.s32 @!p3 $0xFFFFFF80;
	s22 =	simm.s32 @!p3 $0x1  }
0x4d: {  	[tilespmem:s20], [sflag:$0x1] =	stream.indirect.gather @!p3 [hbm4b:s4+s23], $0x80, s21, s23, $0xb8;
	[tilespmem:$0x17980] =	vst v63  }
0x4e: {  	_ =	swait.ge @!p3 [sflag:s22], $0x4000  }
0x4f: {  	[sflag:s22] =	ssyncset.done @!p3 $0x0  }
0x50: {  	s21 =	sadd.s32 $0x10, s2;
	[sflag:s22] =	ssyncadd.s32 @!p3 $0xFFFFC000  }
0x51: {  	[spmem:s1] =	stream.indirect.scatter.add.f32 @!p3 [tilespmem:s20], [sflag:$0x2], $0x80, s23, s23, $0xb8;
	[tilespmem:$0x17980] =	vst v63  }
0x52: {  	p5 =	sgt.u32 s21, $0x4E1;
	s23 =	simm.s32 @!p3 $0x2  }
0x53: {  	s22 =	simm.s32 $0x200;
	s20 =	simm.s32 $0x100;
	_ =	swait.ge @!p3 [sflag:s23], $0x4000  }
.LBB2_4:
0x54: {  	s24 =	sadd.s32 @!p5 s20, s17  }
0x55: {  	s25 =	simm.s32 @!p5 $0x0;
	[sflag:s23] =	ssyncset.done @!p3 $0x0;
	s26 =	smov.u32 s22  }
0x56: {  	s22 =	sadd.s32 $0x100, s22;
	s28 =	simm.s32 @!p5 $0x3;
	[sflag:s23] =	ssyncadd.s32 @!p3 $0xFFFFC000  }
0x57: {  	[tilespmem:s25], [sflag:$0x3] =	stream.linear.gather @!p5 [hbm4b:s24+s25], $0x80, $0x38;
	[tilespmem:$0x17980] =	vst v63  }
0x58: {  	p4 =	sne.s32 s22, $0x4F00;
	p3 =	por p5, p5;
	_ =	swait.ge @!p5 [sflag:s28], $0x80  }
0x59: {  	[sflag:s28] =	ssyncset.done @!p3 $0x0  }
0x5a: {  	s20 =	sadd.s32 @!p3 s20, s16;
	s24 =	simm.s32 @!p3 $0x80;
	[sflag:s28] =	ssyncadd.s32 @!p3 $0xFFFFFF80  }
0x5b: {  	[tilespmem:s24], [sflag:$0x3] =	stream.linear.gather @!p3 [hbm4b:s20+s25], $0x80, $0x38;
	[tilespmem:$0x17980] =	vst v63  }
0x5c: {  	s20 =	smov.u32 s26;
	_ =	swait.ge @!p3 [sflag:s28], $0x80  }
0x5d: {  	[sflag:s28] =	ssyncset.done @!p3 $0x0  }
0x5e: {  	s23 =	simm.s32 @!p3 $0x1;
	s26 =	simm.s32 @!p3 $0x100;
	[sflag:s28] =	ssyncadd.s32 @!p3 $0xFFFFFF80  }
0x5f: {  	[tilespmem:s26], [sflag:$0x1] =	stream.indirect.gather @!p3 [hbm4b:s4+s24], $0x80, s25, s24, $0xb8;
	[tilespmem:$0x17980] =	vst v63  }
.Ltmp3:
0x60: {  	_ =	swait.ge @!p3 [sflag:s23], $0x4000;
	(pc) =	sbr.rel @p4 .LBB2_4-.Ltmp3, $4  }
0x61: {  	[sflag:s23] =	ssyncset.done @!p3 $0x0  }
0x62: {  	s21 =	sadd.s32 $0x10, s21;
	[sflag:s23] =	ssyncadd.s32 @!p3 $0xFFFFC000;
	s23 =	simm.s32 @!p3 $0x2  }
0x63: {  	[spmem:s1] =	stream.indirect.scatter.add.f32 @!p3 [tilespmem:s26], [sflag:$0x2], $0x80, s24, s24, $0xb8;
	[tilespmem:$0x17980] =	vst v63  }
0x64: {  	p5 =	sgt.u32 s21, $0x4E1;
	_ =	swait.ge @!p3 [sflag:s23], $0x4000  }
0x65: {  	s21 =	sadd.s32 @!p5 s20, s17;
	[sflag:s23] =	ssyncset.done @!p3 $0x0  }
0x66: {  	s22 =	simm.s32 @!p5 $0x0;
	s24 =	simm.s32 @!p5 $0x3;
	[sflag:s23] =	ssyncadd.s32 @!p3 $0xFFFFC000  }
0x67: {  	[tilespmem:s22], [sflag:$0x3] =	stream.linear.gather @!p5 [hbm4b:s21+s22], $0x80, $0x38;
	[tilespmem:$0x17980] =	vst v63  }
0x68: {  	p3 =	por p5, p5;
	_ =	swait.ge @!p5 [sflag:s24], $0x80  }
0x69: {  	[sflag:s24] =	ssyncset.done @!p3 $0x0  }
0x6a: {  	s20 =	sadd.s32 @!p3 s20, s16;
	s21 =	simm.s32 @!p3 $0x80;
	[sflag:s24] =	ssyncadd.s32 @!p3 $0xFFFFFF80  }
0x6b: {  	[tilespmem:s21], [sflag:$0x3] =	stream.linear.gather @!p3 [hbm4b:s20+s22], $0x80, $0x38;
	[tilespmem:$0x17980] =	vst v63  }
0x6c: {  	_ =	swait.ge @!p3 [sflag:s24], $0x80  }
0x6d: {  	[sflag:s24] =	ssyncset.done @!p3 $0x0  }
0x6e: {  	s23 =	simm.s32 @!p3 $0x1;
	s20 =	simm.s32 @!p3 $0x100;
	[sflag:s24] =	ssyncadd.s32 @!p3 $0xFFFFFF80  }
0x6f: {  	[tilespmem:s20], [sflag:$0x1] =	stream.indirect.gather @!p3 [hbm4b:s4+s21], $0x80, s22, s21, $0xb8;
	[tilespmem:$0x17980] =	vst v63  }
0x70: {  	_ =	swait.ge @!p3 [sflag:s23], $0x4000  }
0x71: {  	[sflag:s23] =	ssyncset.done @!p3 $0x0  }
0x72: {  	s22 =	simm.s32 @!p3 $0x2;
	[sflag:s23] =	ssyncadd.s32 @!p3 $0xFFFFC000  }
0x73: {  	[spmem:s1] =	stream.indirect.scatter.add.f32 @!p3 [tilespmem:s20], [sflag:$0x2], $0x80, s21, s21, $0xb8;
	[tilespmem:$0x17980] =	vst v63  }
.Ltmp4:
0x74: {  	_ =	swait.ge @!p3 [sflag:s22], $0x4000;
	(pc) =	sbr.rel @!p0 .LBB2_6-.Ltmp4, $4  }
0x75: {  	[sflag:s22] =	ssyncset.done @!p3 $0x0  }
0x76: {  	[sflag:s22] =	ssyncadd.s32 @!p3 $0xFFFFC000  }
0x77: {  	s22 =	sshll.u32 s2, $0x6;
	[bflag:$0x0] =	sbarrier.arrive $0xFFFF  }
0x78: {  	s21 =	sshrl.u32 s6, $0x3;
	s20 =	sor.u32 $0x1C02, s22  }
0x79: {  	s20 =	sor.u32 $0x1C02, s22  }
0x7a: {  	[hbm:s11], [sflag:s20] =	dma.local [spmem:s21], $0x2700  }
.Ltmp5:
0x7b: {  	_ = 	snop;
	(pc) =	sbr.rel @p1 .LBB2_9-.Ltmp5, $4  }
.Ltmp6:
0x7c: {  	_ = 	snop;
	(pc) =	sbr.rel @!p1 .LBB2_8-.Ltmp6, $4  }
0x7d: {  	_ =	swait.ge [sflag:s19], $0x2700  }
0x7e: {  	[sflag:s19] =	ssyncset.done $0x0  }
0x7f: {  	s21 =	smov.u32 s7;
	[sflag:s19] =	ssyncadd.s32 $0xFFFFD900  }
0x80: {  	_ = 	snop  }
.LBB2_6:
0x81: {  	[hbm:s10], [sflag:s20] =	dma.local [spmem:s21], $0x2700  }
.Ltmp7:
0x82: {  	_ = 	snop;
	(pc) =	sbr.rel @p2 .LBB2_8-.Ltmp7, $4  }
.Ltmp8:
0x83: {  	_ = 	snop;
	(pc) =	sbr.rel @!p2 .LBB2_9-.Ltmp8, $4  }
0x84: {  	_ =	swait.ge [sflag:s19], $0x2700  }
0x85: {  	[sflag:s19] =	ssyncset.done $0x0  }
0x86: {  	s21 =	smov.u32 s5;
	[sflag:s19] =	ssyncadd.s32 $0xFFFFD900  }
0x87: {  	_ = 	snop  }
.LBB2_10:
0x88: {  	_ =	sfence.sel $0x180000  }
0x89: {  	[bflag:$0x0] =	sbarrier.arrive $0xFFFF  }
0x8a: {  	p0 =	sne.s32 s2, $0x0;
	_ =	strace $0x9000004D  }
0x8b: {  	s0 =	sadd.s32 @!p0 $0x100000, s0;
	[bflag:$0x2] =	sbarrier.arrive $0xFFFF  }
0x8c: {  	[sflag:s0] =	ssyncadd.tile.s32 @!p0 $0x1;
	_ =	shalt  }
.Lfunc_end2:
_tile_overlayer_lowered:
.L_overlay_start_2:
0x8d: {  	(tag) =	ssettag $0x2  }
0x8e: {  	s0 =	rddreg [dreg:$0x0];
	s2 =	stileid.u32  }
0x8f: {  	s1 =	rddreg [dreg:$0x1];
	p0 =	sne.s32 s2, $0x0  }
0x90: {  	s3 =	rddreg [dreg:$0x2];
	[bflag:$0x3] =	sbarrier.arrive $0xFFFF;
	s2 =	simm.s32 @!p0 $0x1C02  }
0x91: {  	[timem:s3], [sflag:s2] =	dma.local @!p0 [hbm:s0], s1  }
0x92: {  	s0 =	simm.s32 @!p0 $0x2  }
0x93: {  	_ =	swait.ge @!p0 [sflag:s0], s1  }
0x94: {  	s1 =	ssub.s32 @!p0 $0x0, s1;
	[sflag:s0] =	ssyncset.done @!p0 $0x0  }
0x95: {  	[sflag:s0] =	ssyncadd.s32 @!p0 s1  }
0x96: {  	[bflag:$0x3] =	sbarrier.arrive $0xFFFF  }
0x97: {  	_ =	shalt  }

// kernel: kernel.19.cloned.1.call-start
scs
__scs_entry_jumppad:
0x0: {  	(pc) =	sbr.rel $0x88, $3  }
0x1: {  	(tag) =	ssettag $0x0;
	lr =	simm.s32 $0x1  }
0x2: {  	[smem:$0x3F99] =	sst lr;
	_ =	strace $0xD0000000  }
0x3: {  	_ = 	snop  }
0x4: {  	_ = 	snop  }
0x5: {  	_ = 	snop  }
0x6: {  	_ = 	snop  }
0x7: {  	_ = 	snop  }
__scs_overlays_trampoline_lowered:
0x8: {  	[smem:$0x3FA8] =	sst s0  }
0x9: {  	[smem:$0x3FA9] =	sst s1  }
0xa: {  	[smem:$0x3FAA] =	sst s2  }
0xb: {  	[smem:$0x3FAB] =	sst s3  }
0xc: {  	[smem:$0x3FAC] =	sst s4  }
0xd: {  	[smem:$0x3FAD] =	sst s5  }
0xe: {  	[smem:$0x3FAE] =	sst s6  }
0xf: {  	[smem:$0x3FAF] =	sst s7  }
0x10: {  	[smem:$0x3FB0] =	sst s8  }
0x11: {  	[smem:$0x3FB1] =	sst s9;
	s0 =	simm.s32 @!p0 $0x0  }
0x12: {  	s1 =	sld [smem:$0x3F97];
	s0 =	simm.s32 @p0 $0x1  }
0x13: {  	[smem:$0x3FB2] =	sst s0;
	s0 =	simm.s32 @!p1 $0x0  }
0x14: {  	s2 =	sld [smem:$0x3F96];
	s0 =	simm.s32 @p1 $0x1  }
0x15: {  	[smem:$0x3FB3] =	sst s0;
	s0 =	simm.s32 @!p2 $0x0  }
0x16: {  	s3 =	sld [smem:$0x3FDB];
	s0 =	simm.s32 @p2 $0x1  }
0x17: {  	s4 =	simm.s32 $0x1BF5;
	[smem:$0x3FB5] =	sst s0  }
0x18: {  	s0 =	sld [smem:$0x3F98];
	_ =	swait.ge [sflag:s4], $0x0  }
0x19: {  	s7 =	sld [smem:$0x3F99]  }
0x1a: {  	s8 =	sadd.s32 $0xFFFFE003, lr  }
0x1b: {  	s9 =	sadd.s32 $0xFFFFFEF7, lr;
	s5 =	simm.s32 $0xFFFFFFFF;
	p2 =	slt.u32 s8, $0xFFFFF086  }
0x1c: {  	p1 =	slt.u32 s9, $0xF7A;
	s5 =	simm.s32 @!p2 $0x0  }
0x1d: {  	s5 =	simm.s32 @p1 $0x1;
	p0 =	seq.s32 s7, s2  }
0x1e: {  	s7 =	smul.u32 @!p0 $0xF7A, s2;
	p2 =	seq.s32 @!p0 s5, $0x0  }
0x1f: {  	s9 =	smul.u32 $0xF7A, s1;
	s8 =	simm.s32 @!p0 $0x1BF5;
	p2 =	por !p2, p0  }
0x20: {  	[sflag:s8] =	ssyncset.s32 @!p0 $0xFFFFF086;
	s6 =	sadd.s32 @!p0 s3, s7;
	s7 =	simm.s32 @!p0 $0x108  }
0x21: {  	s3 =	sadd.s32 s3, s9;
	s6 =	sadd.s32 @!p0 $0x88, s6;
	s7 =	simm.s32 @p2 $0x1082  }
0x22: {  	[simem:s7], [sflag:s8] =	dma.local @!p0 [hbm:s6], $0xF7A  }
0x23: {  	s9 =	sor.u32 $0xD0000000, s2;
	s6 =	simm.s32 $0x108;
	_ =	swait.ge @!p0 [sflag:s8], $0x0  }
0x24: {  	s3 =	sadd.s32 $0x88, s3;
	s6 =	simm.s32 @!p1 $0x1082;
	[sflag:s4] =	ssyncset.s32 $0xFFFFF086  }
0x25: {  	[simem:s6], [sflag:s4] =	dma.local [hbm:s3], $0xF7A  }
0x26: {  	[smem:$0x3F99] =	sst s1;
	(tag) =	ssettag s2;
	_ =	strace s9  }
0x27: {  	s1 =	sld [smem:$0x3FA9]  }
0x28: {  	s2 =	sld [smem:$0x3FAA]  }
0x29: {  	s4 =	sld [smem:$0x3FAC]  }
0x2a: {  	p0 =	seq.s32 s5, $0x0;
	s5 =	sld [smem:$0x3FAD]  }
0x2b: {  	s6 =	sld [smem:$0x3FAE]  }
0x2c: {  	s7 =	sld [smem:$0x3FAF]  }
0x2d: {  	s3 =	simm.s32 $0x108;
	s8 =	sld [smem:$0x3FB0]  }
0x2e: {  	s3 =	simm.s32 @!p0 $0x1082;
	s9 =	sld [smem:$0x3FB1]  }
0x2f: {  	lr =	sadd.s32 s0, s3;
	s0 =	sld [smem:$0x3FA8]  }
0x30: {  	s3 =	sld [smem:$0x3FAB]  }
0x31: {  	[smem:$0x3FB4] =	sst s10  }
0x32: {  	s10 =	sld [smem:$0x3FB2];
	_ =	sdelay $0x3  }
0x33: {  	p0 =	seq.s32 s10, $0x1;
	s10 =	sld [smem:$0x3FB4];
	_ =	sdelay $0x3  }
0x34: {  	[smem:$0x3FB4] =	sst s10  }
0x35: {  	s10 =	sld [smem:$0x3FB3];
	_ =	sdelay $0x3  }
0x36: {  	p1 =	seq.s32 s10, $0x1;
	s10 =	sld [smem:$0x3FB4];
	_ =	sdelay $0x3  }
0x37: {  	[smem:$0x3FB4] =	sst s10  }
0x38: {  	s10 =	sld [smem:$0x3FB5]  }
0x39: {  	_ = 	snop;
	(pc) =	sbr.ind lr, $3  }
0x3a: {  	_ = 	snop  }
0x3b: {  	_ = 	snop  }
0x3c: {  	p2 =	seq.s32 s10, $0x1;
	s10 =	sld [smem:$0x3FB4]  }
0x3d: {  	_ =	shalt  }
0x3e: {  	_ =	shalt  }
0x3f: {  	_ =	shalt  }
0x40: {  	_ =	shalt  }
0x41: {  	_ =	shalt  }
0x42: {  	_ =	shalt  }
0x43: {  	_ =	shalt  }
0x44: {  	_ =	shalt  }
0x45: {  	_ =	shalt  }
0x46: {  	_ =	shalt  }
0x47: {  	_ =	shalt  }
0x48: {  	_ =	shalt  }
0x49: {  	_ =	shalt  }
0x4a: {  	_ =	shalt  }
0x4b: {  	_ =	shalt  }
0x4c: {  	_ =	shalt  }
0x4d: {  	_ =	shalt  }
0x4e: {  	_ =	shalt  }
0x4f: {  	_ =	shalt  }
0x50: {  	_ =	shalt  }
0x51: {  	_ =	shalt  }
0x52: {  	_ =	shalt  }
0x53: {  	_ =	shalt  }
0x54: {  	_ =	shalt  }
0x55: {  	_ =	shalt  }
0x56: {  	_ =	shalt  }
0x57: {  	_ =	shalt  }
0x58: {  	_ =	shalt  }
0x59: {  	_ =	shalt  }
0x5a: {  	_ =	shalt  }
0x5b: {  	_ =	shalt  }
0x5c: {  	_ =	shalt  }
0x5d: {  	_ =	shalt  }
0x5e: {  	_ =	shalt  }
0x5f: {  	_ =	shalt  }
0x60: {  	_ =	shalt  }
0x61: {  	_ =	shalt  }
0x62: {  	_ =	shalt  }
0x63: {  	_ =	shalt  }
0x64: {  	_ =	shalt  }
0x65: {  	_ =	shalt  }
0x66: {  	_ =	shalt  }
0x67: {  	_ =	shalt  }
0x68: {  	_ =	shalt  }
0x69: {  	_ =	shalt  }
0x6a: {  	_ =	shalt  }
0x6b: {  	_ =	shalt  }
0x6c: {  	_ =	shalt  }
0x6d: {  	_ =	shalt  }
0x6e: {  	_ =	shalt  }
0x6f: {  	_ =	shalt  }
0x70: {  	_ =	shalt  }
0x71: {  	_ =	shalt  }
0x72: {  	_ =	shalt  }
0x73: {  	_ =	shalt  }
0x74: {  	_ =	shalt  }
0x75: {  	_ =	shalt  }
0x76: {  	_ =	shalt  }
0x77: {  	_ =	shalt  }
0x78: {  	_ =	shalt  }
0x79: {  	_ =	shalt  }
0x7a: {  	_ =	shalt  }
0x7b: {  	_ =	shalt  }
0x7c: {  	_ =	shalt  }
0x7d: {  	_ =	shalt  }
0x7e: {  	_ =	shalt  }
0x7f: {  	_ =	shalt  }
0x80: {  	_ =	shalt  }
0x81: {  	_ =	shalt  }
0x82: {  	_ =	shalt  }
0x83: {  	_ =	shalt  }
0x84: {  	_ =	shalt  }
0x85: {  	_ =	shalt  }
0x86: {  	_ =	shalt  }
0x87: {  	_ =	shalt  }
.Lfunc_end0:
.L_simem_size_0:
called_computation.3_lowered:
.L_overlay_start_0:
0x88: {  	s2 =	sld [smem:$0x3FD9]  }
0x89: {  	s3 =	sld [smem:$0x3FFE];
	_ =	sdelay $0x1  }
0x8a: {  	s1 =	srdreg.scid  }
0x8b: {  	s0 =	sand.u32 $0x1, s1  }
0x8c: {  	s17 =	sshll.u32 s0, $0xA;
	s2 =	sadd.s32 s3, s2  }
0x8d: {  	s2 =	sadd.s32 s2, s17  }
0x8e: {  	[smem:$0x3FC0] =	sst s2  }
0x8f: {  	_ = 	snop  }
0x90: {  	s2 =	sld [smem:$0x3FD0];
	(tm) =	ssettm $0x1  }
0x91: {  	s18 =	sld [smem:$0x3FFB];
	_ =	sdelay $0x3  }
0x92: {  	_ =	strace s18  }
0x93: {  	s3 =	sld [smem:$0x3FFC];
	_ =	sdelay $0x3  }
0x94: {  	_ =	strace s3  }
0x95: {  	s3 =	sld [smem:$0x3FFD];
	_ =	sdelay $0x3  }
0x96: {  	_ =	strace s3  }
0x97: {  	_ =	strace $0x8FFFFFFF  }
0x98: {  	s19 =	sld [smem:$0x3FDB];
	_ =	sdelay $0x1  }
0x99: {  	s4 =	simm.s32 $_scs_section_size  }
0x9a: {  	s5 =	simm.s32 $_size__tile_overlayer_lowered;
	s6 =	simm.s32 $_tile_overlayer_lowered  }
0x9b: {  	s22 =	simm.s32 $0x1BFF;
	s21 =	sshll.u32 s6, $0x1;
	s3 =	sadd.s32 s4, s19  }
0x9c: {  	s7 =	simm.s32 $0x0;
	s20 =	sshll.u32 s5, $0x1;
	s5 =	sadd.s32 s21, s3  }
0x9d: {  	[timem:s7], [sflag:s22] =	dma.local [hbm:s5], s20  }
0x9e: {  	_ =	swait.ge [sflag:s22], s20  }
0x9f: {  	s4 =	ssub.s32 $0x0, s20;
	[sflag:s22] =	ssyncset.done $0x0  }
0xa0: {  	[sflag:s22] =	ssyncadd.s32 s4;
	_ =	sdelay $0x1  }
0xa1: {  	s23 =	simm.s32 $0x1B8B  }
0xa2: {  	_ =	swait.ge [sflag:s23], $0x1  }
0xa3: {  	[sflag:s23] =	ssyncset.done $0x0  }
0xa4: {  	s25 =	simm.s32 $0x1B8E;
	s24 =	sld [smem:$0x3FFE];
	[sflag:s23] =	ssyncadd.s32 $0xFFFFFFFF  }
0xa5: {  	s26 =	simm.s32 $execute0_lowered;
	[smem:$0x3FD2] =	sst s25  }
0xa6: {  	s5 =	sshll.u32 s26, $0x1;
	_ =	strace $0x8000004F;
	[dreg:$0x1] =	wrdreg $0xFFFFFFFF  }
0xa7: {  	s28 =	simm.s32 $_size_execute0_lowered;
	s3 =	sadd.s32 s3, s5;
	[dreg:$0x0] =	wrdreg $0x0  }
0xa8: {  	s5 =	sshll.u32 s28, $0x1;
	[dreg:$0x2] =	wrdreg s3  }
0xa9: {  	[dreg:$0x3] =	wrdreg s5  }
0xaa: {  	[dreg:$0x4] =	wrdreg $0xC0  }
0xab: {  	_ =	task [dreg:s7], $0x5FFFF  }
0xac: {  	[dreg:$0x1] =	wrdreg $0xFFFFFFFF  }
0xad: {  	[dreg:$0x0] =	wrdreg $0x60  }
0xae: {  	[dreg:$0x2] =	wrdreg s24  }
0xaf: {  	[dreg:$0x3] =	wrdreg s2  }
0xb0: {  	[dreg:$0x4] =	wrdreg $0x41000  }
0xb1: {  	[dreg:$0x5] =	wrdreg $0x9  }
0xb2: {  	_ =	task.clear_ibuf [dreg:s7], $0x6FFFF;
	_ =	strace $0x9000004F  }
0xb3: {  	s29 =	simm.s32 $0x9;
	_ =	strace $0x80000051  }
0xb4: {  	_ =	swait.ge [sflag:s29], $0x1  }
0xb5: {  	[sflag:s29] =	ssyncadd.s32 $0xFFFFFFFF  }
0xb6: {  	_ =	strace $0x90000051  }
0xb7: {  	_ =	sfence  }
0xb8: {  	s30 =	sld [smem:$0x0];
	_ =	sdelay $0x2  }
0xb9: {  	s31 =	sshll.u32 s1, $0xD;
	s1 =	sshrl.u32 s1, $0x2  }
0xba: {  	s3 =	sand.u32 $0x4000, s31;
	s1 =	sadd.s32 s1, s30  }
0xbb: {  	s0 =	sor.u32 s3, s0;
	s1 =	sshll.u32 s1, $0x11  }
0xbc: {  	s0 =	sor.u32 s1, s0  }
0xbd: {  	s0 =	sadd.s32 $0x8F2B, s0  }
0xbe: {  	[sflag:s0] =	ssyncadd.remote.s32 $0x1  }
0xbf: {  	_ =	sfence.sel $0xFFFF  }
0xc0: {  	[dreg:$0x0] =	wrdreg $0xFFFFFFFF;
	(pc) =	sbr.abs _section_cstart, $3  }
0xc1: {  	[dreg:$0x1] =	wrdreg $0xFFFFFFFF  }
0xc2: {  	_ =	task.clear_ibuf [dreg:s7], $0x2FFFF;
	_ =	strace $0x9FFFFFFF  }
0xc3: {  	(tm) =	ssettm $0x7FFFFFFF  }
tec
execute0_lowered:
.L_overlay_start_1:
0x0: {  	(tag) =	ssettag $0x1  }
0x1: {  	s6 =	rddreg [dreg:$0x0]  }
0x2: {  	s16 =	rddreg [dreg:$0x1]  }
0x3: {  	s1 =	rddreg [dreg:$0x2]  }
0x4: {  	s0 =	rddreg [dreg:$0x3];
	s2 =	simm.s32 $0x0;
	s3 =	srdreg.scid  }
0x5: {  	[smem:$0x7FF] =	sst s2;
	s10 =	sand.u32 $0x1, s3  }
0x6: {  	s3 =	stileid.u32;
	s4 =	sadd.s32 $0x8C00, s6;
	s17 =	smul.u32 $0x2710, s10  }
0x7: {  	s5 =	sadd.s32 $0x2FE00, s6;
	_ =	strace $0x80000050;
	s7 =	smul.u32 $0x4E000, s3  }
0x8: {  	s8 =	ssub.s32 $0x2, s10;
	s11 =	smul.u32 $0x2700, s3;
	p0 =	seq.s32 s10, $0x1  }
0x9: {  	s19 =	sshll.u32 s3, $0x4;
	p1 =	sne.s32 s3, $0xF;
	p2 =	seq.s32 s3, $0xF  }
0xa: {  	s9 =	sshrl.u32 s8, $0x1;
	s18 =	sadd.s32 s17, s6;
	s6 =	sadd.s32 $0x57000, s6  }
0xb: {  	s7 =	sshrl.u32 s7, $0x2;
	s12 =	ssub.s32 s8, s9;
	s9 =	sadd.s32 $0x138000, s1  }
.Ltmp0:
0xc: {  	s10 =	sadd.s32 s5, s11;
	s17 =	sadd.s32 s17, s16;
	(pc) =	sbr.rel .LBB2_1-.Ltmp0, $4  }
0xd: {  	s7 =	sadd.s32 s7, s1;
	s11 =	sadd.s32 s6, s11;
	s12 =	smax.u32 s12, $0x1  }
0xe: {  	s18 =	sadd.s32 s19, s18;
	s17 =	sadd.s32 s19, s17;
	s19 =	simm.s32 $0x2  }
0xf: {  	s8 =	sadd.s32 $0x10000, s7;
	s13 =	sadd.s32 $0x4000, s7;
	s14 =	sadd.s32 $0x8000, s7  }
0x10: {  	v0 =	vimm.f32 $0.0e+00;
	s15 =	sadd.s32 $0xC000, s7;
	s16 =	sadd.s32 $0x3C00, s18;
	s18 =	simm.s32 $0x100  }
.LBB2_8:
0x11: {  	s21 =	sadd.s32 $0x27000, s21;
	s22 =	sshrl.u32 s9, $0x3  }
0x12: {  	[hbm:s21], [sflag:s20] =	dma.local [spmem:s22], $0x100  }
0x13: {  	_ =	swait.ge [sflag:s19], $0x100  }
0x14: {  	[sflag:s19] =	ssyncset.done $0x0  }
0x15: {  	[sflag:s19] =	ssyncadd.s32 $0xFFFFFF00  }
.LBB2_9:
0x16: {  	s2 =	sadd.s32 $0x1, s2  }
0x17: {  	p3 =	sne.s32 s2, s12  }
.Ltmp1:
0x18: {  	_ = 	snop;
	(pc) =	sbr.rel @!p3 .LBB2_10-.Ltmp1, $1  }
0x19: {  	_ =	sdelay $0x3  }
.LBB2_1:
0x1a: {  	s20 =	simm.s32 $0x0;
	s21 =	simm.s32 $0x200  }
.LBB2_2:
0x1b: {  	p3 =	sne.s32 s21, $0xFE00;
	[tilespmem:s20+$0x170] =	vst v0  }
0x1c: {  	[tilespmem:s20+$0x100] =	vst v0  }
0x1d: {  	[tilespmem:s20+$0x110] =	vst v0  }
.Ltmp2:
0x1e: {  	[tilespmem:s20+$0x120] =	vst v0;
	(pc) =	sbr.rel @p3 .LBB2_2-.Ltmp2, $4  }
0x1f: {  	[tilespmem:s20+$0x130] =	vst v0  }
0x20: {  	[tilespmem:s20+$0x140] =	vst v0  }
0x21: {  	[tilespmem:s20+$0x150] =	vst v0  }
0x22: {  	[tilespmem:s20+$0x160] =	vst v0;
	s20 =	sshra.s32 s21, $0x2;
	s21 =	sadd.s32 $0x200, s21  }
0x23: {  	[tilespmem:s20+$0x170] =	vst v0  }
0x24: {  	[tilespmem:s20+$0x100] =	vst v0  }
0x25: {  	[tilespmem:s20+$0x110] =	vst v0  }
0x26: {  	[tilespmem:s20+$0x120] =	vst v0  }
0x27: {  	[tilespmem:s20+$0x130] =	vst v0  }
0x28: {  	[tilespmem:s20+$0x140] =	vst v0  }
0x29: {  	[tilespmem:s20+$0x150] =	vst v0  }
0x2a: {  	[tilespmem:s20+$0x160] =	vst v0  }
0x2b: {  	[spmem:s7] =	stream.linear.scatter [tilespmem:s18], [sflag:$0x2], $0x4000, $0x38;
	[tilespmem:$0x17980] =	vst v63  }
0x2c: {  	_ =	swait.ge [sflag:s19], $0x4000  }
0x2d: {  	[sflag:s19] =	ssyncset.done $0x0  }
0x2e: {  	[sflag:s19] =	ssyncadd.s32 $0xFFFFC000  }
0x2f: {  	[spmem:s13] =	stream.linear.scatter [tilespmem:s18], [sflag:$0x2], $0x4000, $0x38;
	[tilespmem:$0x17980] =	vst v63  }
0x30: {  	_ =	swait.ge [sflag:s19], $0x4000  }
0x31: {  	[sflag:s19] =	ssyncset.done $0x0  }
0x32: {  	[sflag:s19] =	ssyncadd.s32 $0xFFFFC000  }
0x33: {  	[spmem:s14] =	stream.linear.scatter [tilespmem:s18], [sflag:$0x2], $0x4000, $0x38;
	[tilespmem:$0x17980] =	vst v63  }
0x34: {  	_ =	swait.ge [sflag:s19], $0x4000  }
0x35: {  	[sflag:s19] =	ssyncset.done $0x0  }
0x36: {  	[sflag:s19] =	ssyncadd.s32 $0xFFFFC000  }
0x37: {  	[spmem:s15] =	stream.linear.scatter [tilespmem:s18], [sflag:$0x2], $0x4000, $0x38;
	[tilespmem:$0x17980] =	vst v63  }
0x38: {  	_ =	swait.ge [sflag:s19], $0x4000  }
0x39: {  	[sflag:s19] =	ssyncset.done $0x0  }
0x3a: {  	[sflag:s19] =	ssyncadd.s32 $0xFFFFC000  }
0x3b: {  	[spmem:s8] =	stream.linear.scatter [tilespmem:s18], [sflag:$0x2], $0x3800, $0x38;
	[tilespmem:$0x17980] =	vst v63  }
0x3c: {  	_ =	swait.ge [sflag:s19], $0x3800  }
0x3d: {  	[sflag:s19] =	ssyncset.done $0x0  }
0x3e: {  	s20 =	simm.s32 @!p1 $0x100;
	[sflag:s19] =	ssyncadd.s32 $0xFFFFC800  }
0x3f: {  	[spmem:s9] =	stream.linear.scatter @!p1 [tilespmem:s20], [sflag:$0x2], $0x800, $0x38;
	[tilespmem:$0x17980] =	vst v63  }
0x40: {  	s20 =	simm.s32 @!p1 $0x2  }
0x41: {  	_ =	swait.ge @!p1 [sflag:s20], $0x800  }
0x42: {  	p3 =	sgt.u32 s3, $0x270;
	[sflag:s20] =	ssyncset.done @!p1 $0x0  }
0x43: {  	s21 =	simm.s32 @!p3 $0x0;
	[sflag:s20] =	ssyncadd.s32 @!p1 $0xFFFFF800  }
0x44: {  	s22 =	simm.s32 @!p3 $0x3;
	s20 =	sadd.s32 @!p3 $0x0, s17;
	[bflag:$0x0] =	sbarrier.arrive $0xFFFF  }
0x45: {  	[tilespmem:s21], [sflag:$0x3] =	stream.linear.gather @!p3 [hbm4b:s20+s21], $0x80, $0x38;
	[tilespmem:$0x17980] =	vst v63  }
0x46: {  	_ =	swait.ge @!p3 [sflag:s22], $0x80;
	p3 =	por p3, p3  }
0x47: {  	[sflag:s22] =	ssyncset.done @!p3 $0x0  }
0x48: {  	s20 =	sadd.s32 @!p3 $0x0, s16;
	s23 =	simm.s32 @!p3 $0x80;
	[sflag:s22] =	ssyncadd.s32 @!p3 $0xFFFFFF80  }
0x49: {  	[tilespmem:s23], [sflag:$0x3] =	stream.linear.gather @!p3 [hbm4b:s20+s21], $0x80, $0x38;
	[tilespmem:$0x17980] =	vst v63  }
0x4a: {  	_ =	swait.ge @!p3 [sflag:s22], $0x80  }
0x4b: {  	[sflag:s22] =	ssyncset.done @!p3 $0x0  }
0x4c: {  	s20 =	simm.s32 @!p3 $0x100;
	[sflag:s22] =	ssyncadd.s32 @!p3 $0xFFFFFF80;
	s22 =	simm.s32 @!p3 $0x1  }
0x4d: {  	[tilespmem:s20], [sflag:$0x1] =	stream.indirect.gather @!p3 [hbm4b:s4+s23], $0x80, s21, s23, $0xb8;
	[tilespmem:$0x17980] =	vst v63  }
0x4e: {  	_ =	swait.ge @!p3 [sflag:s22], $0x4000  }
0x4f: {  	[sflag:s22] =	ssyncset.done @!p3 $0x0  }
0x50: {  	s21 =	sadd.s32 $0x10, s3;
	[sflag:s22] =	ssyncadd.s32 @!p3 $0xFFFFC000  }
0x51: {  	[spmem:s1] =	stream.indirect.scatter.add.f32 @!p3 [tilespmem:s20], [sflag:$0x2], $0x80, s23, s23, $0xb8;
	[tilespmem:$0x17980] =	vst v63  }
0x52: {  	p5 =	sgt.u32 s21, $0x270;
	s23 =	simm.s32 @!p3 $0x2  }
0x53: {  	s22 =	simm.s32 $0x200;
	s20 =	simm.s32 $0x100;
	_ =	swait.ge @!p3 [sflag:s23], $0x4000  }
.LBB2_4:
0x54: {  	s24 =	sadd.s32 @!p5 s20, s17  }
0x55: {  	s25 =	simm.s32 @!p5 $0x0;
	[sflag:s23] =	ssyncset.done @!p3 $0x0;
	s26 =	smov.u32 s22  }
0x56: {  	s22 =	sadd.s32 $0x100, s22;
	s28 =	simm.s32 @!p5 $0x3;
	[sflag:s23] =	ssyncadd.s32 @!p3 $0xFFFFC000  }
0x57: {  	[tilespmem:s25], [sflag:$0x3] =	stream.linear.gather @!p5 [hbm4b:s24+s25], $0x80, $0x38;
	[tilespmem:$0x17980] =	vst v63  }
0x58: {  	p4 =	sne.s32 s22, $0x2800;
	p3 =	por p5, p5;
	_ =	swait.ge @!p5 [sflag:s28], $0x80  }
0x59: {  	[sflag:s28] =	ssyncset.done @!p3 $0x0  }
0x5a: {  	s20 =	sadd.s32 @!p3 s20, s16;
	s24 =	simm.s32 @!p3 $0x80;
	[sflag:s28] =	ssyncadd.s32 @!p3 $0xFFFFFF80  }
0x5b: {  	[tilespmem:s24], [sflag:$0x3] =	stream.linear.gather @!p3 [hbm4b:s20+s25], $0x80, $0x38;
	[tilespmem:$0x17980] =	vst v63  }
0x5c: {  	s20 =	smov.u32 s26;
	_ =	swait.ge @!p3 [sflag:s28], $0x80  }
0x5d: {  	[sflag:s28] =	ssyncset.done @!p3 $0x0  }
0x5e: {  	s23 =	simm.s32 @!p3 $0x1;
	s26 =	simm.s32 @!p3 $0x100;
	[sflag:s28] =	ssyncadd.s32 @!p3 $0xFFFFFF80  }
0x5f: {  	[tilespmem:s26], [sflag:$0x1] =	stream.indirect.gather @!p3 [hbm4b:s4+s24], $0x80, s25, s24, $0xb8;
	[tilespmem:$0x17980] =	vst v63  }
.Ltmp3:
0x60: {  	_ =	swait.ge @!p3 [sflag:s23], $0x4000;
	(pc) =	sbr.rel @p4 .LBB2_4-.Ltmp3, $4  }
0x61: {  	[sflag:s23] =	ssyncset.done @!p3 $0x0  }
0x62: {  	s21 =	sadd.s32 $0x10, s21;
	[sflag:s23] =	ssyncadd.s32 @!p3 $0xFFFFC000;
	s23 =	simm.s32 @!p3 $0x2  }
0x63: {  	[spmem:s1] =	stream.indirect.scatter.add.f32 @!p3 [tilespmem:s26], [sflag:$0x2], $0x80, s24, s24, $0xb8;
	[tilespmem:$0x17980] =	vst v63  }
0x64: {  	p5 =	sgt.u32 s21, $0x270;
	_ =	swait.ge @!p3 [sflag:s23], $0x4000  }
0x65: {  	s21 =	sadd.s32 @!p5 s20, s17;
	[sflag:s23] =	ssyncset.done @!p3 $0x0  }
0x66: {  	s22 =	simm.s32 @!p5 $0x0;
	s24 =	simm.s32 @!p5 $0x3;
	[sflag:s23] =	ssyncadd.s32 @!p3 $0xFFFFC000  }
0x67: {  	[tilespmem:s22], [sflag:$0x3] =	stream.linear.gather @!p5 [hbm4b:s21+s22], $0x80, $0x38;
	[tilespmem:$0x17980] =	vst v63  }
0x68: {  	p3 =	por p5, p5;
	_ =	swait.ge @!p5 [sflag:s24], $0x80  }
0x69: {  	[sflag:s24] =	ssyncset.done @!p3 $0x0  }
0x6a: {  	s20 =	sadd.s32 @!p3 s20, s16;
	s21 =	simm.s32 @!p3 $0x80;
	[sflag:s24] =	ssyncadd.s32 @!p3 $0xFFFFFF80  }
0x6b: {  	[tilespmem:s21], [sflag:$0x3] =	stream.linear.gather @!p3 [hbm4b:s20+s22], $0x80, $0x38;
	[tilespmem:$0x17980] =	vst v63  }
0x6c: {  	_ =	swait.ge @!p3 [sflag:s24], $0x80  }
0x6d: {  	[sflag:s24] =	ssyncset.done @!p3 $0x0  }
0x6e: {  	s23 =	simm.s32 @!p3 $0x1;
	s20 =	simm.s32 @!p3 $0x100;
	[sflag:s24] =	ssyncadd.s32 @!p3 $0xFFFFFF80  }
0x6f: {  	[tilespmem:s20], [sflag:$0x1] =	stream.indirect.gather @!p3 [hbm4b:s4+s21], $0x80, s22, s21, $0xb8;
	[tilespmem:$0x17980] =	vst v63  }
0x70: {  	_ =	swait.ge @!p3 [sflag:s23], $0x4000  }
0x71: {  	[sflag:s23] =	ssyncset.done @!p3 $0x0  }
0x72: {  	s22 =	simm.s32 @!p3 $0x2;
	[sflag:s23] =	ssyncadd.s32 @!p3 $0xFFFFC000  }
0x73: {  	[spmem:s1] =	stream.indirect.scatter.add.f32 @!p3 [tilespmem:s20], [sflag:$0x2], $0x80, s21, s21, $0xb8;
	[tilespmem:$0x17980] =	vst v63  }
.Ltmp4:
0x74: {  	_ =	swait.ge @!p3 [sflag:s22], $0x4000;
	(pc) =	sbr.rel @!p0 .LBB2_6-.Ltmp4, $4  }
0x75: {  	[sflag:s22] =	ssyncset.done @!p3 $0x0  }
0x76: {  	[sflag:s22] =	ssyncadd.s32 @!p3 $0xFFFFC000  }
0x77: {  	s22 =	sshll.u32 s3, $0x6;
	[bflag:$0x0] =	sbarrier.arrive $0xFFFF  }
0x78: {  	s21 =	sshrl.u32 s7, $0x3;
	s20 =	sor.u32 $0x1C02, s22  }
0x79: {  	s20 =	sor.u32 $0x1C02, s22  }
0x7a: {  	[hbm:s11], [sflag:s20] =	dma.local [spmem:s21], $0x2700  }
.Ltmp5:
0x7b: {  	_ = 	snop;
	(pc) =	sbr.rel @p1 .LBB2_9-.Ltmp5, $4  }
.Ltmp6:
0x7c: {  	_ = 	snop;
	(pc) =	sbr.rel @!p1 .LBB2_8-.Ltmp6, $4  }
0x7d: {  	_ =	swait.ge [sflag:s19], $0x2700  }
0x7e: {  	[sflag:s19] =	ssyncset.done $0x0  }
0x7f: {  	s21 =	smov.u32 s6;
	[sflag:s19] =	ssyncadd.s32 $0xFFFFD900  }
0x80: {  	_ = 	snop  }
.LBB2_6:
0x81: {  	[hbm:s10], [sflag:s20] =	dma.local [spmem:s21], $0x2700  }
.Ltmp7:
0x82: {  	_ = 	snop;
	(pc) =	sbr.rel @p2 .LBB2_8-.Ltmp7, $4  }
.Ltmp8:
0x83: {  	_ = 	snop;
	(pc) =	sbr.rel @!p2 .LBB2_9-.Ltmp8, $4  }
0x84: {  	_ =	swait.ge [sflag:s19], $0x2700  }
0x85: {  	[sflag:s19] =	ssyncset.done $0x0  }
0x86: {  	s21 =	smov.u32 s5;
	[sflag:s19] =	ssyncadd.s32 $0xFFFFD900  }
0x87: {  	_ = 	snop  }
.LBB2_10:
0x88: {  	_ =	sfence.sel $0x180000  }
0x89: {  	[bflag:$0x0] =	sbarrier.arrive $0xFFFF  }
0x8a: {  	p0 =	sne.s32 s3, $0x0;
	_ =	strace $0x90000050  }
0x8b: {  	s0 =	sadd.s32 @!p0 $0x100000, s0;
	[bflag:$0x2] =	sbarrier.arrive $0xFFFF  }
0x8c: {  	[sflag:s0] =	ssyncadd.tile.s32 @!p0 $0x1;
	_ =	shalt  }
.Lfunc_end2:
_tile_overlayer_lowered:
.L_overlay_start_2:
0x8d: {  	(tag) =	ssettag $0x2  }
0x8e: {  	s0 =	rddreg [dreg:$0x0];
	s2 =	stileid.u32  }
0x8f: {  	s1 =	rddreg [dreg:$0x1];
	p0 =	sne.s32 s2, $0x0  }
0x90: {  	s3 =	rddreg [dreg:$0x2];
	[bflag:$0x3] =	sbarrier.arrive $0xFFFF;
	s2 =	simm.s32 @!p0 $0x1C02  }
0x91: {  	[timem:s3], [sflag:s2] =	dma.local @!p0 [hbm:s0], s1  }
0x92: {  	s0 =	simm.s32 @!p0 $0x2  }
0x93: {  	_ =	swait.ge @!p0 [sflag:s0], s1  }
0x94: {  	s1 =	ssub.s32 @!p0 $0x0, s1;
	[sflag:s0] =	ssyncset.done @!p0 $0x0  }
0x95: {  	[sflag:s0] =	ssyncadd.s32 @!p0 s1  }
0x96: {  	[bflag:$0x3] =	sbarrier.arrive $0xFFFF  }
0x97: {  	_ =	shalt  }

</sc_bundles>
